<compile_context>
chip_gen: v7x
topology: tpu7x:2x2x1
jax: 0.10.2.dev20260603
libtpu: 0.0.44.dev20260713+nightly
codegen_flags: <defaults>
</compile_context>

<pallas_src>
import functools

import jax
import jax.numpy as jnp
from jax import lax
from jax.experimental import pallas as pl
from jax.experimental.pallas import tpu as pltpu
from jax.experimental.pallas import tpu_sc as plsc

H = 4
Q = 128
K = 256
DB = 128
SIM_NB = 12
VAL_NB = 10
OUT_NB = 12

_NC = 2
_NS = 16
_HP = lax.Precision.HIGHEST


def _build_w(conn, n, off, nb):
    rows = conn.shape[0]
    iota = lax.broadcasted_iota(jnp.int32, (rows, n), 1)
    w = jnp.zeros((rows, n), jnp.float32)
    for b in range(nb):
        cb = conn[:, b:b + 1] - off
        w = w + jnp.where(cb == iota, float(2 ** b), 0.0)
    return w


def _pos16(n):
    col = lax.broadcasted_iota(jnp.int32, (n, 16), 1)
    row = lax.broadcasted_iota(jnp.int32, (n, 16), 0)
    shift = jnp.maximum(8 - col, 0)
    return jnp.where(col < 9, (row >> shift) & 1, 0).astype(jnp.float32)


def _addr_body(dec_ref, enc_ref, csim_ref, cval_ref, asim_ref, aval_ref):
    dec = dec_ref[...].astype(jnp.float32)
    enc = enc_ref[...].astype(jnp.float32)
    csim = csim_ref[...].reshape(H, SIM_NB)
    cval = cval_ref[...].reshape(H * DB, VAL_NB)
    pos = _pos16(K)

    dn = (((1,), (1,)), ((), ()))
    enc_ext = jnp.concatenate([enc, pos], axis=1)
    wk = _build_w(csim, 144, 128, SIM_NB)
    wv = _build_w(cval, 144, 0, VAL_NB)
    wq = _build_w(csim, 128, 0, SIM_NB)
    w_all = jnp.concatenate([wk, wv], axis=0)
    akv = lax.dot_general(w_all, enc_ext, dn, precision=_HP)
    aq = lax.dot_general(wq, dec, dn, precision=_HP)
    asim_ref[...] = (aq[:, :, None] + akv[:H][:, None, :]).astype(jnp.int32)
    aval_ref[...] = akv[H:].astype(jnp.int32)


def _gather_body(asim, aval, tsim, tval, attn_out, valt_out,
                 tsim_v, tval_v, asim_v, aval_v, attn_v, val_v,
                 s1, s2, s3, s4):
    wid = lax.axis_index("s") * _NC + lax.axis_index("c")
    h = wid // 8
    g = wid % 8
    r0 = g * 16
    c1 = pltpu.async_copy(tsim.at[h, 0], tsim_v, s1)
    c2 = pltpu.async_copy(asim.at[h, pl.ds(r0, 16)], asim_v, s2)
    c3 = pltpu.async_copy(tval.at[h, pl.ds(r0, 16)], tval_v, s3)
    c4 = pltpu.async_copy(aval.at[h, pl.ds(r0, 16)], aval_v, s4)
    c1.wait()
    c2.wait()

    @plsc.parallel_loop(0, 16, unroll=2)
    def attn_row(qi):
        for kc in range(K // 16):
            idx = asim_v[qi, pl.ds(kc * 16, 16)]
            attn_v[qi, pl.ds(kc * 16, 16)] = plsc.load_gather(tsim_v, [idx])
    c5 = pltpu.async_copy(attn_v, attn_out.at[h, pl.ds(r0, 16)], s1)
    c3.wait()
    c4.wait()

    @plsc.parallel_loop(0, 16, unroll=2)
    def val_row(dl):
        ridx = jnp.full((16,), dl, jnp.int32)
        for kc in range(K // 16):
            cidx = aval_v[dl, pl.ds(kc * 16, 16)]
            val_v[dl, pl.ds(kc * 16, 16)] = plsc.load_gather(tval_v, [ridx, cidx])
    c5.wait()
    pltpu.sync_copy(val_v, valt_out.at[h, pl.ds(r0, 16)])


def _agg_body(attn_ref, valt_ref, cout_ref, aout_ref):
    attn = (attn_ref[...] > 0.5).astype(jnp.float32)
    valt = valt_ref[...]
    num = lax.dot_general(attn, valt, (((2,), (2,)), ((0,), (0,))),
                          preferred_element_type=jnp.float32)
    den = jnp.sum(attn, axis=2)
    agg = num / jnp.maximum(den, 1.0)[:, :, None]
    bits = (agg > 0.5).astype(jnp.float32)
    cout = cout_ref[...]
    dn = (((1,), (1,)), ((), ()))
    acc = jnp.zeros((Q, DB), jnp.float32)
    for h in range(H):
        wo_h = _build_w(cout, 128, h * 128, OUT_NB)
        acc = acc + lax.dot_general(bits[h], wo_h, dn, precision=_HP)
    dofs = lax.broadcasted_iota(jnp.int32, (Q, DB), 1) * (2 ** OUT_NB)
    aout_ref[...] = acc.astype(jnp.int32) + dofs


def _out_body(aout, tout_flat, out, aout_v, o_v, s1, s2):
    wid = lax.axis_index("s") * _NC + lax.axis_index("c")
    q0 = wid * 4
    pltpu.sync_copy(aout.at[pl.ds(q0, 4)], aout_v)
    handles = [pltpu.async_copy(tout_flat.at[aout_v.at[dl]], o_v.at[dl], s1)
               for dl in range(4)]
    for c in handles:
        c.wait()
    pltpu.sync_copy(o_v, out.at[pl.ds(q0, 4)])


def kernel(decoder_hidden, encoder_output, conn_sim, table_sim,
           conn_val, table_val, conn_out, table_out):
    dec = decoder_hidden.astype(jnp.int32)
    enc = encoder_output.astype(jnp.int32)
    csim = conn_sim.astype(jnp.int32)
    cval = conn_val.astype(jnp.int32)
    cout = conn_out.astype(jnp.int32)

    mesh = plsc.VectorSubcoreMesh(core_axis_name="c", subcore_axis_name="s")
    sc_params = pltpu.CompilerParams(needs_layout_passes=False,
                                     skip_device_barrier=True)

    asim, aval = pl.pallas_call(
        _addr_body,
        out_shape=(jax.ShapeDtypeStruct((H, Q, K), jnp.int32),
                   jax.ShapeDtypeStruct((H * DB, K), jnp.int32)),
    )(dec, enc, csim, cval)
    aval3 = aval.reshape(H, DB, K)

    gather = functools.partial(
        pl.kernel,
        mesh=mesh,
        compiler_params=sc_params,
        out_type=[jax.ShapeDtypeStruct((H, Q, K), jnp.float32),
                  jax.ShapeDtypeStruct((H, DB, K), jnp.float32)],
        scratch_types=[pltpu.VMEM((2 ** SIM_NB,), jnp.float32),
                       pltpu.VMEM((16, 2 ** VAL_NB), jnp.float32),
                       pltpu.VMEM((16, K), jnp.int32),
                       pltpu.VMEM((16, K), jnp.int32),
                       pltpu.VMEM((16, K), jnp.float32),
                       pltpu.VMEM((16, K), jnp.float32),
                       pltpu.SemaphoreType.DMA,
                       pltpu.SemaphoreType.DMA,
                       pltpu.SemaphoreType.DMA,
                       pltpu.SemaphoreType.DMA],
    )(_gather_body)
    attn, valt = gather(asim, aval3, table_sim, table_val)

    aout = pl.pallas_call(
        _agg_body,
        out_shape=jax.ShapeDtypeStruct((Q, DB), jnp.int32),
    )(attn, valt, cout)

    out_gather = functools.partial(
        pl.kernel,
        mesh=mesh,
        compiler_params=sc_params,
        out_type=jax.ShapeDtypeStruct((Q, DB), jnp.float32),
        scratch_types=[pltpu.VMEM((4, DB), jnp.int32),
                       pltpu.VMEM((4, DB), jnp.float32),
                       pltpu.SemaphoreType.DMA,
                       pltpu.SemaphoreType.DMA],
    )(_out_body)
    return out_gather(aout, table_out.reshape(-1))

# --- scband reference (transcript-rebuilt; emitter-appended) ---
"""Pipeline reference for scband-ramcross-attention-22832046146305 (READ-ONLY COPY).

The authoritative reference and input builder live on the scoring server;
editing this copy changes nothing except your own understanding.
"""

import jax, jax.numpy as jnp
import numpy as np

DEC_LEN = 128
ENC_LEN = 256
DEC_BITS = 128
ENC_BITS = 128
NUM_HEADS = 4
N_POS_BITS = 9  # max(256, 256).bit_length()
SIM_IN = DEC_BITS + ENC_BITS + N_POS_BITS  # 265
SIM_NB = 12  # min(265, 12)
VAL_IN = ENC_BITS + N_POS_BITS  # 137
VAL_NB = 10  # min(137, 10)
OUT_IN = NUM_HEADS * DEC_BITS  # 512
OUT_NB = 12  # min(512, 12)


def _pos_bits(n, nbits):
    # MSB-first binary position encoding, matching _encode_position
    j = jnp.arange(n)
    shifts = nbits - 1 - jnp.arange(nbits)
    return ((j[:, None] >> shifts[None, :]) & 1).astype(jnp.int32)


def _ram(bits, conn, table):
    # bits: [..., in_bits] binary int; conn: [N, nb] int indices; table: [N, 2**nb] float
    sel = bits[..., conn]  # [..., N, nb]
    powers = (2 ** jnp.arange(conn.shape[-1], dtype=jnp.int32))
    addr = jnp.sum(sel * powers, axis=-1)  # [..., N]
    n = table.shape[0]
    return table[jnp.arange(n), addr]  # [..., N]


def setup_inputs(seed: int = 0) -> dict:
    key = jax.random.key(seed)
    ks = jax.random.split(key, 8)
    decoder_hidden = jax.random.randint(ks[0], (DEC_LEN, DEC_BITS), 0, 2).astype(jnp.int32)
    encoder_output = jax.random.randint(ks[1], (ENC_LEN, ENC_BITS), 0, 2).astype(jnp.int32)
    conn_sim = jax.random.randint(ks[2], (NUM_HEADS, 1, SIM_NB), 0, SIM_IN)
    table_sim = jax.random.uniform(ks[3], (NUM_HEADS, 1, 2 ** SIM_NB), dtype=jnp.float32)
    conn_val = jax.random.randint(ks[4], (NUM_HEADS, DEC_BITS, VAL_NB), 0, VAL_IN)
    table_val = jax.random.uniform(ks[5], (NUM_HEADS, DEC_BITS, 2 ** VAL_NB), dtype=jnp.float32)
    conn_out = jax.random.randint(ks[6], (DEC_BITS, OUT_NB), 0, OUT_IN)
    table_out = jax.random.uniform(ks[7], (DEC_BITS, 2 ** OUT_NB), dtype=jnp.float32)
    return {"decoder_hidden": decoder_hidden, "encoder_output": encoder_output,
            "conn_sim": conn_sim, "table_sim": table_sim,
            "conn_val": conn_val, "table_val": table_val,
            "conn_out": conn_out, "table_out": table_out}


def reference(decoder_hidden, encoder_output, conn_sim, table_sim, conn_val, table_val, conn_out, table_out):
    pos = _pos_bits(ENC_LEN, N_POS_BITS)  # [K, 9]
    kb = jnp.concatenate([encoder_output, pos], axis=1)  # [K, ENC_BITS + 9]
    # similarity inputs: cat(q_i, k_j, pos_j) for all (i, j)
    x = jnp.concatenate([
        jnp.broadcast_to(decoder_hidden[:, None, :], (DEC_LEN, ENC_LEN, DEC_BITS)),
        jnp.broadcast_to(kb[None, :, :], (DEC_LEN, ENC_LEN, ENC_BITS + N_POS_BITS)),
    ], axis=-1)  # [Q, K, SIM_IN]
    # per-head binary attention pattern (RAM similarity neuron -> bit)
    attn = jax.vmap(lambda c, t: _ram(x, c, t))(conn_sim, table_sim)[..., 0]  # [H, Q, K]
    attn = (attn > 0.5).astype(jnp.float32)
    # per-head value projection of encoder tokens (+ position bits)
    val = jax.vmap(lambda c, t: _ram(kb, c, t))(conn_val, table_val)  # [H, K, DEC_BITS]
    # RAM aggregator: majority / mean over attended encoder values, zeros if none attended
    num = jnp.einsum('hqk,hkd->hqd', attn, val)
    den = jnp.maximum(attn.sum(-1), 1.0)[..., None]
    agg = num / den  # [H, Q, DEC_BITS]
    agg_bits = (agg > 0.5).astype(jnp.int32)
    # combine heads and apply output RAM layer
    combined = jnp.transpose(agg_bits, (1, 0, 2)).reshape(DEC_LEN, NUM_HEADS * DEC_BITS)
    out = _ram(combined, conn_out, table_out)  # [Q, DEC_BITS]
    return out

if __name__ == "__main__":
    import jax
    _d = setup_inputs()
    print(jax.jit(kernel)(*tuple(_d.values())))

</pallas_src>

<mosaic_0001>
#map = affine_map<(d0, d1) -> (0, 0, 0)>
module attributes {stable_mosaic.version = 14 : i64} {
  func.func @_gather_body(%arg0: i32, %arg1: i32, %arg2: memref<4x128x256xi32, #tpu.memory_space<hbm>>, %arg3: memref<4x128x256xi32, #tpu.memory_space<hbm>>, %arg4: memref<4x1x4096xf32, #tpu.memory_space<hbm>>, %arg5: memref<4x128x1024xf32, #tpu.memory_space<hbm>>, %arg6: memref<4x128x256xf32, #tpu.memory_space<hbm>>, %arg7: memref<4x128x256xf32, #tpu.memory_space<hbm>>, %arg8: memref<4096xf32, #tpu.memory_space<vmem>>, %arg9: memref<16x1024xf32, #tpu.memory_space<vmem>>, %arg10: memref<16x256xi32, #tpu.memory_space<vmem>>, %arg11: memref<16x256xi32, #tpu.memory_space<vmem>>, %arg12: memref<16x256xf32, #tpu.memory_space<vmem>>, %arg13: memref<16x256xf32, #tpu.memory_space<vmem>>, %arg14: memref<!tpu.dma_semaphore, #tpu.memory_space<semaphore_mem>>, %arg15: memref<!tpu.dma_semaphore, #tpu.memory_space<semaphore_mem>>, %arg16: memref<!tpu.dma_semaphore, #tpu.memory_space<semaphore_mem>>, %arg17: memref<!tpu.dma_semaphore, #tpu.memory_space<semaphore_mem>>) attributes {dimension_semantics = [#tpu.dimension_semantics<core_parallel>, #tpu.dimension_semantics<subcore_parallel>], iteration_bounds = array<i64: 2, 16>, scalar_prefetch = 0 : i64, scratch_operands = 10 : i64, tpu.core_type = #tpu.core_type<sc_vector_subcore>, window_params = [{transform_indices = #map}, {transform_indices = #map}, {transform_indices = #map}, {transform_indices = #map}, {transform_indices = #map}, {transform_indices = #map}]} {
    %mul3A = arith.constant 2 : i32
    %mul3A_0 = arith.muli %arg1, %mul3A : i32
    %add3A = arith.addi %mul3A_0, %arg0 : i32
    %jit3A = arith.constant 8 : i32
    %div3A = arith.divsi %add3A, %jit3A : i32
    %sign3A = arith.constant 0 : i32
    %sign3A_1 = arith.cmpi sgt, %add3A, %sign3A : i32
    %sign3A_2 = arith.extui %sign3A_1 : i1 to i32
    %sign3A_3 = arith.constant 0 : i32
    %sign3A_4 = arith.cmpi slt, %add3A, %sign3A_3 : i32
    %sign3A_5 = arith.extui %sign3A_4 : i1 to i32
    %sign3A_6 = arith.subi %sign3A_2, %sign3A_5 : i32
    %sign3A_7 = arith.constant 0 : i32
    %sign3A_8 = arith.cmpi sgt, %jit3A, %sign3A_7 : i32
    %sign3A_9 = arith.extui %sign3A_8 : i1 to i32
    %sign3A_10 = arith.constant 0 : i32
    %sign3A_11 = arith.cmpi slt, %jit3A, %sign3A_10 : i32
    %sign3A_12 = arith.extui %sign3A_11 : i1 to i32
    %sign3A_13 = arith.subi %sign3A_9, %sign3A_12 : i32
    %ne3A = arith.cmpi ne, %sign3A_6, %sign3A_13 : i32
    %rem3A = arith.remsi %add3A, %jit3A : i32
    %ne3A_14 = arith.constant 0 : i32
    %ne3A_15 = arith.cmpi ne, %rem3A, %ne3A_14 : i32
    %and3A = arith.andi %ne3A, %ne3A_15 : i1
    %sub3A = arith.constant 1 : i32
    %sub3A_16 = arith.subi %div3A, %sub3A : i32
    %select_n3A = arith.select %and3A, %sub3A_16, %div3A : i32
    %jit3A_17 = arith.constant 8 : i32
    %eq3A = arith.constant 0 : i32
    %eq3A_18 = arith.cmpi eq, %jit3A_17, %eq3A : i32
    %jit3A_19 = arith.constant 1 : i32
    %select_n3A_20 = arith.select %eq3A_18, %jit3A_19, %jit3A_17 : i32
    %rem3A_21 = arith.remsi %add3A, %select_n3A_20 : i32
    %ne3A_22 = arith.constant 0 : i32
    %ne3A_23 = arith.cmpi ne, %rem3A_21, %ne3A_22 : i32
    %lt3A = arith.constant 0 : i32
    %lt3A_24 = arith.cmpi slt, %rem3A_21, %lt3A : i32
    %lt3A_25 = arith.constant 0 : i32
    %lt3A_26 = arith.cmpi slt, %select_n3A_20, %lt3A_25 : i32
    %ne3A_27 = arith.xori %lt3A_24, %lt3A_26 : i1
    %and3A_28 = arith.andi %ne3A_27, %ne3A_23 : i1
    %add3A_29 = arith.addi %rem3A_21, %select_n3A_20 : i32
    %select_n3A_30 = arith.select %and3A_28, %add3A_29, %rem3A_21 : i32
    %mul3A_31 = arith.constant 16 : i32
    %mul3A_32 = arith.muli %select_n3A_30, %mul3A_31 : i32
    %dma_start3A = arith.constant 0 : i32
    %dma_start3A_33 = arith.constant 0 : i32
    %dma_start3A_34 = tpu.memref_slice %arg4[%select_n3A, %dma_start3A, %dma_start3A_33] : memref<4x1x4096xf32, #tpu.memory_space<hbm>> -> memref<1x1x4096xf32, #tpu.memory_space<hbm>>
    %dma_start3A_35 = tpu.memref_squeeze %dma_start3A_34 : memref<1x1x4096xf32, #tpu.memory_space<hbm>> -> memref<4096xf32, #tpu.memory_space<hbm>>
    %dma_start3A_36 = arith.constant 0 : i32
    %dma_start3A_37 = tpu.memref_slice %arg4[%select_n3A, %dma_start3A, %dma_start3A_36] : memref<4x1x4096xf32, #tpu.memory_space<hbm>> -> memref<1x1x4096xf32, #tpu.memory_space<hbm>>
    %dma_start3A_38 = tpu.memref_squeeze %dma_start3A_37 : memref<1x1x4096xf32, #tpu.memory_space<hbm>> -> memref<4096xf32, #tpu.memory_space<hbm>>
    tpu.enqueue_dma source(%dma_start3A_38 : memref<4096xf32, #tpu.memory_space<hbm>>) target(%arg8 : memref<4096xf32, #tpu.memory_space<vmem>>) target_semaphore(%arg14 : memref<!tpu.dma_semaphore, #tpu.memory_space<semaphore_mem>>)
    %dma_start3A_39 = arith.constant 0 : i32
    %dma_start3A_40 = tpu.memref_slice %arg2[%select_n3A, %mul3A_32, %dma_start3A_39] : memref<4x128x256xi32, #tpu.memory_space<hbm>> -> memref<1x16x256xi32, #tpu.memory_space<hbm>>
    %dma_start3A_41 = tpu.memref_squeeze %dma_start3A_40 : memref<1x16x256xi32, #tpu.memory_space<hbm>> -> memref<16x256xi32, #tpu.memory_space<hbm>>
    %dma_start3A_42 = arith.constant 0 : i32
    %dma_start3A_43 = tpu.memref_slice %arg2[%select_n3A, %mul3A_32, %dma_start3A_42] : memref<4x128x256xi32, #tpu.memory_space<hbm>> -> memref<1x16x256xi32, #tpu.memory_space<hbm>>
    %dma_start3A_44 = tpu.memref_squeeze %dma_start3A_43 : memref<1x16x256xi32, #tpu.memory_space<hbm>> -> memref<16x256xi32, #tpu.memory_space<hbm>>
    tpu.enqueue_dma source(%dma_start3A_44 : memref<16x256xi32, #tpu.memory_space<hbm>>) target(%arg10 : memref<16x256xi32, #tpu.memory_space<vmem>>) target_semaphore(%arg15 : memref<!tpu.dma_semaphore, #tpu.memory_space<semaphore_mem>>)
    %dma_start3A_45 = arith.constant 0 : i32
    %dma_start3A_46 = tpu.memref_slice %arg5[%select_n3A, %mul3A_32, %dma_start3A_45] : memref<4x128x1024xf32, #tpu.memory_space<hbm>> -> memref<1x16x1024xf32, #tpu.memory_space<hbm>>
    %dma_start3A_47 = tpu.memref_squeeze %dma_start3A_46 : memref<1x16x1024xf32, #tpu.memory_space<hbm>> -> memref<16x1024xf32, #tpu.memory_space<hbm>>
    %dma_start3A_48 = arith.constant 0 : i32
    %dma_start3A_49 = tpu.memref_slice %arg5[%select_n3A, %mul3A_32, %dma_start3A_48] : memref<4x128x1024xf32, #tpu.memory_space<hbm>> -> memref<1x16x1024xf32, #tpu.memory_space<hbm>>
    %dma_start3A_50 = tpu.memref_squeeze %dma_start3A_49 : memref<1x16x1024xf32, #tpu.memory_space<hbm>> -> memref<16x1024xf32, #tpu.memory_space<hbm>>
    tpu.enqueue_dma source(%dma_start3A_50 : memref<16x1024xf32, #tpu.memory_space<hbm>>) target(%arg9 : memref<16x1024xf32, #tpu.memory_space<vmem>>) target_semaphore(%arg16 : memref<!tpu.dma_semaphore, #tpu.memory_space<semaphore_mem>>)
    %dma_start3A_51 = arith.constant 0 : i32
    %dma_start3A_52 = tpu.memref_slice %arg3[%select_n3A, %mul3A_32, %dma_start3A_51] : memref<4x128x256xi32, #tpu.memory_space<hbm>> -> memref<1x16x256xi32, #tpu.memory_space<hbm>>
    %dma_start3A_53 = tpu.memref_squeeze %dma_start3A_52 : memref<1x16x256xi32, #tpu.memory_space<hbm>> -> memref<16x256xi32, #tpu.memory_space<hbm>>
    %dma_start3A_54 = arith.constant 0 : i32
    %dma_start3A_55 = tpu.memref_slice %arg3[%select_n3A, %mul3A_32, %dma_start3A_54] : memref<4x128x256xi32, #tpu.memory_space<hbm>> -> memref<1x16x256xi32, #tpu.memory_space<hbm>>
    %dma_start3A_56 = tpu.memref_squeeze %dma_start3A_55 : memref<1x16x256xi32, #tpu.memory_space<hbm>> -> memref<16x256xi32, #tpu.memory_space<hbm>>
    tpu.enqueue_dma source(%dma_start3A_56 : memref<16x256xi32, #tpu.memory_space<hbm>>) target(%arg11 : memref<16x256xi32, #tpu.memory_space<vmem>>) target_semaphore(%arg17 : memref<!tpu.dma_semaphore, #tpu.memory_space<semaphore_mem>>)
    %dma_wait3A = arith.constant 0 : i32
    %dma_wait3A_57 = arith.constant 0 : i32
    %dma_wait3A_58 = tpu.memref_slice %arg4[%select_n3A, %dma_wait3A, %dma_wait3A_57] : memref<4x1x4096xf32, #tpu.memory_space<hbm>> -> memref<1x1x4096xf32, #tpu.memory_space<hbm>>
    %dma_wait3A_59 = tpu.memref_squeeze %dma_wait3A_58 : memref<1x1x4096xf32, #tpu.memory_space<hbm>> -> memref<4096xf32, #tpu.memory_space<hbm>>
    %dma_wait3A_60 = arith.constant 0 : i32
    %dma_wait3A_61 = tpu.memref_slice %arg4[%select_n3A, %dma_wait3A, %dma_wait3A_60] : memref<4x1x4096xf32, #tpu.memory_space<hbm>> -> memref<1x1x4096xf32, #tpu.memory_space<hbm>>
    %dma_wait3A_62 = tpu.memref_squeeze %dma_wait3A_61 : memref<1x1x4096xf32, #tpu.memory_space<hbm>> -> memref<4096xf32, #tpu.memory_space<hbm>>
    tpu.wait_dma2 semaphore(%arg14 : memref<!tpu.dma_semaphore, #tpu.memory_space<semaphore_mem>>) src(%dma_wait3A_62 : memref<4096xf32, #tpu.memory_space<hbm>>) dst(%arg8 : memref<4096xf32, #tpu.memory_space<vmem>>)
    %dma_wait3A_63 = arith.constant 0 : i32
    %dma_wait3A_64 = tpu.memref_slice %arg2[%select_n3A, %mul3A_32, %dma_wait3A_63] : memref<4x128x256xi32, #tpu.memory_space<hbm>> -> memref<1x16x256xi32, #tpu.memory_space<hbm>>
    %dma_wait3A_65 = tpu.memref_squeeze %dma_wait3A_64 : memref<1x16x256xi32, #tpu.memory_space<hbm>> -> memref<16x256xi32, #tpu.memory_space<hbm>>
    %dma_wait3A_66 = arith.constant 0 : i32
    %dma_wait3A_67 = tpu.memref_slice %arg2[%select_n3A, %mul3A_32, %dma_wait3A_66] : memref<4x128x256xi32, #tpu.memory_space<hbm>> -> memref<1x16x256xi32, #tpu.memory_space<hbm>>
    %dma_wait3A_68 = tpu.memref_squeeze %dma_wait3A_67 : memref<1x16x256xi32, #tpu.memory_space<hbm>> -> memref<16x256xi32, #tpu.memory_space<hbm>>
    tpu.wait_dma2 semaphore(%arg15 : memref<!tpu.dma_semaphore, #tpu.memory_space<semaphore_mem>>) src(%dma_wait3A_68 : memref<16x256xi32, #tpu.memory_space<hbm>>) dst(%arg10 : memref<16x256xi32, #tpu.memory_space<vmem>>)
    %parallel_loop3A = arith.constant 0 : i32
    %parallel_loop3A_69 = arith.constant 16 : i32
    %parallel_loop3A_70 = arith.constant 1 : i32
    scf.for %parallel_loop3A_98 = %parallel_loop3A to %parallel_loop3A_69 step %parallel_loop3A_70  : i32 {
      %parallel_loop3A_99 = arith.index_cast %parallel_loop3A_98 : i32 to index
      %parallel_loop3A_100 = arith.constant 0 : index
      %parallel_loop3A_101 = tpu.vector_load %arg10[%parallel_loop3A_99, %parallel_loop3A_100] {strides = array<i32>} : memref<16x256xi32, #tpu.memory_space<vmem>>, vector<16xi32>,
      %parallel_loop3A_102 = tpu.vector_load_idx %arg8[%parallel_loop3A_101] : memref<4096xf32, #tpu.memory_space<vmem>>[vector<16xi32>], vector<16xf32>,
      %parallel_loop3A_103 = arith.index_cast %parallel_loop3A_98 : i32 to index
      %parallel_loop3A_104 = arith.constant 0 : index
      %parallel_loop3A_105 = tpu.vector_load %arg12[%parallel_loop3A_103, %parallel_loop3A_104] {strides = array<i32>} : memref<16x256xf32, #tpu.memory_space<vmem>>, vector<16xf32>,
      tpu.vector_store %arg12[%parallel_loop3A_103, %parallel_loop3A_104], %parallel_loop3A_102 {strides = array<i32>} : memref<16x256xf32, #tpu.memory_space<vmem>>, vector<16xf32>,
      %parallel_loop3A_106 = arith.index_cast %parallel_loop3A_98 : i32 to index
      %parallel_loop3A_107 = arith.constant 16 : index
      %parallel_loop3A_108 = tpu.vector_load %arg10[%parallel_loop3A_106, %parallel_loop3A_107] {strides = array<i32>} : memref<16x256xi32, #tpu.memory_space<vmem>>, vector<16xi32>,
      %parallel_loop3A_109 = tpu.vector_load_idx %arg8[%parallel_loop3A_108] : memref<4096xf32, #tpu.memory_space<vmem>>[vector<16xi32>], vector<16xf32>,
      %parallel_loop3A_110 = arith.index_cast %parallel_loop3A_98 : i32 to index
      %parallel_loop3A_111 = arith.constant 16 : index
      %parallel_loop3A_112 = tpu.vector_load %arg12[%parallel_loop3A_110, %parallel_loop3A_111] {strides = array<i32>} : memref<16x256xf32, #tpu.memory_space<vmem>>, vector<16xf32>,
      tpu.vector_store %arg12[%parallel_loop3A_110, %parallel_loop3A_111], %parallel_loop3A_109 {strides = array<i32>} : memref<16x256xf32, #tpu.memory_space<vmem>>, vector<16xf32>,
      %parallel_loop3A_113 = arith.index_cast %parallel_loop3A_98 : i32 to index
      %parallel_loop3A_114 = arith.constant 32 : index
      %parallel_loop3A_115 = tpu.vector_load %arg10[%parallel_loop3A_113, %parallel_loop3A_114] {strides = array<i32>} : memref<16x256xi32, #tpu.memory_space<vmem>>, vector<16xi32>,
      %parallel_loop3A_116 = tpu.vector_load_idx %arg8[%parallel_loop3A_115] : memref<4096xf32, #tpu.memory_space<vmem>>[vector<16xi32>], vector<16xf32>,
      %parallel_loop3A_117 = arith.index_cast %parallel_loop3A_98 : i32 to index
      %parallel_loop3A_118 = arith.constant 32 : index
      %parallel_loop3A_119 = tpu.vector_load %arg12[%parallel_loop3A_117, %parallel_loop3A_118] {strides = array<i32>} : memref<16x256xf32, #tpu.memory_space<vmem>>, vector<16xf32>,
      tpu.vector_store %arg12[%parallel_loop3A_117, %parallel_loop3A_118], %parallel_loop3A_116 {strides = array<i32>} : memref<16x256xf32, #tpu.memory_space<vmem>>, vector<16xf32>,
      %parallel_loop3A_120 = arith.index_cast %parallel_loop3A_98 : i32 to index
      %parallel_loop3A_121 = arith.constant 48 : index
      %parallel_loop3A_122 = tpu.vector_load %arg10[%parallel_loop3A_120, %parallel_loop3A_121] {strides = array<i32>} : memref<16x256xi32, #tpu.memory_space<vmem>>, vector<16xi32>,
      %parallel_loop3A_123 = tpu.vector_load_idx %arg8[%parallel_loop3A_122] : memref<4096xf32, #tpu.memory_space<vmem>>[vector<16xi32>], vector<16xf32>,
      %parallel_loop3A_124 = arith.index_cast %parallel_loop3A_98 : i32 to index
      %parallel_loop3A_125 = arith.constant 48 : index
      %parallel_loop3A_126 = tpu.vector_load %arg12[%parallel_loop3A_124, %parallel_loop3A_125] {strides = array<i32>} : memref<16x256xf32, #tpu.memory_space<vmem>>, vector<16xf32>,
      tpu.vector_store %arg12[%parallel_loop3A_124, %parallel_loop3A_125], %parallel_loop3A_123 {strides = array<i32>} : memref<16x256xf32, #tpu.memory_space<vmem>>, vector<16xf32>,
      %parallel_loop3A_127 = arith.index_cast %parallel_loop3A_98 : i32 to index
      %parallel_loop3A_128 = arith.constant 64 : index
      %parallel_loop3A_129 = tpu.vector_load %arg10[%parallel_loop3A_127, %parallel_loop3A_128] {strides = array<i32>} : memref<16x256xi32, #tpu.memory_space<vmem>>, vector<16xi32>,
      %parallel_loop3A_130 = tpu.vector_load_idx %arg8[%parallel_loop3A_129] : memref<4096xf32, #tpu.memory_space<vmem>>[vector<16xi32>], vector<16xf32>,
      %parallel_loop3A_131 = arith.index_cast %parallel_loop3A_98 : i32 to index
      %parallel_loop3A_132 = arith.constant 64 : index
      %parallel_loop3A_133 = tpu.vector_load %arg12[%parallel_loop3A_131, %parallel_loop3A_132] {strides = array<i32>} : memref<16x256xf32, #tpu.memory_space<vmem>>, vector<16xf32>,
      tpu.vector_store %arg12[%parallel_loop3A_131, %parallel_loop3A_132], %parallel_loop3A_130 {strides = array<i32>} : memref<16x256xf32, #tpu.memory_space<vmem>>, vector<16xf32>,
      %parallel_loop3A_134 = arith.index_cast %parallel_loop3A_98 : i32 to index
      %parallel_loop3A_135 = arith.constant 80 : index
      %parallel_loop3A_136 = tpu.vector_load %arg10[%parallel_loop3A_134, %parallel_loop3A_135] {strides = array<i32>} : memref<16x256xi32, #tpu.memory_space<vmem>>, vector<16xi32>,
      %parallel_loop3A_137 = tpu.vector_load_idx %arg8[%parallel_loop3A_136] : memref<4096xf32, #tpu.memory_space<vmem>>[vector<16xi32>], vector<16xf32>,
      %parallel_loop3A_138 = arith.index_cast %parallel_loop3A_98 : i32 to index
      %parallel_loop3A_139 = arith.constant 80 : index
      %parallel_loop3A_140 = tpu.vector_load %arg12[%parallel_loop3A_138, %parallel_loop3A_139] {strides = array<i32>} : memref<16x256xf32, #tpu.memory_space<vmem>>, vector<16xf32>,
      tpu.vector_store %arg12[%parallel_loop3A_138, %parallel_loop3A_139], %parallel_loop3A_137 {strides = array<i32>} : memref<16x256xf32, #tpu.memory_space<vmem>>, vector<16xf32>,
      %parallel_loop3A_141 = arith.index_cast %parallel_loop3A_98 : i32 to index
      %parallel_loop3A_142 = arith.constant 96 : index
      %parallel_loop3A_143 = tpu.vector_load %arg10[%parallel_loop3A_141, %parallel_loop3A_142] {strides = array<i32>} : memref<16x256xi32, #tpu.memory_space<vmem>>, vector<16xi32>,
      %parallel_loop3A_144 = tpu.vector_load_idx %arg8[%parallel_loop3A_143] : memref<4096xf32, #tpu.memory_space<vmem>>[vector<16xi32>], vector<16xf32>,
      %parallel_loop3A_145 = arith.index_cast %parallel_loop3A_98 : i32 to index
      %parallel_loop3A_146 = arith.constant 96 : index
      %parallel_loop3A_147 = tpu.vector_load %arg12[%parallel_loop3A_145, %parallel_loop3A_146] {strides = array<i32>} : memref<16x256xf32, #tpu.memory_space<vmem>>, vector<16xf32>,
      tpu.vector_store %arg12[%parallel_loop3A_145, %parallel_loop3A_146], %parallel_loop3A_144 {strides = array<i32>} : memref<16x256xf32, #tpu.memory_space<vmem>>, vector<16xf32>,
      %parallel_loop3A_148 = arith.index_cast %parallel_loop3A_98 : i32 to index
      %parallel_loop3A_149 = arith.constant 112 : index
      %parallel_loop3A_150 = tpu.vector_load %arg10[%parallel_loop3A_148, %parallel_loop3A_149] {strides = array<i32>} : memref<16x256xi32, #tpu.memory_space<vmem>>, vector<16xi32>,
      %parallel_loop3A_151 = tpu.vector_load_idx %arg8[%parallel_loop3A_150] : memref<4096xf32, #tpu.memory_space<vmem>>[vector<16xi32>], vector<16xf32>,
      %parallel_loop3A_152 = arith.index_cast %parallel_loop3A_98 : i32 to index
      %parallel_loop3A_153 = arith.constant 112 : index
      %parallel_loop3A_154 = tpu.vector_load %arg12[%parallel_loop3A_152, %parallel_loop3A_153] {strides = array<i32>} : memref<16x256xf32, #tpu.memory_space<vmem>>, vector<16xf32>,
      tpu.vector_store %arg12[%parallel_loop3A_152, %parallel_loop3A_153], %parallel_loop3A_151 {strides = array<i32>} : memref<16x256xf32, #tpu.memory_space<vmem>>, vector<16xf32>,
      %parallel_loop3A_155 = arith.index_cast %parallel_loop3A_98 : i32 to index
      %parallel_loop3A_156 = arith.constant 128 : index
      %parallel_loop3A_157 = tpu.vector_load %arg10[%parallel_loop3A_155, %parallel_loop3A_156] {strides = array<i32>} : memref<16x256xi32, #tpu.memory_space<vmem>>, vector<16xi32>,
      %parallel_loop3A_158 = tpu.vector_load_idx %arg8[%parallel_loop3A_157] : memref<4096xf32, #tpu.memory_space<vmem>>[vector<16xi32>], vector<16xf32>,
      %parallel_loop3A_159 = arith.index_cast %parallel_loop3A_98 : i32 to index
      %parallel_loop3A_160 = arith.constant 128 : index
      %parallel_loop3A_161 = tpu.vector_load %arg12[%parallel_loop3A_159, %parallel_loop3A_160] {strides = array<i32>} : memref<16x256xf32, #tpu.memory_space<vmem>>, vector<16xf32>,
      tpu.vector_store %arg12[%parallel_loop3A_159, %parallel_loop3A_160], %parallel_loop3A_158 {strides = array<i32>} : memref<16x256xf32, #tpu.memory_space<vmem>>, vector<16xf32>,
      %parallel_loop3A_162 = arith.index_cast %parallel_loop3A_98 : i32 to index
      %parallel_loop3A_163 = arith.constant 144 : index
      %parallel_loop3A_164 = tpu.vector_load %arg10[%parallel_loop3A_162, %parallel_loop3A_163] {strides = array<i32>} : memref<16x256xi32, #tpu.memory_space<vmem>>, vector<16xi32>,
      %parallel_loop3A_165 = tpu.vector_load_idx %arg8[%parallel_loop3A_164] : memref<4096xf32, #tpu.memory_space<vmem>>[vector<16xi32>], vector<16xf32>,
      %parallel_loop3A_166 = arith.index_cast %parallel_loop3A_98 : i32 to index
      %parallel_loop3A_167 = arith.constant 144 : index
      %parallel_loop3A_168 = tpu.vector_load %arg12[%parallel_loop3A_166, %parallel_loop3A_167] {strides = array<i32>} : memref<16x256xf32, #tpu.memory_space<vmem>>, vector<16xf32>,
      tpu.vector_store %arg12[%parallel_loop3A_166, %parallel_loop3A_167], %parallel_loop3A_165 {strides = array<i32>} : memref<16x256xf32, #tpu.memory_space<vmem>>, vector<16xf32>,
      %parallel_loop3A_169 = arith.index_cast %parallel_loop3A_98 : i32 to index
      %parallel_loop3A_170 = arith.constant 160 : index
      %parallel_loop3A_171 = tpu.vector_load %arg10[%parallel_loop3A_169, %parallel_loop3A_170] {strides = array<i32>} : memref<16x256xi32, #tpu.memory_space<vmem>>, vector<16xi32>,
      %parallel_loop3A_172 = tpu.vector_load_idx %arg8[%parallel_loop3A_171] : memref<4096xf32, #tpu.memory_space<vmem>>[vector<16xi32>], vector<16xf32>,
      %parallel_loop3A_173 = arith.index_cast %parallel_loop3A_98 : i32 to index
      %parallel_loop3A_174 = arith.constant 160 : index
      %parallel_loop3A_175 = tpu.vector_load %arg12[%parallel_loop3A_173, %parallel_loop3A_174] {strides = array<i32>} : memref<16x256xf32, #tpu.memory_space<vmem>>, vector<16xf32>,
      tpu.vector_store %arg12[%parallel_loop3A_173, %parallel_loop3A_174], %parallel_loop3A_172 {strides = array<i32>} : memref<16x256xf32, #tpu.memory_space<vmem>>, vector<16xf32>,
      %parallel_loop3A_176 = arith.index_cast %parallel_loop3A_98 : i32 to index
      %parallel_loop3A_177 = arith.constant 176 : index
      %parallel_loop3A_178 = tpu.vector_load %arg10[%parallel_loop3A_176, %parallel_loop3A_177] {strides = array<i32>} : memref<16x256xi32, #tpu.memory_space<vmem>>, vector<16xi32>,
      %parallel_loop3A_179 = tpu.vector_load_idx %arg8[%parallel_loop3A_178] : memref<4096xf32, #tpu.memory_space<vmem>>[vector<16xi32>], vector<16xf32>,
      %parallel_loop3A_180 = arith.index_cast %parallel_loop3A_98 : i32 to index
      %parallel_loop3A_181 = arith.constant 176 : index
      %parallel_loop3A_182 = tpu.vector_load %arg12[%parallel_loop3A_180, %parallel_loop3A_181] {strides = array<i32>} : memref<16x256xf32, #tpu.memory_space<vmem>>, vector<16xf32>,
      tpu.vector_store %arg12[%parallel_loop3A_180, %parallel_loop3A_181], %parallel_loop3A_179 {strides = array<i32>} : memref<16x256xf32, #tpu.memory_space<vmem>>, vector<16xf32>,
      %parallel_loop3A_183 = arith.index_cast %parallel_loop3A_98 : i32 to index
      %parallel_loop3A_184 = arith.constant 192 : index
      %parallel_loop3A_185 = tpu.vector_load %arg10[%parallel_loop3A_183, %parallel_loop3A_184] {strides = array<i32>} : memref<16x256xi32, #tpu.memory_space<vmem>>, vector<16xi32>,
      %parallel_loop3A_186 = tpu.vector_load_idx %arg8[%parallel_loop3A_185] : memref<4096xf32, #tpu.memory_space<vmem>>[vector<16xi32>], vector<16xf32>,
      %parallel_loop3A_187 = arith.index_cast %parallel_loop3A_98 : i32 to index
      %parallel_loop3A_188 = arith.constant 192 : index
      %parallel_loop3A_189 = tpu.vector_load %arg12[%parallel_loop3A_187, %parallel_loop3A_188] {strides = array<i32>} : memref<16x256xf32, #tpu.memory_space<vmem>>, vector<16xf32>,
      tpu.vector_store %arg12[%parallel_loop3A_187, %parallel_loop3A_188], %parallel_loop3A_186 {strides = array<i32>} : memref<16x256xf32, #tpu.memory_space<vmem>>, vector<16xf32>,
      %parallel_loop3A_190 = arith.index_cast %parallel_loop3A_98 : i32 to index
      %parallel_loop3A_191 = arith.constant 208 : index
      %parallel_loop3A_192 = tpu.vector_load %arg10[%parallel_loop3A_190, %parallel_loop3A_191] {strides = array<i32>} : memref<16x256xi32, #tpu.memory_space<vmem>>, vector<16xi32>,
      %parallel_loop3A_193 = tpu.vector_load_idx %arg8[%parallel_loop3A_192] : memref<4096xf32, #tpu.memory_space<vmem>>[vector<16xi32>], vector<16xf32>,
      %parallel_loop3A_194 = arith.index_cast %parallel_loop3A_98 : i32 to index
      %parallel_loop3A_195 = arith.constant 208 : index
      %parallel_loop3A_196 = tpu.vector_load %arg12[%parallel_loop3A_194, %parallel_loop3A_195] {strides = array<i32>} : memref<16x256xf32, #tpu.memory_space<vmem>>, vector<16xf32>,
      tpu.vector_store %arg12[%parallel_loop3A_194, %parallel_loop3A_195], %parallel_loop3A_193 {strides = array<i32>} : memref<16x256xf32, #tpu.memory_space<vmem>>, vector<16xf32>,
      %parallel_loop3A_197 = arith.index_cast %parallel_loop3A_98 : i32 to index
      %parallel_loop3A_198 = arith.constant 224 : index
      %parallel_loop3A_199 = tpu.vector_load %arg10[%parallel_loop3A_197, %parallel_loop3A_198] {strides = array<i32>} : memref<16x256xi32, #tpu.memory_space<vmem>>, vector<16xi32>,
      %parallel_loop3A_200 = tpu.vector_load_idx %arg8[%parallel_loop3A_199] : memref<4096xf32, #tpu.memory_space<vmem>>[vector<16xi32>], vector<16xf32>,
      %parallel_loop3A_201 = arith.index_cast %parallel_loop3A_98 : i32 to index
      %parallel_loop3A_202 = arith.constant 224 : index
      %parallel_loop3A_203 = tpu.vector_load %arg12[%parallel_loop3A_201, %parallel_loop3A_202] {strides = array<i32>} : memref<16x256xf32, #tpu.memory_space<vmem>>, vector<16xf32>,
      tpu.vector_store %arg12[%parallel_loop3A_201, %parallel_loop3A_202], %parallel_loop3A_200 {strides = array<i32>} : memref<16x256xf32, #tpu.memory_space<vmem>>, vector<16xf32>,
      %parallel_loop3A_204 = arith.index_cast %parallel_loop3A_98 : i32 to index
      %parallel_loop3A_205 = arith.constant 240 : index
      %parallel_loop3A_206 = tpu.vector_load %arg10[%parallel_loop3A_204, %parallel_loop3A_205] {strides = array<i32>} : memref<16x256xi32, #tpu.memory_space<vmem>>, vector<16xi32>,
      %parallel_loop3A_207 = tpu.vector_load_idx %arg8[%parallel_loop3A_206] : memref<4096xf32, #tpu.memory_space<vmem>>[vector<16xi32>], vector<16xf32>,
      %parallel_loop3A_208 = arith.index_cast %parallel_loop3A_98 : i32 to index
      %parallel_loop3A_209 = arith.constant 240 : index
      %parallel_loop3A_210 = tpu.vector_load %arg12[%parallel_loop3A_208, %parallel_loop3A_209] {strides = array<i32>} : memref<16x256xf32, #tpu.memory_space<vmem>>, vector<16xf32>,
      tpu.vector_store %arg12[%parallel_loop3A_208, %parallel_loop3A_209], %parallel_loop3A_207 {strides = array<i32>} : memref<16x256xf32, #tpu.memory_space<vmem>>, vector<16xf32>,
    } {sc.loop_unroll_factor = 2 : i64, sc.parallel_access}
    %dma_start3A_71 = arith.constant 0 : i32
    %dma_start3A_72 = tpu.memref_slice %arg6[%select_n3A, %mul3A_32, %dma_start3A_71] : memref<4x128x256xf32, #tpu.memory_space<hbm>> -> memref<1x16x256xf32, #tpu.memory_space<hbm>>
    %dma_start3A_73 = tpu.memref_squeeze %dma_start3A_72 : memref<1x16x256xf32, #tpu.memory_space<hbm>> -> memref<16x256xf32, #tpu.memory_space<hbm>>
    %dma_start3A_74 = arith.constant 0 : i32
    %dma_start3A_75 = tpu.memref_slice %arg6[%select_n3A, %mul3A_32, %dma_start3A_74] : memref<4x128x256xf32, #tpu.memory_space<hbm>> -> memref<1x16x256xf32, #tpu.memory_space<hbm>>
    %dma_start3A_76 = tpu.memref_squeeze %dma_start3A_75 : memref<1x16x256xf32, #tpu.memory_space<hbm>> -> memref<16x256xf32, #tpu.memory_space<hbm>>
    tpu.enqueue_dma source(%arg12 : memref<16x256xf32, #tpu.memory_space<vmem>>) target(%dma_start3A_76 : memref<16x256xf32, #tpu.memory_space<hbm>>) target_semaphore(%arg14 : memref<!tpu.dma_semaphore, #tpu.memory_space<semaphore_mem>>)
    %dma_wait3A_77 = arith.constant 0 : i32
    %dma_wait3A_78 = tpu.memref_slice %arg5[%select_n3A, %mul3A_32, %dma_wait3A_77] : memref<4x128x1024xf32, #tpu.memory_space<hbm>> -> memref<1x16x1024xf32, #tpu.memory_space<hbm>>
    %dma_wait3A_79 = tpu.memref_squeeze %dma_wait3A_78 : memref<1x16x1024xf32, #tpu.memory_space<hbm>> -> memref<16x1024xf32, #tpu.memory_space<hbm>>
    %dma_wait3A_80 = arith.constant 0 : i32
    %dma_wait3A_81 = tpu.memref_slice %arg5[%select_n3A, %mul3A_32, %dma_wait3A_80] : memref<4x128x1024xf32, #tpu.memory_space<hbm>> -> memref<1x16x1024xf32, #tpu.memory_space<hbm>>
    %dma_wait3A_82 = tpu.memref_squeeze %dma_wait3A_81 : memref<1x16x1024xf32, #tpu.memory_space<hbm>> -> memref<16x1024xf32, #tpu.memory_space<hbm>>
    tpu.wait_dma2 semaphore(%arg16 : memref<!tpu.dma_semaphore, #tpu.memory_space<semaphore_mem>>) src(%dma_wait3A_82 : memref<16x1024xf32, #tpu.memory_space<hbm>>) dst(%arg9 : memref<16x1024xf32, #tpu.memory_space<vmem>>)
    %dma_wait3A_83 = arith.constant 0 : i32
    %dma_wait3A_84 = tpu.memref_slice %arg3[%select_n3A, %mul3A_32, %dma_wait3A_83] : memref<4x128x256xi32, #tpu.memory_space<hbm>> -> memref<1x16x256xi32, #tpu.memory_space<hbm>>
    %dma_wait3A_85 = tpu.memref_squeeze %dma_wait3A_84 : memref<1x16x256xi32, #tpu.memory_space<hbm>> -> memref<16x256xi32, #tpu.memory_space<hbm>>
    %dma_wait3A_86 = arith.constant 0 : i32
    %dma_wait3A_87 = tpu.memref_slice %arg3[%select_n3A, %mul3A_32, %dma_wait3A_86] : memref<4x128x256xi32, #tpu.memory_space<hbm>> -> memref<1x16x256xi32, #tpu.memory_space<hbm>>
    %dma_wait3A_88 = tpu.memref_squeeze %dma_wait3A_87 : memref<1x16x256xi32, #tpu.memory_space<hbm>> -> memref<16x256xi32, #tpu.memory_space<hbm>>
    tpu.wait_dma2 semaphore(%arg17 : memref<!tpu.dma_semaphore, #tpu.memory_space<semaphore_mem>>) src(%dma_wait3A_88 : memref<16x256xi32, #tpu.memory_space<hbm>>) dst(%arg11 : memref<16x256xi32, #tpu.memory_space<vmem>>)
    %parallel_loop3A_89 = arith.constant 0 : i32
    %parallel_loop3A_90 = arith.constant 16 : i32
    %parallel_loop3A_91 = arith.constant 1 : i32
    scf.for %parallel_loop3A_98 = %parallel_loop3A_89 to %parallel_loop3A_90 step %parallel_loop3A_91  : i32 {
      %parallel_loop3A_99 = vector.broadcast %parallel_loop3A_98 : i32 to vector<16xi32>
      %parallel_loop3A_100 = arith.index_cast %parallel_loop3A_98 : i32 to index
      %parallel_loop3A_101 = arith.constant 0 : index
      %parallel_loop3A_102 = tpu.vector_load %arg11[%parallel_loop3A_100, %parallel_loop3A_101] {strides = array<i32>} : memref<16x256xi32, #tpu.memory_space<vmem>>, vector<16xi32>,
      %parallel_loop3A_103 = tpu.vector_load_idx %arg9[%parallel_loop3A_99, %parallel_loop3A_102] : memref<16x1024xf32, #tpu.memory_space<vmem>>[vector<16xi32>, vector<16xi32>], vector<16xf32>,
      %parallel_loop3A_104 = arith.index_cast %parallel_loop3A_98 : i32 to index
      %parallel_loop3A_105 = arith.constant 0 : index
      %parallel_loop3A_106 = tpu.vector_load %arg13[%parallel_loop3A_104, %parallel_loop3A_105] {strides = array<i32>} : memref<16x256xf32, #tpu.memory_space<vmem>>, vector<16xf32>,
      tpu.vector_store %arg13[%parallel_loop3A_104, %parallel_loop3A_105], %parallel_loop3A_103 {strides = array<i32>} : memref<16x256xf32, #tpu.memory_space<vmem>>, vector<16xf32>,
      %parallel_loop3A_107 = arith.index_cast %parallel_loop3A_98 : i32 to index
      %parallel_loop3A_108 = arith.constant 16 : index
      %parallel_loop3A_109 = tpu.vector_load %arg11[%parallel_loop3A_107, %parallel_loop3A_108] {strides = array<i32>} : memref<16x256xi32, #tpu.memory_space<vmem>>, vector<16xi32>,
      %parallel_loop3A_110 = tpu.vector_load_idx %arg9[%parallel_loop3A_99, %parallel_loop3A_109] : memref<16x1024xf32, #tpu.memory_space<vmem>>[vector<16xi32>, vector<16xi32>], vector<16xf32>,
      %parallel_loop3A_111 = arith.index_cast %parallel_loop3A_98 : i32 to index
      %parallel_loop3A_112 = arith.constant 16 : index
      %parallel_loop3A_113 = tpu.vector_load %arg13[%parallel_loop3A_111, %parallel_loop3A_112] {strides = array<i32>} : memref<16x256xf32, #tpu.memory_space<vmem>>, vector<16xf32>,
      tpu.vector_store %arg13[%parallel_loop3A_111, %parallel_loop3A_112], %parallel_loop3A_110 {strides = array<i32>} : memref<16x256xf32, #tpu.memory_space<vmem>>, vector<16xf32>,
      %parallel_loop3A_114 = arith.index_cast %parallel_loop3A_98 : i32 to index
      %parallel_loop3A_115 = arith.constant 32 : index
      %parallel_loop3A_116 = tpu.vector_load %arg11[%parallel_loop3A_114, %parallel_loop3A_115] {strides = array<i32>} : memref<16x256xi32, #tpu.memory_space<vmem>>, vector<16xi32>,
      %parallel_loop3A_117 = tpu.vector_load_idx %arg9[%parallel_loop3A_99, %parallel_loop3A_116] : memref<16x1024xf32, #tpu.memory_space<vmem>>[vector<16xi32>, vector<16xi32>], vector<16xf32>,
      %parallel_loop3A_118 = arith.index_cast %parallel_loop3A_98 : i32 to index
      %parallel_loop3A_119 = arith.constant 32 : index
      %parallel_loop3A_120 = tpu.vector_load %arg13[%parallel_loop3A_118, %parallel_loop3A_119] {strides = array<i32>} : memref<16x256xf32, #tpu.memory_space<vmem>>, vector<16xf32>,
      tpu.vector_store %arg13[%parallel_loop3A_118, %parallel_loop3A_119], %parallel_loop3A_117 {strides = array<i32>} : memref<16x256xf32, #tpu.memory_space<vmem>>, vector<16xf32>,
      %parallel_loop3A_121 = arith.index_cast %parallel_loop3A_98 : i32 to index
      %parallel_loop3A_122 = arith.constant 48 : index
      %parallel_loop3A_123 = tpu.vector_load %arg11[%parallel_loop3A_121, %parallel_loop3A_122] {strides = array<i32>} : memref<16x256xi32, #tpu.memory_space<vmem>>, vector<16xi32>,
      %parallel_loop3A_124 = tpu.vector_load_idx %arg9[%parallel_loop3A_99, %parallel_loop3A_123] : memref<16x1024xf32, #tpu.memory_space<vmem>>[vector<16xi32>, vector<16xi32>], vector<16xf32>,
      %parallel_loop3A_125 = arith.index_cast %parallel_loop3A_98 : i32 to index
      %parallel_loop3A_126 = arith.constant 48 : index
      %parallel_loop3A_127 = tpu.vector_load %arg13[%parallel_loop3A_125, %parallel_loop3A_126] {strides = array<i32>} : memref<16x256xf32, #tpu.memory_space<vmem>>, vector<16xf32>,
      tpu.vector_store %arg13[%parallel_loop3A_125, %parallel_loop3A_126], %parallel_loop3A_124 {strides = array<i32>} : memref<16x256xf32, #tpu.memory_space<vmem>>, vector<16xf32>,
      %parallel_loop3A_128 = arith.index_cast %parallel_loop3A_98 : i32 to index
      %parallel_loop3A_129 = arith.constant 64 : index
      %parallel_loop3A_130 = tpu.vector_load %arg11[%parallel_loop3A_128, %parallel_loop3A_129] {strides = array<i32>} : memref<16x256xi32, #tpu.memory_space<vmem>>, vector<16xi32>,
      %parallel_loop3A_131 = tpu.vector_load_idx %arg9[%parallel_loop3A_99, %parallel_loop3A_130] : memref<16x1024xf32, #tpu.memory_space<vmem>>[vector<16xi32>, vector<16xi32>], vector<16xf32>,
      %parallel_loop3A_132 = arith.index_cast %parallel_loop3A_98 : i32 to index
      %parallel_loop3A_133 = arith.constant 64 : index
      %parallel_loop3A_134 = tpu.vector_load %arg13[%parallel_loop3A_132, %parallel_loop3A_133] {strides = array<i32>} : memref<16x256xf32, #tpu.memory_space<vmem>>, vector<16xf32>,
      tpu.vector_store %arg13[%parallel_loop3A_132, %parallel_loop3A_133], %parallel_loop3A_131 {strides = array<i32>} : memref<16x256xf32, #tpu.memory_space<vmem>>, vector<16xf32>,
      %parallel_loop3A_135 = arith.index_cast %parallel_loop3A_98 : i32 to index
      %parallel_loop3A_136 = arith.constant 80 : index
      %parallel_loop3A_137 = tpu.vector_load %arg11[%parallel_loop3A_135, %parallel_loop3A_136] {strides = array<i32>} : memref<16x256xi32, #tpu.memory_space<vmem>>, vector<16xi32>,
      %parallel_loop3A_138 = tpu.vector_load_idx %arg9[%parallel_loop3A_99, %parallel_loop3A_137] : memref<16x1024xf32, #tpu.memory_space<vmem>>[vector<16xi32>, vector<16xi32>], vector<16xf32>,
      %parallel_loop3A_139 = arith.index_cast %parallel_loop3A_98 : i32 to index
      %parallel_loop3A_140 = arith.constant 80 : index
      %parallel_loop3A_141 = tpu.vector_load %arg13[%parallel_loop3A_139, %parallel_loop3A_140] {strides = array<i32>} : memref<16x256xf32, #tpu.memory_space<vmem>>, vector<16xf32>,
      tpu.vector_store %arg13[%parallel_loop3A_139, %parallel_loop3A_140], %parallel_loop3A_138 {strides = array<i32>} : memref<16x256xf32, #tpu.memory_space<vmem>>, vector<16xf32>,
      %parallel_loop3A_142 = arith.index_cast %parallel_loop3A_98 : i32 to index
      %parallel_loop3A_143 = arith.constant 96 : index
      %parallel_loop3A_144 = tpu.vector_load %arg11[%parallel_loop3A_142, %parallel_loop3A_143] {strides = array<i32>} : memref<16x256xi32, #tpu.memory_space<vmem>>, vector<16xi32>,
      %parallel_loop3A_145 = tpu.vector_load_idx %arg9[%parallel_loop3A_99, %parallel_loop3A_144] : memref<16x1024xf32, #tpu.memory_space<vmem>>[vector<16xi32>, vector<16xi32>], vector<16xf32>,
      %parallel_loop3A_146 = arith.index_cast %parallel_loop3A_98 : i32 to index
      %parallel_loop3A_147 = arith.constant 96 : index
      %parallel_loop3A_148 = tpu.vector_load %arg13[%parallel_loop3A_146, %parallel_loop3A_147] {strides = array<i32>} : memref<16x256xf32, #tpu.memory_space<vmem>>, vector<16xf32>,
      tpu.vector_store %arg13[%parallel_loop3A_146, %parallel_loop3A_147], %parallel_loop3A_145 {strides = array<i32>} : memref<16x256xf32, #tpu.memory_space<vmem>>, vector<16xf32>,
      %parallel_loop3A_149 = arith.index_cast %parallel_loop3A_98 : i32 to index
      %parallel_loop3A_150 = arith.constant 112 : index
      %parallel_loop3A_151 = tpu.vector_load %arg11[%parallel_loop3A_149, %parallel_loop3A_150] {strides = array<i32>} : memref<16x256xi32, #tpu.memory_space<vmem>>, vector<16xi32>,
      %parallel_loop3A_152 = tpu.vector_load_idx %arg9[%parallel_loop3A_99, %parallel_loop3A_151] : memref<16x1024xf32, #tpu.memory_space<vmem>>[vector<16xi32>, vector<16xi32>], vector<16xf32>,
      %parallel_loop3A_153 = arith.index_cast %parallel_loop3A_98 : i32 to index
      %parallel_loop3A_154 = arith.constant 112 : index
      %parallel_loop3A_155 = tpu.vector_load %arg13[%parallel_loop3A_153, %parallel_loop3A_154] {strides = array<i32>} : memref<16x256xf32, #tpu.memory_space<vmem>>, vector<16xf32>,
      tpu.vector_store %arg13[%parallel_loop3A_153, %parallel_loop3A_154], %parallel_loop3A_152 {strides = array<i32>} : memref<16x256xf32, #tpu.memory_space<vmem>>, vector<16xf32>,
      %parallel_loop3A_156 = arith.index_cast %parallel_loop3A_98 : i32 to index
      %parallel_loop3A_157 = arith.constant 128 : index
      %parallel_loop3A_158 = tpu.vector_load %arg11[%parallel_loop3A_156, %parallel_loop3A_157] {strides = array<i32>} : memref<16x256xi32, #tpu.memory_space<vmem>>, vector<16xi32>,
      %parallel_loop3A_159 = tpu.vector_load_idx %arg9[%parallel_loop3A_99, %parallel_loop3A_158] : memref<16x1024xf32, #tpu.memory_space<vmem>>[vector<16xi32>, vector<16xi32>], vector<16xf32>,
      %parallel_loop3A_160 = arith.index_cast %parallel_loop3A_98 : i32 to index
      %parallel_loop3A_161 = arith.constant 128 : index
      %parallel_loop3A_162 = tpu.vector_load %arg13[%parallel_loop3A_160, %parallel_loop3A_161] {strides = array<i32>} : memref<16x256xf32, #tpu.memory_space<vmem>>, vector<16xf32>,
      tpu.vector_store %arg13[%parallel_loop3A_160, %parallel_loop3A_161], %parallel_loop3A_159 {strides = array<i32>} : memref<16x256xf32, #tpu.memory_space<vmem>>, vector<16xf32>,
      %parallel_loop3A_163 = arith.index_cast %parallel_loop3A_98 : i32 to index
      %parallel_loop3A_164 = arith.constant 144 : index
      %parallel_loop3A_165 = tpu.vector_load %arg11[%parallel_loop3A_163, %parallel_loop3A_164] {strides = array<i32>} : memref<16x256xi32, #tpu.memory_space<vmem>>, vector<16xi32>,
      %parallel_loop3A_166 = tpu.vector_load_idx %arg9[%parallel_loop3A_99, %parallel_loop3A_165] : memref<16x1024xf32, #tpu.memory_space<vmem>>[vector<16xi32>, vector<16xi32>], vector<16xf32>,
      %parallel_loop3A_167 = arith.index_cast %parallel_loop3A_98 : i32 to index
      %parallel_loop3A_168 = arith.constant 144 : index
      %parallel_loop3A_169 = tpu.vector_load %arg13[%parallel_loop3A_167, %parallel_loop3A_168] {strides = array<i32>} : memref<16x256xf32, #tpu.memory_space<vmem>>, vector<16xf32>,
      tpu.vector_store %arg13[%parallel_loop3A_167, %parallel_loop3A_168], %parallel_loop3A_166 {strides = array<i32>} : memref<16x256xf32, #tpu.memory_space<vmem>>, vector<16xf32>,
      %parallel_loop3A_170 = arith.index_cast %parallel_loop3A_98 : i32 to index
      %parallel_loop3A_171 = arith.constant 160 : index
      %parallel_loop3A_172 = tpu.vector_load %arg11[%parallel_loop3A_170, %parallel_loop3A_171] {strides = array<i32>} : memref<16x256xi32, #tpu.memory_space<vmem>>, vector<16xi32>,
      %parallel_loop3A_173 = tpu.vector_load_idx %arg9[%parallel_loop3A_99, %parallel_loop3A_172] : memref<16x1024xf32, #tpu.memory_space<vmem>>[vector<16xi32>, vector<16xi32>], vector<16xf32>,
      %parallel_loop3A_174 = arith.index_cast %parallel_loop3A_98 : i32 to index
      %parallel_loop3A_175 = arith.constant 160 : index
      %parallel_loop3A_176 = tpu.vector_load %arg13[%parallel_loop3A_174, %parallel_loop3A_175] {strides = array<i32>} : memref<16x256xf32, #tpu.memory_space<vmem>>, vector<16xf32>,
      tpu.vector_store %arg13[%parallel_loop3A_174, %parallel_loop3A_175], %parallel_loop3A_173 {strides = array<i32>} : memref<16x256xf32, #tpu.memory_space<vmem>>, vector<16xf32>,
      %parallel_loop3A_177 = arith.index_cast %parallel_loop3A_98 : i32 to index
      %parallel_loop3A_178 = arith.constant 176 : index
      %parallel_loop3A_179 = tpu.vector_load %arg11[%parallel_loop3A_177, %parallel_loop3A_178] {strides = array<i32>} : memref<16x256xi32, #tpu.memory_space<vmem>>, vector<16xi32>,
      %parallel_loop3A_180 = tpu.vector_load_idx %arg9[%parallel_loop3A_99, %parallel_loop3A_179] : memref<16x1024xf32, #tpu.memory_space<vmem>>[vector<16xi32>, vector<16xi32>], vector<16xf32>,
      %parallel_loop3A_181 = arith.index_cast %parallel_loop3A_98 : i32 to index
      %parallel_loop3A_182 = arith.constant 176 : index
      %parallel_loop3A_183 = tpu.vector_load %arg13[%parallel_loop3A_181, %parallel_loop3A_182] {strides = array<i32>} : memref<16x256xf32, #tpu.memory_space<vmem>>, vector<16xf32>,
      tpu.vector_store %arg13[%parallel_loop3A_181, %parallel_loop3A_182], %parallel_loop3A_180 {strides = array<i32>} : memref<16x256xf32, #tpu.memory_space<vmem>>, vector<16xf32>,
      %parallel_loop3A_184 = arith.index_cast %parallel_loop3A_98 : i32 to index
      %parallel_loop3A_185 = arith.constant 192 : index
      %parallel_loop3A_186 = tpu.vector_load %arg11[%parallel_loop3A_184, %parallel_loop3A_185] {strides = array<i32>} : memref<16x256xi32, #tpu.memory_space<vmem>>, vector<16xi32>,
      %parallel_loop3A_187 = tpu.vector_load_idx %arg9[%parallel_loop3A_99, %parallel_loop3A_186] : memref<16x1024xf32, #tpu.memory_space<vmem>>[vector<16xi32>, vector<16xi32>], vector<16xf32>,
      %parallel_loop3A_188 = arith.index_cast %parallel_loop3A_98 : i32 to index
      %parallel_loop3A_189 = arith.constant 192 : index
      %parallel_loop3A_190 = tpu.vector_load %arg13[%parallel_loop3A_188, %parallel_loop3A_189] {strides = array<i32>} : memref<16x256xf32, #tpu.memory_space<vmem>>, vector<16xf32>,
      tpu.vector_store %arg13[%parallel_loop3A_188, %parallel_loop3A_189], %parallel_loop3A_187 {strides = array<i32>} : memref<16x256xf32, #tpu.memory_space<vmem>>, vector<16xf32>,
      %parallel_loop3A_191 = arith.index_cast %parallel_loop3A_98 : i32 to index
      %parallel_loop3A_192 = arith.constant 208 : index
      %parallel_loop3A_193 = tpu.vector_load %arg11[%parallel_loop3A_191, %parallel_loop3A_192] {strides = array<i32>} : memref<16x256xi32, #tpu.memory_space<vmem>>, vector<16xi32>,
      %parallel_loop3A_194 = tpu.vector_load_idx %arg9[%parallel_loop3A_99, %parallel_loop3A_193] : memref<16x1024xf32, #tpu.memory_space<vmem>>[vector<16xi32>, vector<16xi32>], vector<16xf32>,
      %parallel_loop3A_195 = arith.index_cast %parallel_loop3A_98 : i32 to index
      %parallel_loop3A_196 = arith.constant 208 : index
      %parallel_loop3A_197 = tpu.vector_load %arg13[%parallel_loop3A_195, %parallel_loop3A_196] {strides = array<i32>} : memref<16x256xf32, #tpu.memory_space<vmem>>, vector<16xf32>,
      tpu.vector_store %arg13[%parallel_loop3A_195, %parallel_loop3A_196], %parallel_loop3A_194 {strides = array<i32>} : memref<16x256xf32, #tpu.memory_space<vmem>>, vector<16xf32>,
      %parallel_loop3A_198 = arith.index_cast %parallel_loop3A_98 : i32 to index
      %parallel_loop3A_199 = arith.constant 224 : index
      %parallel_loop3A_200 = tpu.vector_load %arg11[%parallel_loop3A_198, %parallel_loop3A_199] {strides = array<i32>} : memref<16x256xi32, #tpu.memory_space<vmem>>, vector<16xi32>,
      %parallel_loop3A_201 = tpu.vector_load_idx %arg9[%parallel_loop3A_99, %parallel_loop3A_200] : memref<16x1024xf32, #tpu.memory_space<vmem>>[vector<16xi32>, vector<16xi32>], vector<16xf32>,
      %parallel_loop3A_202 = arith.index_cast %parallel_loop3A_98 : i32 to index
      %parallel_loop3A_203 = arith.constant 224 : index
      %parallel_loop3A_204 = tpu.vector_load %arg13[%parallel_loop3A_202, %parallel_loop3A_203] {strides = array<i32>} : memref<16x256xf32, #tpu.memory_space<vmem>>, vector<16xf32>,
      tpu.vector_store %arg13[%parallel_loop3A_202, %parallel_loop3A_203], %parallel_loop3A_201 {strides = array<i32>} : memref<16x256xf32, #tpu.memory_space<vmem>>, vector<16xf32>,
      %parallel_loop3A_205 = arith.index_cast %parallel_loop3A_98 : i32 to index
      %parallel_loop3A_206 = arith.constant 240 : index
      %parallel_loop3A_207 = tpu.vector_load %arg11[%parallel_loop3A_205, %parallel_loop3A_206] {strides = array<i32>} : memref<16x256xi32, #tpu.memory_space<vmem>>, vector<16xi32>,
      %parallel_loop3A_208 = tpu.vector_load_idx %arg9[%parallel_loop3A_99, %parallel_loop3A_207] : memref<16x1024xf32, #tpu.memory_space<vmem>>[vector<16xi32>, vector<16xi32>], vector<16xf32>,
      %parallel_loop3A_209 = arith.index_cast %parallel_loop3A_98 : i32 to index
      %parallel_loop3A_210 = arith.constant 240 : index
      %parallel_loop3A_211 = tpu.vector_load %arg13[%parallel_loop3A_209, %parallel_loop3A_210] {strides = array<i32>} : memref<16x256xf32, #tpu.memory_space<vmem>>, vector<16xf32>,
      tpu.vector_store %arg13[%parallel_loop3A_209, %parallel_loop3A_210], %parallel_loop3A_208 {strides = array<i32>} : memref<16x256xf32, #tpu.memory_space<vmem>>, vector<16xf32>,
    } {sc.loop_unroll_factor = 2 : i64, sc.parallel_access}
    %dma_wait3A_92 = arith.constant 0 : i32
    %dma_wait3A_93 = tpu.memref_slice %arg6[%select_n3A, %mul3A_32, %dma_wait3A_92] : memref<4x128x256xf32, #tpu.memory_space<hbm>> -> memref<1x16x256xf32, #tpu.memory_space<hbm>>
    %dma_wait3A_94 = tpu.memref_squeeze %dma_wait3A_93 : memref<1x16x256xf32, #tpu.memory_space<hbm>> -> memref<16x256xf32, #tpu.memory_space<hbm>>
    %dma_wait3A_95 = arith.constant 0 : i32
    %dma_wait3A_96 = tpu.memref_slice %arg6[%select_n3A, %mul3A_32, %dma_wait3A_95] : memref<4x128x256xf32, #tpu.memory_space<hbm>> -> memref<1x16x256xf32, #tpu.memory_space<hbm>>
    %dma_wait3A_97 = tpu.memref_squeeze %dma_wait3A_96 : memref<1x16x256xf32, #tpu.memory_space<hbm>> -> memref<16x256xf32, #tpu.memory_space<hbm>>
    tpu.wait_dma2 semaphore(%arg14 : memref<!tpu.dma_semaphore, #tpu.memory_space<semaphore_mem>>) src(%arg12 : memref<16x256xf32, #tpu.memory_space<vmem>>) dst(%dma_wait3A_97 : memref<16x256xf32, #tpu.memory_space<hbm>>)
    "tpu.region"() ({
      %run_scoped3A = tpu.sem_alloc : memref<!tpu.dma_semaphore, #tpu.memory_space<semaphore_mem>>
      %dma_start3A_98 = arith.constant 0 : i32
      %dma_start3A_99 = tpu.memref_slice %arg7[%select_n3A, %mul3A_32, %dma_start3A_98] : memref<4x128x256xf32, #tpu.memory_space<hbm>> -> memref<1x16x256xf32, #tpu.memory_space<hbm>>
      %dma_start3A_100 = tpu.memref_squeeze %dma_start3A_99 : memref<1x16x256xf32, #tpu.memory_space<hbm>> -> memref<16x256xf32, #tpu.memory_space<hbm>>
      %dma_start3A_101 = arith.constant 0 : i32
      %dma_start3A_102 = tpu.memref_slice %arg7[%select_n3A, %mul3A_32, %dma_start3A_101] : memref<4x128x256xf32, #tpu.memory_space<hbm>> -> memref<1x16x256xf32, #tpu.memory_space<hbm>>
      %dma_start3A_103 = tpu.memref_squeeze %dma_start3A_102 : memref<1x16x256xf32, #tpu.memory_space<hbm>> -> memref<16x256xf32, #tpu.memory_space<hbm>>
      tpu.enqueue_dma source(%arg13 : memref<16x256xf32, #tpu.memory_space<vmem>>) target(%dma_start3A_103 : memref<16x256xf32, #tpu.memory_space<hbm>>) target_semaphore(%run_scoped3A : memref<!tpu.dma_semaphore, #tpu.memory_space<semaphore_mem>>)
      %dma_wait3A_104 = arith.constant 0 : i32
      %dma_wait3A_105 = tpu.memref_slice %arg7[%select_n3A, %mul3A_32, %dma_wait3A_104] : memref<4x128x256xf32, #tpu.memory_space<hbm>> -> memref<1x16x256xf32, #tpu.memory_space<hbm>>
      %dma_wait3A_106 = tpu.memref_squeeze %dma_wait3A_105 : memref<1x16x256xf32, #tpu.memory_space<hbm>> -> memref<16x256xf32, #tpu.memory_space<hbm>>
      %dma_wait3A_107 = arith.constant 0 : i32
      %dma_wait3A_108 = tpu.memref_slice %arg7[%select_n3A, %mul3A_32, %dma_wait3A_107] : memref<4x128x256xf32, #tpu.memory_space<hbm>> -> memref<1x16x256xf32, #tpu.memory_space<hbm>>
      %dma_wait3A_109 = tpu.memref_squeeze %dma_wait3A_108 : memref<1x16x256xf32, #tpu.memory_space<hbm>> -> memref<16x256xf32, #tpu.memory_space<hbm>>
      tpu.wait_dma2 semaphore(%run_scoped3A : memref<!tpu.dma_semaphore, #tpu.memory_space<semaphore_mem>>) src(%arg13 : memref<16x256xf32, #tpu.memory_space<vmem>>) dst(%dma_wait3A_109 : memref<16x256xf32, #tpu.memory_space<hbm>>)
      tpu.yield
    }) : () -> ()
    return
  }
}

#map = affine_map<(d0, d1) -> (0, 0)>
#map1 = affine_map<(d0, d1) -> (0)>
module attributes {stable_mosaic.version = 14 : i64} {
  func.func @_out_body(%arg0: i32, %arg1: i32, %arg2: memref<128x128xi32, #tpu.memory_space<hbm>>, %arg3: memref<524288xf32, #tpu.memory_space<hbm>>, %arg4: memref<128x128xf32, #tpu.memory_space<hbm>>, %arg5: memref<4x128xi32, #tpu.memory_space<vmem>>, %arg6: memref<4x128xf32, #tpu.memory_space<vmem>>, %arg7: memref<!tpu.dma_semaphore, #tpu.memory_space<semaphore_mem>>, %arg8: memref<!tpu.dma_semaphore, #tpu.memory_space<semaphore_mem>>) attributes {dimension_semantics = [#tpu.dimension_semantics<core_parallel>, #tpu.dimension_semantics<subcore_parallel>], iteration_bounds = array<i64: 2, 16>, scalar_prefetch = 0 : i64, scratch_operands = 4 : i64, tpu.core_type = #tpu.core_type<sc_vector_subcore>, window_params = [{transform_indices = #map}, {transform_indices = #map1}, {transform_indices = #map}]} {
    %mul3A = arith.constant 2 : i32
    %mul3A_0 = arith.muli %arg1, %mul3A : i32
    %add3A = arith.addi %mul3A_0, %arg0 : i32
    %mul3A_1 = arith.constant 4 : i32
    %mul3A_2 = arith.muli %add3A, %mul3A_1 : i32
    "tpu.region"() ({
      %run_scoped3A = tpu.sem_alloc : memref<!tpu.dma_semaphore, #tpu.memory_space<semaphore_mem>>
      %dma_start3A_81 = arith.constant 0 : i32
      %dma_start3A_82 = tpu.memref_slice %arg2[%mul3A_2, %dma_start3A_81] : memref<128x128xi32, #tpu.memory_space<hbm>> -> memref<4x128xi32, #tpu.memory_space<hbm>>
      %dma_start3A_83 = arith.constant 0 : i32
      %dma_start3A_84 = tpu.memref_slice %arg2[%mul3A_2, %dma_start3A_83] : memref<128x128xi32, #tpu.memory_space<hbm>> -> memref<4x128xi32, #tpu.memory_space<hbm>>
      tpu.enqueue_dma source(%dma_start3A_84 : memref<4x128xi32, #tpu.memory_space<hbm>>) target(%arg5 : memref<4x128xi32, #tpu.memory_space<vmem>>) target_semaphore(%run_scoped3A : memref<!tpu.dma_semaphore, #tpu.memory_space<semaphore_mem>>)
      %dma_wait3A_85 = arith.constant 0 : i32
      %dma_wait3A_86 = tpu.memref_slice %arg2[%mul3A_2, %dma_wait3A_85] : memref<128x128xi32, #tpu.memory_space<hbm>> -> memref<4x128xi32, #tpu.memory_space<hbm>>
      %dma_wait3A_87 = arith.constant 0 : i32
      %dma_wait3A_88 = tpu.memref_slice %arg2[%mul3A_2, %dma_wait3A_87] : memref<128x128xi32, #tpu.memory_space<hbm>> -> memref<4x128xi32, #tpu.memory_space<hbm>>
      tpu.wait_dma2 semaphore(%run_scoped3A : memref<!tpu.dma_semaphore, #tpu.memory_space<semaphore_mem>>) src(%dma_wait3A_88 : memref<4x128xi32, #tpu.memory_space<hbm>>) dst(%arg5 : memref<4x128xi32, #tpu.memory_space<vmem>>)
      tpu.yield
    }) : () -> ()
    %dma_start3A = arith.constant 0 : i32
    %dma_start3A_3 = arith.constant 0 : i32
    %dma_start3A_4 = arith.constant 0 : i32
    %dma_start3A_5 = tpu.memref_slice %arg6[%dma_start3A_3, %dma_start3A_4] : memref<4x128xf32, #tpu.memory_space<vmem>> -> memref<1x128xf32, #tpu.memory_space<vmem>>
    %dma_start3A_6 = tpu.memref_squeeze %dma_start3A_5 : memref<1x128xf32, #tpu.memory_space<vmem>> -> memref<128xf32, #tpu.memory_space<vmem>>
    %dma_start3A_7 = arith.constant 0 : i32
    %dma_start3A_8 = tpu.memref_slice %arg5[%dma_start3A, %dma_start3A_7] : memref<4x128xi32, #tpu.memory_space<vmem>> -> memref<1x128xi32, #tpu.memory_space<vmem>>
    %dma_start3A_9 = tpu.memref_squeeze %dma_start3A_8 : memref<1x128xi32, #tpu.memory_space<vmem>> -> memref<128xi32, #tpu.memory_space<vmem>>
    %dma_start3A_10 = arith.constant 0 : i32
    %dma_start3A_11 = tpu.memref_slice %arg3[%dma_start3A_10] : memref<524288xf32, #tpu.memory_space<hbm>> -> memref<524288xf32, #tpu.memory_space<hbm>>
    tpu.enqueue_indirect_dma source(%dma_start3A_11 : memref<524288xf32, #tpu.memory_space<hbm>>) target(%dma_start3A_6 : memref<128xf32, #tpu.memory_space<vmem>>) offsets(%dma_start3A_9 : memref<128xi32, #tpu.memory_space<vmem>>) semaphore(%arg7 : memref<!tpu.dma_semaphore, #tpu.memory_space<semaphore_mem>>)
    %dma_start3A_12 = arith.constant 1 : i32
    %dma_start3A_13 = arith.constant 1 : i32
    %dma_start3A_14 = arith.constant 0 : i32
    %dma_start3A_15 = tpu.memref_slice %arg6[%dma_start3A_13, %dma_start3A_14] : memref<4x128xf32, #tpu.memory_space<vmem>> -> memref<1x128xf32, #tpu.memory_space<vmem>>
    %dma_start3A_16 = tpu.memref_squeeze %dma_start3A_15 : memref<1x128xf32, #tpu.memory_space<vmem>> -> memref<128xf32, #tpu.memory_space<vmem>>
    %dma_start3A_17 = arith.constant 0 : i32
    %dma_start3A_18 = tpu.memref_slice %arg5[%dma_start3A_12, %dma_start3A_17] : memref<4x128xi32, #tpu.memory_space<vmem>> -> memref<1x128xi32, #tpu.memory_space<vmem>>
    %dma_start3A_19 = tpu.memref_squeeze %dma_start3A_18 : memref<1x128xi32, #tpu.memory_space<vmem>> -> memref<128xi32, #tpu.memory_space<vmem>>
    %dma_start3A_20 = arith.constant 0 : i32
    %dma_start3A_21 = tpu.memref_slice %arg3[%dma_start3A_20] : memref<524288xf32, #tpu.memory_space<hbm>> -> memref<524288xf32, #tpu.memory_space<hbm>>
    tpu.enqueue_indirect_dma source(%dma_start3A_21 : memref<524288xf32, #tpu.memory_space<hbm>>) target(%dma_start3A_16 : memref<128xf32, #tpu.memory_space<vmem>>) offsets(%dma_start3A_19 : memref<128xi32, #tpu.memory_space<vmem>>) semaphore(%arg7 : memref<!tpu.dma_semaphore, #tpu.memory_space<semaphore_mem>>)
    %dma_start3A_22 = arith.constant 2 : i32
    %dma_start3A_23 = arith.constant 2 : i32
    %dma_start3A_24 = arith.constant 0 : i32
    %dma_start3A_25 = tpu.memref_slice %arg6[%dma_start3A_23, %dma_start3A_24] : memref<4x128xf32, #tpu.memory_space<vmem>> -> memref<1x128xf32, #tpu.memory_space<vmem>>
    %dma_start3A_26 = tpu.memref_squeeze %dma_start3A_25 : memref<1x128xf32, #tpu.memory_space<vmem>> -> memref<128xf32, #tpu.memory_space<vmem>>
    %dma_start3A_27 = arith.constant 0 : i32
    %dma_start3A_28 = tpu.memref_slice %arg5[%dma_start3A_22, %dma_start3A_27] : memref<4x128xi32, #tpu.memory_space<vmem>> -> memref<1x128xi32, #tpu.memory_space<vmem>>
    %dma_start3A_29 = tpu.memref_squeeze %dma_start3A_28 : memref<1x128xi32, #tpu.memory_space<vmem>> -> memref<128xi32, #tpu.memory_space<vmem>>
    %dma_start3A_30 = arith.constant 0 : i32
    %dma_start3A_31 = tpu.memref_slice %arg3[%dma_start3A_30] : memref<524288xf32, #tpu.memory_space<hbm>> -> memref<524288xf32, #tpu.memory_space<hbm>>
    tpu.enqueue_indirect_dma source(%dma_start3A_31 : memref<524288xf32, #tpu.memory_space<hbm>>) target(%dma_start3A_26 : memref<128xf32, #tpu.memory_space<vmem>>) offsets(%dma_start3A_29 : memref<128xi32, #tpu.memory_space<vmem>>) semaphore(%arg7 : memref<!tpu.dma_semaphore, #tpu.memory_space<semaphore_mem>>)
    %dma_start3A_32 = arith.constant 3 : i32
    %dma_start3A_33 = arith.constant 3 : i32
    %dma_start3A_34 = arith.constant 0 : i32
    %dma_start3A_35 = tpu.memref_slice %arg6[%dma_start3A_33, %dma_start3A_34] : memref<4x128xf32, #tpu.memory_space<vmem>> -> memref<1x128xf32, #tpu.memory_space<vmem>>
    %dma_start3A_36 = tpu.memref_squeeze %dma_start3A_35 : memref<1x128xf32, #tpu.memory_space<vmem>> -> memref<128xf32, #tpu.memory_space<vmem>>
    %dma_start3A_37 = arith.constant 0 : i32
    %dma_start3A_38 = tpu.memref_slice %arg5[%dma_start3A_32, %dma_start3A_37] : memref<4x128xi32, #tpu.memory_space<vmem>> -> memref<1x128xi32, #tpu.memory_space<vmem>>
    %dma_start3A_39 = tpu.memref_squeeze %dma_start3A_38 : memref<1x128xi32, #tpu.memory_space<vmem>> -> memref<128xi32, #tpu.memory_space<vmem>>
    %dma_start3A_40 = arith.constant 0 : i32
    %dma_start3A_41 = tpu.memref_slice %arg3[%dma_start3A_40] : memref<524288xf32, #tpu.memory_space<hbm>> -> memref<524288xf32, #tpu.memory_space<hbm>>
    tpu.enqueue_indirect_dma source(%dma_start3A_41 : memref<524288xf32, #tpu.memory_space<hbm>>) target(%dma_start3A_36 : memref<128xf32, #tpu.memory_space<vmem>>) offsets(%dma_start3A_39 : memref<128xi32, #tpu.memory_space<vmem>>) semaphore(%arg7 : memref<!tpu.dma_semaphore, #tpu.memory_space<semaphore_mem>>)
    %dma_wait3A = arith.constant 0 : i32
    %dma_wait3A_42 = arith.constant 0 : i32
    %dma_wait3A_43 = arith.constant 0 : i32
    %dma_wait3A_44 = tpu.memref_slice %arg6[%dma_wait3A_42, %dma_wait3A_43] : memref<4x128xf32, #tpu.memory_space<vmem>> -> memref<1x128xf32, #tpu.memory_space<vmem>>
    %dma_wait3A_45 = tpu.memref_squeeze %dma_wait3A_44 : memref<1x128xf32, #tpu.memory_space<vmem>> -> memref<128xf32, #tpu.memory_space<vmem>>
    %dma_wait3A_46 = arith.constant 0 : i32
    %dma_wait3A_47 = tpu.memref_slice %arg5[%dma_wait3A, %dma_wait3A_46] : memref<4x128xi32, #tpu.memory_space<vmem>> -> memref<1x128xi32, #tpu.memory_space<vmem>>
    %dma_wait3A_48 = tpu.memref_squeeze %dma_wait3A_47 : memref<1x128xi32, #tpu.memory_space<vmem>> -> memref<128xi32, #tpu.memory_space<vmem>>
    %dma_wait3A_49 = arith.constant 0 : i32
    %dma_wait3A_50 = tpu.memref_slice %arg3[%dma_wait3A_49] : memref<524288xf32, #tpu.memory_space<hbm>> -> memref<524288xf32, #tpu.memory_space<hbm>>
    tpu.wait_indirect_dma semaphore(%arg7 : memref<!tpu.dma_semaphore, #tpu.memory_space<semaphore_mem>>) src(%dma_wait3A_50 : memref<524288xf32, #tpu.memory_space<hbm>>) dst(%dma_wait3A_45 : memref<128xf32, #tpu.memory_space<vmem>>)
    %dma_wait3A_51 = arith.constant 1 : i32
    %dma_wait3A_52 = arith.constant 1 : i32
    %dma_wait3A_53 = arith.constant 0 : i32
    %dma_wait3A_54 = tpu.memref_slice %arg6[%dma_wait3A_52, %dma_wait3A_53] : memref<4x128xf32, #tpu.memory_space<vmem>> -> memref<1x128xf32, #tpu.memory_space<vmem>>
    %dma_wait3A_55 = tpu.memref_squeeze %dma_wait3A_54 : memref<1x128xf32, #tpu.memory_space<vmem>> -> memref<128xf32, #tpu.memory_space<vmem>>
    %dma_wait3A_56 = arith.constant 0 : i32
    %dma_wait3A_57 = tpu.memref_slice %arg5[%dma_wait3A_51, %dma_wait3A_56] : memref<4x128xi32, #tpu.memory_space<vmem>> -> memref<1x128xi32, #tpu.memory_space<vmem>>
    %dma_wait3A_58 = tpu.memref_squeeze %dma_wait3A_57 : memref<1x128xi32, #tpu.memory_space<vmem>> -> memref<128xi32, #tpu.memory_space<vmem>>
    %dma_wait3A_59 = arith.constant 0 : i32
    %dma_wait3A_60 = tpu.memref_slice %arg3[%dma_wait3A_59] : memref<524288xf32, #tpu.memory_space<hbm>> -> memref<524288xf32, #tpu.memory_space<hbm>>
    tpu.wait_indirect_dma semaphore(%arg7 : memref<!tpu.dma_semaphore, #tpu.memory_space<semaphore_mem>>) src(%dma_wait3A_60 : memref<524288xf32, #tpu.memory_space<hbm>>) dst(%dma_wait3A_55 : memref<128xf32, #tpu.memory_space<vmem>>)
    %dma_wait3A_61 = arith.constant 2 : i32
    %dma_wait3A_62 = arith.constant 2 : i32
    %dma_wait3A_63 = arith.constant 0 : i32
    %dma_wait3A_64 = tpu.memref_slice %arg6[%dma_wait3A_62, %dma_wait3A_63] : memref<4x128xf32, #tpu.memory_space<vmem>> -> memref<1x128xf32, #tpu.memory_space<vmem>>
    %dma_wait3A_65 = tpu.memref_squeeze %dma_wait3A_64 : memref<1x128xf32, #tpu.memory_space<vmem>> -> memref<128xf32, #tpu.memory_space<vmem>>
    %dma_wait3A_66 = arith.constant 0 : i32
    %dma_wait3A_67 = tpu.memref_slice %arg5[%dma_wait3A_61, %dma_wait3A_66] : memref<4x128xi32, #tpu.memory_space<vmem>> -> memref<1x128xi32, #tpu.memory_space<vmem>>
    %dma_wait3A_68 = tpu.memref_squeeze %dma_wait3A_67 : memref<1x128xi32, #tpu.memory_space<vmem>> -> memref<128xi32, #tpu.memory_space<vmem>>
    %dma_wait3A_69 = arith.constant 0 : i32
    %dma_wait3A_70 = tpu.memref_slice %arg3[%dma_wait3A_69] : memref<524288xf32, #tpu.memory_space<hbm>> -> memref<524288xf32, #tpu.memory_space<hbm>>
    tpu.wait_indirect_dma semaphore(%arg7 : memref<!tpu.dma_semaphore, #tpu.memory_space<semaphore_mem>>) src(%dma_wait3A_70 : memref<524288xf32, #tpu.memory_space<hbm>>) dst(%dma_wait3A_65 : memref<128xf32, #tpu.memory_space<vmem>>)
    %dma_wait3A_71 = arith.constant 3 : i32
    %dma_wait3A_72 = arith.constant 3 : i32
    %dma_wait3A_73 = arith.constant 0 : i32
    %dma_wait3A_74 = tpu.memref_slice %arg6[%dma_wait3A_72, %dma_wait3A_73] : memref<4x128xf32, #tpu.memory_space<vmem>> -> memref<1x128xf32, #tpu.memory_space<vmem>>
    %dma_wait3A_75 = tpu.memref_squeeze %dma_wait3A_74 : memref<1x128xf32, #tpu.memory_space<vmem>> -> memref<128xf32, #tpu.memory_space<vmem>>
    %dma_wait3A_76 = arith.constant 0 : i32
    %dma_wait3A_77 = tpu.memref_slice %arg5[%dma_wait3A_71, %dma_wait3A_76] : memref<4x128xi32, #tpu.memory_space<vmem>> -> memref<1x128xi32, #tpu.memory_space<vmem>>
    %dma_wait3A_78 = tpu.memref_squeeze %dma_wait3A_77 : memref<1x128xi32, #tpu.memory_space<vmem>> -> memref<128xi32, #tpu.memory_space<vmem>>
    %dma_wait3A_79 = arith.constant 0 : i32
    %dma_wait3A_80 = tpu.memref_slice %arg3[%dma_wait3A_79] : memref<524288xf32, #tpu.memory_space<hbm>> -> memref<524288xf32, #tpu.memory_space<hbm>>
    tpu.wait_indirect_dma semaphore(%arg7 : memref<!tpu.dma_semaphore, #tpu.memory_space<semaphore_mem>>) src(%dma_wait3A_80 : memref<524288xf32, #tpu.memory_space<hbm>>) dst(%dma_wait3A_75 : memref<128xf32, #tpu.memory_space<vmem>>)
    "tpu.region"() ({
      %run_scoped3A = tpu.sem_alloc : memref<!tpu.dma_semaphore, #tpu.memory_space<semaphore_mem>>
      %dma_start3A_81 = arith.constant 0 : i32
      %dma_start3A_82 = tpu.memref_slice %arg4[%mul3A_2, %dma_start3A_81] : memref<128x128xf32, #tpu.memory_space<hbm>> -> memref<4x128xf32, #tpu.memory_space<hbm>>
      %dma_start3A_83 = arith.constant 0 : i32
      %dma_start3A_84 = tpu.memref_slice %arg4[%mul3A_2, %dma_start3A_83] : memref<128x128xf32, #tpu.memory_space<hbm>> -> memref<4x128xf32, #tpu.memory_space<hbm>>
      tpu.enqueue_dma source(%arg6 : memref<4x128xf32, #tpu.memory_space<vmem>>) target(%dma_start3A_84 : memref<4x128xf32, #tpu.memory_space<hbm>>) target_semaphore(%run_scoped3A : memref<!tpu.dma_semaphore, #tpu.memory_space<semaphore_mem>>)
      %dma_wait3A_85 = arith.constant 0 : i32
      %dma_wait3A_86 = tpu.memref_slice %arg4[%mul3A_2, %dma_wait3A_85] : memref<128x128xf32, #tpu.memory_space<hbm>> -> memref<4x128xf32, #tpu.memory_space<hbm>>
      %dma_wait3A_87 = arith.constant 0 : i32
      %dma_wait3A_88 = tpu.memref_slice %arg4[%mul3A_2, %dma_wait3A_87] : memref<128x128xf32, #tpu.memory_space<hbm>> -> memref<4x128xf32, #tpu.memory_space<hbm>>
      tpu.wait_dma2 semaphore(%run_scoped3A : memref<!tpu.dma_semaphore, #tpu.memory_space<semaphore_mem>>) src(%arg6 : memref<4x128xf32, #tpu.memory_space<vmem>>) dst(%dma_wait3A_88 : memref<4x128xf32, #tpu.memory_space<hbm>>)
      tpu.yield
    }) : () -> ()
    return
  }
}

module attributes {stable_mosaic.version = 14 : i64} {
  func.func @_agg_body(%arg0: memref<4x128x256xf32, #tpu.memory_space<vmem>>, %arg1: memref<4x128x256xf32, #tpu.memory_space<vmem>>, %arg2: memref<128x12xi32, #tpu.memory_space<vmem>>, %arg3: memref<128x128xi32, #tpu.memory_space<vmem>>) attributes {dimension_semantics = [], scalar_prefetch = 0 : i64, scratch_operands = 0 : i64, tpu.core_type = #tpu.core_type<tc>} {
    %get3A = arith.constant 0 : index
    %get3A_0 = arith.constant 0 : index
    %get3A_1 = arith.constant 0 : index
    %get3A_2 = vector.load %arg0[%get3A, %get3A_0, %get3A_1] : memref<4x128x256xf32, #tpu.memory_space<vmem>>, vector<4x128x256xf32>
    %gt3A = arith.constant 5.000000e-01 : f32
    %gt3A_3 = vector.broadcast %gt3A : f32 to vector<4x128x256xf32>
    %gt3A_4 = arith.cmpf ogt, %get3A_2, %gt3A_3 : vector<4x128x256xf32>
    %convert_element_type3A = arith.extui %gt3A_4 : vector<4x128x256xi1> to vector<4x128x256xi32>
    %convert_element_type3A_5 = arith.sitofp %convert_element_type3A : vector<4x128x256xi32> to vector<4x128x256xf32>
    %get3A_6 = arith.constant 0 : index
    %get3A_7 = arith.constant 0 : index
    %get3A_8 = arith.constant 0 : index
    %get3A_9 = vector.load %arg1[%get3A_6, %get3A_7, %get3A_8] : memref<4x128x256xf32, #tpu.memory_space<vmem>>, vector<4x128x256xf32>
    %dot_general3A = arith.constant dense<0.000000e+00> : vector<4x128x128xf32>
    %dot_general3A_10 = tpu.matmul %convert_element_type3A_5, %get3A_9, %dot_general3A {dimension_numbers = #tpu.dot_dimension_numbers<[2], [2], [1], [1], [0, 0, 0, 1, 1, 1], [0], [0]>, transpose_lhs_hint = false} : vector<4x128x256xf32>, vector<4x128x256xf32>, vector<4x128x128xf32> -> vector<4x128x128xf32>
    %reduce_sum3A = arith.constant dense<0.000000e+00> : vector<4x128xf32>
    %reduce_sum3A_11 = vector.multi_reduction <add>, %convert_element_type3A_5, %reduce_sum3A [2] : vector<4x128x256xf32> to vector<4x128xf32>
    %max3A = arith.constant 1.000000e+00 : f32
    %max3A_12 = vector.broadcast %max3A : f32 to vector<4x128xf32>
    %max3A_13 = arith.maximumf %reduce_sum3A_11, %max3A_12 : vector<4x128xf32>
    %broadcast_in_dim3A = vector.shape_cast %max3A_13 : vector<4x128xf32> to vector<4x128x1xf32>
    %div3A = vector.broadcast %broadcast_in_dim3A : vector<4x128x1xf32> to vector<4x128x128xf32>
    %div3A_14 = arith.divf %dot_general3A_10, %div3A : vector<4x128x128xf32>
    %gt3A_15 = arith.constant 5.000000e-01 : f32
    %gt3A_16 = vector.broadcast %gt3A_15 : f32 to vector<4x128x128xf32>
    %gt3A_17 = arith.cmpf ogt, %div3A_14, %gt3A_16 : vector<4x128x128xf32>
    %convert_element_type3A_18 = arith.extui %gt3A_17 : vector<4x128x128xi1> to vector<4x128x128xi32>
    %convert_element_type3A_19 = arith.sitofp %convert_element_type3A_18 : vector<4x128x128xi32> to vector<4x128x128xf32>
    %get3A_20 = arith.constant 0 : index
    %get3A_21 = arith.constant 0 : index
    %get3A_22 = vector.load %arg2[%get3A_20, %get3A_21] : memref<128x12xi32, #tpu.memory_space<vmem>>, vector<128x12xi32>
    %broadcast_in_dim3A_23 = arith.constant 0.000000e+00 : f32
    %broadcast_in_dim3A_24 = vector.broadcast %broadcast_in_dim3A_23 : f32 to vector<128x128xf32>
    %iota3A = tpu.iota {dimensions = array<i32: 1>} : vector<128x128xi32>
    %broadcast_in_dim3A_25 = arith.constant 0.000000e+00 : f32
    %broadcast_in_dim3A_26 = vector.broadcast %broadcast_in_dim3A_25 : f32 to vector<128x128xf32>
    %slice3A = vector.extract_strided_slice %get3A_22 {offsets = [0, 0], sizes = [128, 1], strides = [1, 1]} : vector<128x12xi32> to vector<128x1xi32>
    %sub3A = arith.constant 0 : i32
    %sub3A_27 = vector.broadcast %sub3A : i32 to vector<128x1xi32>
    %sub3A_28 = arith.subi %slice3A, %sub3A_27 : vector<128x1xi32>
    %eq3A = vector.broadcast %sub3A_28 : vector<128x1xi32> to vector<128x128xi32>
    %eq3A_29 = arith.cmpi eq, %eq3A, %iota3A : vector<128x128xi32>
    %jit3A = arith.constant 1.000000e+00 : f32
    %jit3A_30 = arith.constant 0.000000e+00 : f32
    %broadcast_in_dim3A_31 = vector.broadcast %jit3A : f32 to vector<128x128xf32>
    %broadcast_in_dim3A_32 = vector.broadcast %jit3A_30 : f32 to vector<128x128xf32>
    %select_n3A = arith.select %eq3A_29, %broadcast_in_dim3A_31, %broadcast_in_dim3A_32 : vector<128x128xi1>, vector<128x128xf32>
    %add3A = arith.addf %broadcast_in_dim3A_26, %select_n3A : vector<128x128xf32>
    %slice3A_33 = vector.extract_strided_slice %get3A_22 {offsets = [0, 1], sizes = [128, 1], strides = [1, 1]} : vector<128x12xi32> to vector<128x1xi32>
    %sub3A_34 = arith.constant 0 : i32
    %sub3A_35 = vector.broadcast %sub3A_34 : i32 to vector<128x1xi32>
    %sub3A_36 = arith.subi %slice3A_33, %sub3A_35 : vector<128x1xi32>
    %eq3A_37 = vector.broadcast %sub3A_36 : vector<128x1xi32> to vector<128x128xi32>
    %eq3A_38 = arith.cmpi eq, %eq3A_37, %iota3A : vector<128x128xi32>
    %jit3A_39 = arith.constant 2.000000e+00 : f32
    %jit3A_40 = arith.constant 0.000000e+00 : f32
    %broadcast_in_dim3A_41 = vector.broadcast %jit3A_39 : f32 to vector<128x128xf32>
    %broadcast_in_dim3A_42 = vector.broadcast %jit3A_40 : f32 to vector<128x128xf32>
    %select_n3A_43 = arith.select %eq3A_38, %broadcast_in_dim3A_41, %broadcast_in_dim3A_42 : vector<128x128xi1>, vector<128x128xf32>
    %add3A_44 = arith.addf %add3A, %select_n3A_43 : vector<128x128xf32>
    %slice3A_45 = vector.extract_strided_slice %get3A_22 {offsets = [0, 2], sizes = [128, 1], strides = [1, 1]} : vector<128x12xi32> to vector<128x1xi32>
    %sub3A_46 = arith.constant 0 : i32
    %sub3A_47 = vector.broadcast %sub3A_46 : i32 to vector<128x1xi32>
    %sub3A_48 = arith.subi %slice3A_45, %sub3A_47 : vector<128x1xi32>
    %eq3A_49 = vector.broadcast %sub3A_48 : vector<128x1xi32> to vector<128x128xi32>
    %eq3A_50 = arith.cmpi eq, %eq3A_49, %iota3A : vector<128x128xi32>
    %jit3A_51 = arith.constant 4.000000e+00 : f32
    %jit3A_52 = arith.constant 0.000000e+00 : f32
    %broadcast_in_dim3A_53 = vector.broadcast %jit3A_51 : f32 to vector<128x128xf32>
    %broadcast_in_dim3A_54 = vector.broadcast %jit3A_52 : f32 to vector<128x128xf32>
    %select_n3A_55 = arith.select %eq3A_50, %broadcast_in_dim3A_53, %broadcast_in_dim3A_54 : vector<128x128xi1>, vector<128x128xf32>
    %add3A_56 = arith.addf %add3A_44, %select_n3A_55 : vector<128x128xf32>
    %slice3A_57 = vector.extract_strided_slice %get3A_22 {offsets = [0, 3], sizes = [128, 1], strides = [1, 1]} : vector<128x12xi32> to vector<128x1xi32>
    %sub3A_58 = arith.constant 0 : i32
    %sub3A_59 = vector.broadcast %sub3A_58 : i32 to vector<128x1xi32>
    %sub3A_60 = arith.subi %slice3A_57, %sub3A_59 : vector<128x1xi32>
    %eq3A_61 = vector.broadcast %sub3A_60 : vector<128x1xi32> to vector<128x128xi32>
    %eq3A_62 = arith.cmpi eq, %eq3A_61, %iota3A : vector<128x128xi32>
    %jit3A_63 = arith.constant 8.000000e+00 : f32
    %jit3A_64 = arith.constant 0.000000e+00 : f32
    %broadcast_in_dim3A_65 = vector.broadcast %jit3A_63 : f32 to vector<128x128xf32>
    %broadcast_in_dim3A_66 = vector.broadcast %jit3A_64 : f32 to vector<128x128xf32>
    %select_n3A_67 = arith.select %eq3A_62, %broadcast_in_dim3A_65, %broadcast_in_dim3A_66 : vector<128x128xi1>, vector<128x128xf32>
    %add3A_68 = arith.addf %add3A_56, %select_n3A_67 : vector<128x128xf32>
    %slice3A_69 = vector.extract_strided_slice %get3A_22 {offsets = [0, 4], sizes = [128, 1], strides = [1, 1]} : vector<128x12xi32> to vector<128x1xi32>
    %sub3A_70 = arith.constant 0 : i32
    %sub3A_71 = vector.broadcast %sub3A_70 : i32 to vector<128x1xi32>
    %sub3A_72 = arith.subi %slice3A_69, %sub3A_71 : vector<128x1xi32>
    %eq3A_73 = vector.broadcast %sub3A_72 : vector<128x1xi32> to vector<128x128xi32>
    %eq3A_74 = arith.cmpi eq, %eq3A_73, %iota3A : vector<128x128xi32>
    %jit3A_75 = arith.constant 1.600000e+01 : f32
    %jit3A_76 = arith.constant 0.000000e+00 : f32
    %broadcast_in_dim3A_77 = vector.broadcast %jit3A_75 : f32 to vector<128x128xf32>
    %broadcast_in_dim3A_78 = vector.broadcast %jit3A_76 : f32 to vector<128x128xf32>
    %select_n3A_79 = arith.select %eq3A_74, %broadcast_in_dim3A_77, %broadcast_in_dim3A_78 : vector<128x128xi1>, vector<128x128xf32>
    %add3A_80 = arith.addf %add3A_68, %select_n3A_79 : vector<128x128xf32>
    %slice3A_81 = vector.extract_strided_slice %get3A_22 {offsets = [0, 5], sizes = [128, 1], strides = [1, 1]} : vector<128x12xi32> to vector<128x1xi32>
    %sub3A_82 = arith.constant 0 : i32
    %sub3A_83 = vector.broadcast %sub3A_82 : i32 to vector<128x1xi32>
    %sub3A_84 = arith.subi %slice3A_81, %sub3A_83 : vector<128x1xi32>
    %eq3A_85 = vector.broadcast %sub3A_84 : vector<128x1xi32> to vector<128x128xi32>
    %eq3A_86 = arith.cmpi eq, %eq3A_85, %iota3A : vector<128x128xi32>
    %jit3A_87 = arith.constant 3.200000e+01 : f32
    %jit3A_88 = arith.constant 0.000000e+00 : f32
    %broadcast_in_dim3A_89 = vector.broadcast %jit3A_87 : f32 to vector<128x128xf32>
    %broadcast_in_dim3A_90 = vector.broadcast %jit3A_88 : f32 to vector<128x128xf32>
    %select_n3A_91 = arith.select %eq3A_86, %broadcast_in_dim3A_89, %broadcast_in_dim3A_90 : vector<128x128xi1>, vector<128x128xf32>
    %add3A_92 = arith.addf %add3A_80, %select_n3A_91 : vector<128x128xf32>
    %slice3A_93 = vector.extract_strided_slice %get3A_22 {offsets = [0, 6], sizes = [128, 1], strides = [1, 1]} : vector<128x12xi32> to vector<128x1xi32>
    %sub3A_94 = arith.constant 0 : i32
    %sub3A_95 = vector.broadcast %sub3A_94 : i32 to vector<128x1xi32>
    %sub3A_96 = arith.subi %slice3A_93, %sub3A_95 : vector<128x1xi32>
    %eq3A_97 = vector.broadcast %sub3A_96 : vector<128x1xi32> to vector<128x128xi32>
    %eq3A_98 = arith.cmpi eq, %eq3A_97, %iota3A : vector<128x128xi32>
    %jit3A_99 = arith.constant 6.400000e+01 : f32
    %jit3A_100 = arith.constant 0.000000e+00 : f32
    %broadcast_in_dim3A_101 = vector.broadcast %jit3A_99 : f32 to vector<128x128xf32>
    %broadcast_in_dim3A_102 = vector.broadcast %jit3A_100 : f32 to vector<128x128xf32>
    %select_n3A_103 = arith.select %eq3A_98, %broadcast_in_dim3A_101, %broadcast_in_dim3A_102 : vector<128x128xi1>, vector<128x128xf32>
    %add3A_104 = arith.addf %add3A_92, %select_n3A_103 : vector<128x128xf32>
    %slice3A_105 = vector.extract_strided_slice %get3A_22 {offsets = [0, 7], sizes = [128, 1], strides = [1, 1]} : vector<128x12xi32> to vector<128x1xi32>
    %sub3A_106 = arith.constant 0 : i32
    %sub3A_107 = vector.broadcast %sub3A_106 : i32 to vector<128x1xi32>
    %sub3A_108 = arith.subi %slice3A_105, %sub3A_107 : vector<128x1xi32>
    %eq3A_109 = vector.broadcast %sub3A_108 : vector<128x1xi32> to vector<128x128xi32>
    %eq3A_110 = arith.cmpi eq, %eq3A_109, %iota3A : vector<128x128xi32>
    %jit3A_111 = arith.constant 1.280000e+02 : f32
    %jit3A_112 = arith.constant 0.000000e+00 : f32
    %broadcast_in_dim3A_113 = vector.broadcast %jit3A_111 : f32 to vector<128x128xf32>
    %broadcast_in_dim3A_114 = vector.broadcast %jit3A_112 : f32 to vector<128x128xf32>
    %select_n3A_115 = arith.select %eq3A_110, %broadcast_in_dim3A_113, %broadcast_in_dim3A_114 : vector<128x128xi1>, vector<128x128xf32>
    %add3A_116 = arith.addf %add3A_104, %select_n3A_115 : vector<128x128xf32>
    %slice3A_117 = vector.extract_strided_slice %get3A_22 {offsets = [0, 8], sizes = [128, 1], strides = [1, 1]} : vector<128x12xi32> to vector<128x1xi32>
    %sub3A_118 = arith.constant 0 : i32
    %sub3A_119 = vector.broadcast %sub3A_118 : i32 to vector<128x1xi32>
    %sub3A_120 = arith.subi %slice3A_117, %sub3A_119 : vector<128x1xi32>
    %eq3A_121 = vector.broadcast %sub3A_120 : vector<128x1xi32> to vector<128x128xi32>
    %eq3A_122 = arith.cmpi eq, %eq3A_121, %iota3A : vector<128x128xi32>
    %jit3A_123 = arith.constant 2.560000e+02 : f32
    %jit3A_124 = arith.constant 0.000000e+00 : f32
    %broadcast_in_dim3A_125 = vector.broadcast %jit3A_123 : f32 to vector<128x128xf32>
    %broadcast_in_dim3A_126 = vector.broadcast %jit3A_124 : f32 to vector<128x128xf32>
    %select_n3A_127 = arith.select %eq3A_122, %broadcast_in_dim3A_125, %broadcast_in_dim3A_126 : vector<128x128xi1>, vector<128x128xf32>
    %add3A_128 = arith.addf %add3A_116, %select_n3A_127 : vector<128x128xf32>
    %slice3A_129 = vector.extract_strided_slice %get3A_22 {offsets = [0, 9], sizes = [128, 1], strides = [1, 1]} : vector<128x12xi32> to vector<128x1xi32>
    %sub3A_130 = arith.constant 0 : i32
    %sub3A_131 = vector.broadcast %sub3A_130 : i32 to vector<128x1xi32>
    %sub3A_132 = arith.subi %slice3A_129, %sub3A_131 : vector<128x1xi32>
    %eq3A_133 = vector.broadcast %sub3A_132 : vector<128x1xi32> to vector<128x128xi32>
    %eq3A_134 = arith.cmpi eq, %eq3A_133, %iota3A : vector<128x128xi32>
    %jit3A_135 = arith.constant 5.120000e+02 : f32
    %jit3A_136 = arith.constant 0.000000e+00 : f32
    %broadcast_in_dim3A_137 = vector.broadcast %jit3A_135 : f32 to vector<128x128xf32>
    %broadcast_in_dim3A_138 = vector.broadcast %jit3A_136 : f32 to vector<128x128xf32>
    %select_n3A_139 = arith.select %eq3A_134, %broadcast_in_dim3A_137, %broadcast_in_dim3A_138 : vector<128x128xi1>, vector<128x128xf32>
    %add3A_140 = arith.addf %add3A_128, %select_n3A_139 : vector<128x128xf32>
    %slice3A_141 = vector.extract_strided_slice %get3A_22 {offsets = [0, 10], sizes = [128, 1], strides = [1, 1]} : vector<128x12xi32> to vector<128x1xi32>
    %sub3A_142 = arith.constant 0 : i32
    %sub3A_143 = vector.broadcast %sub3A_142 : i32 to vector<128x1xi32>
    %sub3A_144 = arith.subi %slice3A_141, %sub3A_143 : vector<128x1xi32>
    %eq3A_145 = vector.broadcast %sub3A_144 : vector<128x1xi32> to vector<128x128xi32>
    %eq3A_146 = arith.cmpi eq, %eq3A_145, %iota3A : vector<128x128xi32>
    %jit3A_147 = arith.constant 1.024000e+03 : f32
    %jit3A_148 = arith.constant 0.000000e+00 : f32
    %broadcast_in_dim3A_149 = vector.broadcast %jit3A_147 : f32 to vector<128x128xf32>
    %broadcast_in_dim3A_150 = vector.broadcast %jit3A_148 : f32 to vector<128x128xf32>
    %select_n3A_151 = arith.select %eq3A_146, %broadcast_in_dim3A_149, %broadcast_in_dim3A_150 : vector<128x128xi1>, vector<128x128xf32>
    %add3A_152 = arith.addf %add3A_140, %select_n3A_151 : vector<128x128xf32>
    %slice3A_153 = vector.extract_strided_slice %get3A_22 {offsets = [0, 11], sizes = [128, 1], strides = [1, 1]} : vector<128x12xi32> to vector<128x1xi32>
    %sub3A_154 = arith.constant 0 : i32
    %sub3A_155 = vector.broadcast %sub3A_154 : i32 to vector<128x1xi32>
    %sub3A_156 = arith.subi %slice3A_153, %sub3A_155 : vector<128x1xi32>
    %eq3A_157 = vector.broadcast %sub3A_156 : vector<128x1xi32> to vector<128x128xi32>
    %eq3A_158 = arith.cmpi eq, %eq3A_157, %iota3A : vector<128x128xi32>
    %jit3A_159 = arith.constant 2.048000e+03 : f32
    %jit3A_160 = arith.constant 0.000000e+00 : f32
    %broadcast_in_dim3A_161 = vector.broadcast %jit3A_159 : f32 to vector<128x128xf32>
    %broadcast_in_dim3A_162 = vector.broadcast %jit3A_160 : f32 to vector<128x128xf32>
    %select_n3A_163 = arith.select %eq3A_158, %broadcast_in_dim3A_161, %broadcast_in_dim3A_162 : vector<128x128xi1>, vector<128x128xf32>
    %add3A_164 = arith.addf %add3A_152, %select_n3A_163 : vector<128x128xf32>
    %slice3A_165 = vector.extract_strided_slice %convert_element_type3A_19 {offsets = [0, 0, 0], sizes = [1, 128, 128], strides = [1, 1, 1]} : vector<4x128x128xf32> to vector<1x128x128xf32>
    %squeeze3A = vector.shape_cast %slice3A_165 : vector<1x128x128xf32> to vector<128x128xf32>
    %dot_general3A_166 = arith.constant dense<0.000000e+00> : vector<128x128xf32>
    %dot_general3A_167 = tpu.matmul %squeeze3A, %add3A_164, %dot_general3A_166 {dimension_numbers = #tpu.dot_dimension_numbers<[1], [1], [0], [0], [0, 0, 1, 0], [], []>, precision = #tpu.contract_precision<fp32>, transpose_lhs_hint = false} : vector<128x128xf32>, vector<128x128xf32>, vector<128x128xf32> -> vector<128x128xf32>
    %add3A_168 = arith.addf %broadcast_in_dim3A_24, %dot_general3A_167 : vector<128x128xf32>
    %iota3A_169 = tpu.iota {dimensions = array<i32: 1>} : vector<128x128xi32>
    %broadcast_in_dim3A_170 = arith.constant 0.000000e+00 : f32
    %broadcast_in_dim3A_171 = vector.broadcast %broadcast_in_dim3A_170 : f32 to vector<128x128xf32>
    %slice3A_172 = vector.extract_strided_slice %get3A_22 {offsets = [0, 0], sizes = [128, 1], strides = [1, 1]} : vector<128x12xi32> to vector<128x1xi32>
    %sub3A_173 = arith.constant 128 : i32
    %sub3A_174 = vector.broadcast %sub3A_173 : i32 to vector<128x1xi32>
    %sub3A_175 = arith.subi %slice3A_172, %sub3A_174 : vector<128x1xi32>
    %eq3A_176 = vector.broadcast %sub3A_175 : vector<128x1xi32> to vector<128x128xi32>
    %eq3A_177 = arith.cmpi eq, %eq3A_176, %iota3A_169 : vector<128x128xi32>
    %jit3A_178 = arith.constant 1.000000e+00 : f32
    %jit3A_179 = arith.constant 0.000000e+00 : f32
    %broadcast_in_dim3A_180 = vector.broadcast %jit3A_178 : f32 to vector<128x128xf32>
    %broadcast_in_dim3A_181 = vector.broadcast %jit3A_179 : f32 to vector<128x128xf32>
    %select_n3A_182 = arith.select %eq3A_177, %broadcast_in_dim3A_180, %broadcast_in_dim3A_181 : vector<128x128xi1>, vector<128x128xf32>
    %add3A_183 = arith.addf %broadcast_in_dim3A_171, %select_n3A_182 : vector<128x128xf32>
    %slice3A_184 = vector.extract_strided_slice %get3A_22 {offsets = [0, 1], sizes = [128, 1], strides = [1, 1]} : vector<128x12xi32> to vector<128x1xi32>
    %sub3A_185 = arith.constant 128 : i32
    %sub3A_186 = vector.broadcast %sub3A_185 : i32 to vector<128x1xi32>
    %sub3A_187 = arith.subi %slice3A_184, %sub3A_186 : vector<128x1xi32>
    %eq3A_188 = vector.broadcast %sub3A_187 : vector<128x1xi32> to vector<128x128xi32>
    %eq3A_189 = arith.cmpi eq, %eq3A_188, %iota3A_169 : vector<128x128xi32>
    %jit3A_190 = arith.constant 2.000000e+00 : f32
    %jit3A_191 = arith.constant 0.000000e+00 : f32
    %broadcast_in_dim3A_192 = vector.broadcast %jit3A_190 : f32 to vector<128x128xf32>
    %broadcast_in_dim3A_193 = vector.broadcast %jit3A_191 : f32 to vector<128x128xf32>
    %select_n3A_194 = arith.select %eq3A_189, %broadcast_in_dim3A_192, %broadcast_in_dim3A_193 : vector<128x128xi1>, vector<128x128xf32>
    %add3A_195 = arith.addf %add3A_183, %select_n3A_194 : vector<128x128xf32>
    %slice3A_196 = vector.extract_strided_slice %get3A_22 {offsets = [0, 2], sizes = [128, 1], strides = [1, 1]} : vector<128x12xi32> to vector<128x1xi32>
    %sub3A_197 = arith.constant 128 : i32
    %sub3A_198 = vector.broadcast %sub3A_197 : i32 to vector<128x1xi32>
    %sub3A_199 = arith.subi %slice3A_196, %sub3A_198 : vector<128x1xi32>
    %eq3A_200 = vector.broadcast %sub3A_199 : vector<128x1xi32> to vector<128x128xi32>
    %eq3A_201 = arith.cmpi eq, %eq3A_200, %iota3A_169 : vector<128x128xi32>
    %jit3A_202 = arith.constant 4.000000e+00 : f32
    %jit3A_203 = arith.constant 0.000000e+00 : f32
    %broadcast_in_dim3A_204 = vector.broadcast %jit3A_202 : f32 to vector<128x128xf32>
    %broadcast_in_dim3A_205 = vector.broadcast %jit3A_203 : f32 to vector<128x128xf32>
    %select_n3A_206 = arith.select %eq3A_201, %broadcast_in_dim3A_204, %broadcast_in_dim3A_205 : vector<128x128xi1>, vector<128x128xf32>
    %add3A_207 = arith.addf %add3A_195, %select_n3A_206 : vector<128x128xf32>
    %slice3A_208 = vector.extract_strided_slice %get3A_22 {offsets = [0, 3], sizes = [128, 1], strides = [1, 1]} : vector<128x12xi32> to vector<128x1xi32>
    %sub3A_209 = arith.constant 128 : i32
    %sub3A_210 = vector.broadcast %sub3A_209 : i32 to vector<128x1xi32>
    %sub3A_211 = arith.subi %slice3A_208, %sub3A_210 : vector<128x1xi32>
    %eq3A_212 = vector.broadcast %sub3A_211 : vector<128x1xi32> to vector<128x128xi32>
    %eq3A_213 = arith.cmpi eq, %eq3A_212, %iota3A_169 : vector<128x128xi32>
    %jit3A_214 = arith.constant 8.000000e+00 : f32
    %jit3A_215 = arith.constant 0.000000e+00 : f32
    %broadcast_in_dim3A_216 = vector.broadcast %jit3A_214 : f32 to vector<128x128xf32>
    %broadcast_in_dim3A_217 = vector.broadcast %jit3A_215 : f32 to vector<128x128xf32>
    %select_n3A_218 = arith.select %eq3A_213, %broadcast_in_dim3A_216, %broadcast_in_dim3A_217 : vector<128x128xi1>, vector<128x128xf32>
    %add3A_219 = arith.addf %add3A_207, %select_n3A_218 : vector<128x128xf32>
    %slice3A_220 = vector.extract_strided_slice %get3A_22 {offsets = [0, 4], sizes = [128, 1], strides = [1, 1]} : vector<128x12xi32> to vector<128x1xi32>
    %sub3A_221 = arith.constant 128 : i32
    %sub3A_222 = vector.broadcast %sub3A_221 : i32 to vector<128x1xi32>
    %sub3A_223 = arith.subi %slice3A_220, %sub3A_222 : vector<128x1xi32>
    %eq3A_224 = vector.broadcast %sub3A_223 : vector<128x1xi32> to vector<128x128xi32>
    %eq3A_225 = arith.cmpi eq, %eq3A_224, %iota3A_169 : vector<128x128xi32>
    %jit3A_226 = arith.constant 1.600000e+01 : f32
    %jit3A_227 = arith.constant 0.000000e+00 : f32
    %broadcast_in_dim3A_228 = vector.broadcast %jit3A_226 : f32 to vector<128x128xf32>
    %broadcast_in_dim3A_229 = vector.broadcast %jit3A_227 : f32 to vector<128x128xf32>
    %select_n3A_230 = arith.select %eq3A_225, %broadcast_in_dim3A_228, %broadcast_in_dim3A_229 : vector<128x128xi1>, vector<128x128xf32>
    %add3A_231 = arith.addf %add3A_219, %select_n3A_230 : vector<128x128xf32>
    %slice3A_232 = vector.extract_strided_slice %get3A_22 {offsets = [0, 5], sizes = [128, 1], strides = [1, 1]} : vector<128x12xi32> to vector<128x1xi32>
    %sub3A_233 = arith.constant 128 : i32
    %sub3A_234 = vector.broadcast %sub3A_233 : i32 to vector<128x1xi32>
    %sub3A_235 = arith.subi %slice3A_232, %sub3A_234 : vector<128x1xi32>
    %eq3A_236 = vector.broadcast %sub3A_235 : vector<128x1xi32> to vector<128x128xi32>
    %eq3A_237 = arith.cmpi eq, %eq3A_236, %iota3A_169 : vector<128x128xi32>
    %jit3A_238 = arith.constant 3.200000e+01 : f32
    %jit3A_239 = arith.constant 0.000000e+00 : f32
    %broadcast_in_dim3A_240 = vector.broadcast %jit3A_238 : f32 to vector<128x128xf32>
    %broadcast_in_dim3A_241 = vector.broadcast %jit3A_239 : f32 to vector<128x128xf32>
    %select_n3A_242 = arith.select %eq3A_237, %broadcast_in_dim3A_240, %broadcast_in_dim3A_241 : vector<128x128xi1>, vector<128x128xf32>
    %add3A_243 = arith.addf %add3A_231, %select_n3A_242 : vector<128x128xf32>
    %slice3A_244 = vector.extract_strided_slice %get3A_22 {offsets = [0, 6], sizes = [128, 1], strides = [1, 1]} : vector<128x12xi32> to vector<128x1xi32>
    %sub3A_245 = arith.constant 128 : i32
    %sub3A_246 = vector.broadcast %sub3A_245 : i32 to vector<128x1xi32>
    %sub3A_247 = arith.subi %slice3A_244, %sub3A_246 : vector<128x1xi32>
    %eq3A_248 = vector.broadcast %sub3A_247 : vector<128x1xi32> to vector<128x128xi32>
    %eq3A_249 = arith.cmpi eq, %eq3A_248, %iota3A_169 : vector<128x128xi32>
    %jit3A_250 = arith.constant 6.400000e+01 : f32
    %jit3A_251 = arith.constant 0.000000e+00 : f32
    %broadcast_in_dim3A_252 = vector.broadcast %jit3A_250 : f32 to vector<128x128xf32>
    %broadcast_in_dim3A_253 = vector.broadcast %jit3A_251 : f32 to vector<128x128xf32>
    %select_n3A_254 = arith.select %eq3A_249, %broadcast_in_dim3A_252, %broadcast_in_dim3A_253 : vector<128x128xi1>, vector<128x128xf32>
    %add3A_255 = arith.addf %add3A_243, %select_n3A_254 : vector<128x128xf32>
    %slice3A_256 = vector.extract_strided_slice %get3A_22 {offsets = [0, 7], sizes = [128, 1], strides = [1, 1]} : vector<128x12xi32> to vector<128x1xi32>
    %sub3A_257 = arith.constant 128 : i32
    %sub3A_258 = vector.broadcast %sub3A_257 : i32 to vector<128x1xi32>
    %sub3A_259 = arith.subi %slice3A_256, %sub3A_258 : vector<128x1xi32>
    %eq3A_260 = vector.broadcast %sub3A_259 : vector<128x1xi32> to vector<128x128xi32>
    %eq3A_261 = arith.cmpi eq, %eq3A_260, %iota3A_169 : vector<128x128xi32>
    %jit3A_262 = arith.constant 1.280000e+02 : f32
    %jit3A_263 = arith.constant 0.000000e+00 : f32
    %broadcast_in_dim3A_264 = vector.broadcast %jit3A_262 : f32 to vector<128x128xf32>
    %broadcast_in_dim3A_265 = vector.broadcast %jit3A_263 : f32 to vector<128x128xf32>
    %select_n3A_266 = arith.select %eq3A_261, %broadcast_in_dim3A_264, %broadcast_in_dim3A_265 : vector<128x128xi1>, vector<128x128xf32>
    %add3A_267 = arith.addf %add3A_255, %select_n3A_266 : vector<128x128xf32>
    %slice3A_268 = vector.extract_strided_slice %get3A_22 {offsets = [0, 8], sizes = [128, 1], strides = [1, 1]} : vector<128x12xi32> to vector<128x1xi32>
    %sub3A_269 = arith.constant 128 : i32
    %sub3A_270 = vector.broadcast %sub3A_269 : i32 to vector<128x1xi32>
    %sub3A_271 = arith.subi %slice3A_268, %sub3A_270 : vector<128x1xi32>
    %eq3A_272 = vector.broadcast %sub3A_271 : vector<128x1xi32> to vector<128x128xi32>
    %eq3A_273 = arith.cmpi eq, %eq3A_272, %iota3A_169 : vector<128x128xi32>
    %jit3A_274 = arith.constant 2.560000e+02 : f32
    %jit3A_275 = arith.constant 0.000000e+00 : f32
    %broadcast_in_dim3A_276 = vector.broadcast %jit3A_274 : f32 to vector<128x128xf32>
    %broadcast_in_dim3A_277 = vector.broadcast %jit3A_275 : f32 to vector<128x128xf32>
    %select_n3A_278 = arith.select %eq3A_273, %broadcast_in_dim3A_276, %broadcast_in_dim3A_277 : vector<128x128xi1>, vector<128x128xf32>
    %add3A_279 = arith.addf %add3A_267, %select_n3A_278 : vector<128x128xf32>
    %slice3A_280 = vector.extract_strided_slice %get3A_22 {offsets = [0, 9], sizes = [128, 1], strides = [1, 1]} : vector<128x12xi32> to vector<128x1xi32>
    %sub3A_281 = arith.constant 128 : i32
    %sub3A_282 = vector.broadcast %sub3A_281 : i32 to vector<128x1xi32>
    %sub3A_283 = arith.subi %slice3A_280, %sub3A_282 : vector<128x1xi32>
    %eq3A_284 = vector.broadcast %sub3A_283 : vector<128x1xi32> to vector<128x128xi32>
    %eq3A_285 = arith.cmpi eq, %eq3A_284, %iota3A_169 : vector<128x128xi32>
    %jit3A_286 = arith.constant 5.120000e+02 : f32
    %jit3A_287 = arith.constant 0.000000e+00 : f32
    %broadcast_in_dim3A_288 = vector.broadcast %jit3A_286 : f32 to vector<128x128xf32>
    %broadcast_in_dim3A_289 = vector.broadcast %jit3A_287 : f32 to vector<128x128xf32>
    %select_n3A_290 = arith.select %eq3A_285, %broadcast_in_dim3A_288, %broadcast_in_dim3A_289 : vector<128x128xi1>, vector<128x128xf32>
    %add3A_291 = arith.addf %add3A_279, %select_n3A_290 : vector<128x128xf32>
    %slice3A_292 = vector.extract_strided_slice %get3A_22 {offsets = [0, 10], sizes = [128, 1], strides = [1, 1]} : vector<128x12xi32> to vector<128x1xi32>
    %sub3A_293 = arith.constant 128 : i32
    %sub3A_294 = vector.broadcast %sub3A_293 : i32 to vector<128x1xi32>
    %sub3A_295 = arith.subi %slice3A_292, %sub3A_294 : vector<128x1xi32>
    %eq3A_296 = vector.broadcast %sub3A_295 : vector<128x1xi32> to vector<128x128xi32>
    %eq3A_297 = arith.cmpi eq, %eq3A_296, %iota3A_169 : vector<128x128xi32>
    %jit3A_298 = arith.constant 1.024000e+03 : f32
    %jit3A_299 = arith.constant 0.000000e+00 : f32
    %broadcast_in_dim3A_300 = vector.broadcast %jit3A_298 : f32 to vector<128x128xf32>
    %broadcast_in_dim3A_301 = vector.broadcast %jit3A_299 : f32 to vector<128x128xf32>
    %select_n3A_302 = arith.select %eq3A_297, %broadcast_in_dim3A_300, %broadcast_in_dim3A_301 : vector<128x128xi1>, vector<128x128xf32>
    %add3A_303 = arith.addf %add3A_291, %select_n3A_302 : vector<128x128xf32>
    %slice3A_304 = vector.extract_strided_slice %get3A_22 {offsets = [0, 11], sizes = [128, 1], strides = [1, 1]} : vector<128x12xi32> to vector<128x1xi32>
    %sub3A_305 = arith.constant 128 : i32
    %sub3A_306 = vector.broadcast %sub3A_305 : i32 to vector<128x1xi32>
    %sub3A_307 = arith.subi %slice3A_304, %sub3A_306 : vector<128x1xi32>
    %eq3A_308 = vector.broadcast %sub3A_307 : vector<128x1xi32> to vector<128x128xi32>
    %eq3A_309 = arith.cmpi eq, %eq3A_308, %iota3A_169 : vector<128x128xi32>
    %jit3A_310 = arith.constant 2.048000e+03 : f32
    %jit3A_311 = arith.constant 0.000000e+00 : f32
    %broadcast_in_dim3A_312 = vector.broadcast %jit3A_310 : f32 to vector<128x128xf32>
    %broadcast_in_dim3A_313 = vector.broadcast %jit3A_311 : f32 to vector<128x128xf32>
    %select_n3A_314 = arith.select %eq3A_309, %broadcast_in_dim3A_312, %broadcast_in_dim3A_313 : vector<128x128xi1>, vector<128x128xf32>
    %add3A_315 = arith.addf %add3A_303, %select_n3A_314 : vector<128x128xf32>
    %slice3A_316 = vector.extract_strided_slice %convert_element_type3A_19 {offsets = [1, 0, 0], sizes = [1, 128, 128], strides = [1, 1, 1]} : vector<4x128x128xf32> to vector<1x128x128xf32>
    %squeeze3A_317 = vector.shape_cast %slice3A_316 : vector<1x128x128xf32> to vector<128x128xf32>
    %dot_general3A_318 = arith.constant dense<0.000000e+00> : vector<128x128xf32>
    %dot_general3A_319 = tpu.matmul %squeeze3A_317, %add3A_315, %dot_general3A_318 {dimension_numbers = #tpu.dot_dimension_numbers<[1], [1], [0], [0], [0, 0, 1, 0], [], []>, precision = #tpu.contract_precision<fp32>, transpose_lhs_hint = false} : vector<128x128xf32>, vector<128x128xf32>, vector<128x128xf32> -> vector<128x128xf32>
    %add3A_320 = arith.addf %add3A_168, %dot_general3A_319 : vector<128x128xf32>
    %iota3A_321 = tpu.iota {dimensions = array<i32: 1>} : vector<128x128xi32>
    %broadcast_in_dim3A_322 = arith.constant 0.000000e+00 : f32
    %broadcast_in_dim3A_323 = vector.broadcast %broadcast_in_dim3A_322 : f32 to vector<128x128xf32>
    %slice3A_324 = vector.extract_strided_slice %get3A_22 {offsets = [0, 0], sizes = [128, 1], strides = [1, 1]} : vector<128x12xi32> to vector<128x1xi32>
    %sub3A_325 = arith.constant 256 : i32
    %sub3A_326 = vector.broadcast %sub3A_325 : i32 to vector<128x1xi32>
    %sub3A_327 = arith.subi %slice3A_324, %sub3A_326 : vector<128x1xi32>
    %eq3A_328 = vector.broadcast %sub3A_327 : vector<128x1xi32> to vector<128x128xi32>
    %eq3A_329 = arith.cmpi eq, %eq3A_328, %iota3A_321 : vector<128x128xi32>
    %jit3A_330 = arith.constant 1.000000e+00 : f32
    %jit3A_331 = arith.constant 0.000000e+00 : f32
    %broadcast_in_dim3A_332 = vector.broadcast %jit3A_330 : f32 to vector<128x128xf32>
    %broadcast_in_dim3A_333 = vector.broadcast %jit3A_331 : f32 to vector<128x128xf32>
    %select_n3A_334 = arith.select %eq3A_329, %broadcast_in_dim3A_332, %broadcast_in_dim3A_333 : vector<128x128xi1>, vector<128x128xf32>
    %add3A_335 = arith.addf %broadcast_in_dim3A_323, %select_n3A_334 : vector<128x128xf32>
    %slice3A_336 = vector.extract_strided_slice %get3A_22 {offsets = [0, 1], sizes = [128, 1], strides = [1, 1]} : vector<128x12xi32> to vector<128x1xi32>
    %sub3A_337 = arith.constant 256 : i32
    %sub3A_338 = vector.broadcast %sub3A_337 : i32 to vector<128x1xi32>
    %sub3A_339 = arith.subi %slice3A_336, %sub3A_338 : vector<128x1xi32>
    %eq3A_340 = vector.broadcast %sub3A_339 : vector<128x1xi32> to vector<128x128xi32>
    %eq3A_341 = arith.cmpi eq, %eq3A_340, %iota3A_321 : vector<128x128xi32>
    %jit3A_342 = arith.constant 2.000000e+00 : f32
    %jit3A_343 = arith.constant 0.000000e+00 : f32
    %broadcast_in_dim3A_344 = vector.broadcast %jit3A_342 : f32 to vector<128x128xf32>
    %broadcast_in_dim3A_345 = vector.broadcast %jit3A_343 : f32 to vector<128x128xf32>
    %select_n3A_346 = arith.select %eq3A_341, %broadcast_in_dim3A_344, %broadcast_in_dim3A_345 : vector<128x128xi1>, vector<128x128xf32>
    %add3A_347 = arith.addf %add3A_335, %select_n3A_346 : vector<128x128xf32>
    %slice3A_348 = vector.extract_strided_slice %get3A_22 {offsets = [0, 2], sizes = [128, 1], strides = [1, 1]} : vector<128x12xi32> to vector<128x1xi32>
    %sub3A_349 = arith.constant 256 : i32
    %sub3A_350 = vector.broadcast %sub3A_349 : i32 to vector<128x1xi32>
    %sub3A_351 = arith.subi %slice3A_348, %sub3A_350 : vector<128x1xi32>
    %eq3A_352 = vector.broadcast %sub3A_351 : vector<128x1xi32> to vector<128x128xi32>
    %eq3A_353 = arith.cmpi eq, %eq3A_352, %iota3A_321 : vector<128x128xi32>
    %jit3A_354 = arith.constant 4.000000e+00 : f32
    %jit3A_355 = arith.constant 0.000000e+00 : f32
    %broadcast_in_dim3A_356 = vector.broadcast %jit3A_354 : f32 to vector<128x128xf32>
    %broadcast_in_dim3A_357 = vector.broadcast %jit3A_355 : f32 to vector<128x128xf32>
    %select_n3A_358 = arith.select %eq3A_353, %broadcast_in_dim3A_356, %broadcast_in_dim3A_357 : vector<128x128xi1>, vector<128x128xf32>
    %add3A_359 = arith.addf %add3A_347, %select_n3A_358 : vector<128x128xf32>
    %slice3A_360 = vector.extract_strided_slice %get3A_22 {offsets = [0, 3], sizes = [128, 1], strides = [1, 1]} : vector<128x12xi32> to vector<128x1xi32>
    %sub3A_361 = arith.constant 256 : i32
    %sub3A_362 = vector.broadcast %sub3A_361 : i32 to vector<128x1xi32>
    %sub3A_363 = arith.subi %slice3A_360, %sub3A_362 : vector<128x1xi32>
    %eq3A_364 = vector.broadcast %sub3A_363 : vector<128x1xi32> to vector<128x128xi32>
    %eq3A_365 = arith.cmpi eq, %eq3A_364, %iota3A_321 : vector<128x128xi32>
    %jit3A_366 = arith.constant 8.000000e+00 : f32
    %jit3A_367 = arith.constant 0.000000e+00 : f32
    %broadcast_in_dim3A_368 = vector.broadcast %jit3A_366 : f32 to vector<128x128xf32>
    %broadcast_in_dim3A_369 = vector.broadcast %jit3A_367 : f32 to vector<128x128xf32>
    %select_n3A_370 = arith.select %eq3A_365, %broadcast_in_dim3A_368, %broadcast_in_dim3A_369 : vector<128x128xi1>, vector<128x128xf32>
    %add3A_371 = arith.addf %add3A_359, %select_n3A_370 : vector<128x128xf32>
    %slice3A_372 = vector.extract_strided_slice %get3A_22 {offsets = [0, 4], sizes = [128, 1], strides = [1, 1]} : vector<128x12xi32> to vector<128x1xi32>
    %sub3A_373 = arith.constant 256 : i32
    %sub3A_374 = vector.broadcast %sub3A_373 : i32 to vector<128x1xi32>
    %sub3A_375 = arith.subi %slice3A_372, %sub3A_374 : vector<128x1xi32>
    %eq3A_376 = vector.broadcast %sub3A_375 : vector<128x1xi32> to vector<128x128xi32>
    %eq3A_377 = arith.cmpi eq, %eq3A_376, %iota3A_321 : vector<128x128xi32>
    %jit3A_378 = arith.constant 1.600000e+01 : f32
    %jit3A_379 = arith.constant 0.000000e+00 : f32
    %broadcast_in_dim3A_380 = vector.broadcast %jit3A_378 : f32 to vector<128x128xf32>
    %broadcast_in_dim3A_381 = vector.broadcast %jit3A_379 : f32 to vector<128x128xf32>
    %select_n3A_382 = arith.select %eq3A_377, %broadcast_in_dim3A_380, %broadcast_in_dim3A_381 : vector<128x128xi1>, vector<128x128xf32>
    %add3A_383 = arith.addf %add3A_371, %select_n3A_382 : vector<128x128xf32>
    %slice3A_384 = vector.extract_strided_slice %get3A_22 {offsets = [0, 5], sizes = [128, 1], strides = [1, 1]} : vector<128x12xi32> to vector<128x1xi32>
    %sub3A_385 = arith.constant 256 : i32
    %sub3A_386 = vector.broadcast %sub3A_385 : i32 to vector<128x1xi32>
    %sub3A_387 = arith.subi %slice3A_384, %sub3A_386 : vector<128x1xi32>
    %eq3A_388 = vector.broadcast %sub3A_387 : vector<128x1xi32> to vector<128x128xi32>
    %eq3A_389 = arith.cmpi eq, %eq3A_388, %iota3A_321 : vector<128x128xi32>
    %jit3A_390 = arith.constant 3.200000e+01 : f32
    %jit3A_391 = arith.constant 0.000000e+00 : f32
    %broadcast_in_dim3A_392 = vector.broadcast %jit3A_390 : f32 to vector<128x128xf32>
    %broadcast_in_dim3A_393 = vector.broadcast %jit3A_391 : f32 to vector<128x128xf32>
    %select_n3A_394 = arith.select %eq3A_389, %broadcast_in_dim3A_392, %broadcast_in_dim3A_393 : vector<128x128xi1>, vector<128x128xf32>
    %add3A_395 = arith.addf %add3A_383, %select_n3A_394 : vector<128x128xf32>
    %slice3A_396 = vector.extract_strided_slice %get3A_22 {offsets = [0, 6], sizes = [128, 1], strides = [1, 1]} : vector<128x12xi32> to vector<128x1xi32>
    %sub3A_397 = arith.constant 256 : i32
    %sub3A_398 = vector.broadcast %sub3A_397 : i32 to vector<128x1xi32>
    %sub3A_399 = arith.subi %slice3A_396, %sub3A_398 : vector<128x1xi32>
    %eq3A_400 = vector.broadcast %sub3A_399 : vector<128x1xi32> to vector<128x128xi32>
    %eq3A_401 = arith.cmpi eq, %eq3A_400, %iota3A_321 : vector<128x128xi32>
    %jit3A_402 = arith.constant 6.400000e+01 : f32
    %jit3A_403 = arith.constant 0.000000e+00 : f32
    %broadcast_in_dim3A_404 = vector.broadcast %jit3A_402 : f32 to vector<128x128xf32>
    %broadcast_in_dim3A_405 = vector.broadcast %jit3A_403 : f32 to vector<128x128xf32>
    %select_n3A_406 = arith.select %eq3A_401, %broadcast_in_dim3A_404, %broadcast_in_dim3A_405 : vector<128x128xi1>, vector<128x128xf32>
    %add3A_407 = arith.addf %add3A_395, %select_n3A_406 : vector<128x128xf32>
    %slice3A_408 = vector.extract_strided_slice %get3A_22 {offsets = [0, 7], sizes = [128, 1], strides = [1, 1]} : vector<128x12xi32> to vector<128x1xi32>
    %sub3A_409 = arith.constant 256 : i32
    %sub3A_410 = vector.broadcast %sub3A_409 : i32 to vector<128x1xi32>
    %sub3A_411 = arith.subi %slice3A_408, %sub3A_410 : vector<128x1xi32>
    %eq3A_412 = vector.broadcast %sub3A_411 : vector<128x1xi32> to vector<128x128xi32>
    %eq3A_413 = arith.cmpi eq, %eq3A_412, %iota3A_321 : vector<128x128xi32>
    %jit3A_414 = arith.constant 1.280000e+02 : f32
    %jit3A_415 = arith.constant 0.000000e+00 : f32
    %broadcast_in_dim3A_416 = vector.broadcast %jit3A_414 : f32 to vector<128x128xf32>
    %broadcast_in_dim3A_417 = vector.broadcast %jit3A_415 : f32 to vector<128x128xf32>
    %select_n3A_418 = arith.select %eq3A_413, %broadcast_in_dim3A_416, %broadcast_in_dim3A_417 : vector<128x128xi1>, vector<128x128xf32>
    %add3A_419 = arith.addf %add3A_407, %select_n3A_418 : vector<128x128xf32>
    %slice3A_420 = vector.extract_strided_slice %get3A_22 {offsets = [0, 8], sizes = [128, 1], strides = [1, 1]} : vector<128x12xi32> to vector<128x1xi32>
    %sub3A_421 = arith.constant 256 : i32
    %sub3A_422 = vector.broadcast %sub3A_421 : i32 to vector<128x1xi32>
    %sub3A_423 = arith.subi %slice3A_420, %sub3A_422 : vector<128x1xi32>
    %eq3A_424 = vector.broadcast %sub3A_423 : vector<128x1xi32> to vector<128x128xi32>
    %eq3A_425 = arith.cmpi eq, %eq3A_424, %iota3A_321 : vector<128x128xi32>
    %jit3A_426 = arith.constant 2.560000e+02 : f32
    %jit3A_427 = arith.constant 0.000000e+00 : f32
    %broadcast_in_dim3A_428 = vector.broadcast %jit3A_426 : f32 to vector<128x128xf32>
    %broadcast_in_dim3A_429 = vector.broadcast %jit3A_427 : f32 to vector<128x128xf32>
    %select_n3A_430 = arith.select %eq3A_425, %broadcast_in_dim3A_428, %broadcast_in_dim3A_429 : vector<128x128xi1>, vector<128x128xf32>
    %add3A_431 = arith.addf %add3A_419, %select_n3A_430 : vector<128x128xf32>
    %slice3A_432 = vector.extract_strided_slice %get3A_22 {offsets = [0, 9], sizes = [128, 1], strides = [1, 1]} : vector<128x12xi32> to vector<128x1xi32>
    %sub3A_433 = arith.constant 256 : i32
    %sub3A_434 = vector.broadcast %sub3A_433 : i32 to vector<128x1xi32>
    %sub3A_435 = arith.subi %slice3A_432, %sub3A_434 : vector<128x1xi32>
    %eq3A_436 = vector.broadcast %sub3A_435 : vector<128x1xi32> to vector<128x128xi32>
    %eq3A_437 = arith.cmpi eq, %eq3A_436, %iota3A_321 : vector<128x128xi32>
    %jit3A_438 = arith.constant 5.120000e+02 : f32
    %jit3A_439 = arith.constant 0.000000e+00 : f32
    %broadcast_in_dim3A_440 = vector.broadcast %jit3A_438 : f32 to vector<128x128xf32>
    %broadcast_in_dim3A_441 = vector.broadcast %jit3A_439 : f32 to vector<128x128xf32>
    %select_n3A_442 = arith.select %eq3A_437, %broadcast_in_dim3A_440, %broadcast_in_dim3A_441 : vector<128x128xi1>, vector<128x128xf32>
    %add3A_443 = arith.addf %add3A_431, %select_n3A_442 : vector<128x128xf32>
    %slice3A_444 = vector.extract_strided_slice %get3A_22 {offsets = [0, 10], sizes = [128, 1], strides = [1, 1]} : vector<128x12xi32> to vector<128x1xi32>
    %sub3A_445 = arith.constant 256 : i32
    %sub3A_446 = vector.broadcast %sub3A_445 : i32 to vector<128x1xi32>
    %sub3A_447 = arith.subi %slice3A_444, %sub3A_446 : vector<128x1xi32>
    %eq3A_448 = vector.broadcast %sub3A_447 : vector<128x1xi32> to vector<128x128xi32>
    %eq3A_449 = arith.cmpi eq, %eq3A_448, %iota3A_321 : vector<128x128xi32>
    %jit3A_450 = arith.constant 1.024000e+03 : f32
    %jit3A_451 = arith.constant 0.000000e+00 : f32
    %broadcast_in_dim3A_452 = vector.broadcast %jit3A_450 : f32 to vector<128x128xf32>
    %broadcast_in_dim3A_453 = vector.broadcast %jit3A_451 : f32 to vector<128x128xf32>
    %select_n3A_454 = arith.select %eq3A_449, %broadcast_in_dim3A_452, %broadcast_in_dim3A_453 : vector<128x128xi1>, vector<128x128xf32>
    %add3A_455 = arith.addf %add3A_443, %select_n3A_454 : vector<128x128xf32>
    %slice3A_456 = vector.extract_strided_slice %get3A_22 {offsets = [0, 11], sizes = [128, 1], strides = [1, 1]} : vector<128x12xi32> to vector<128x1xi32>
    %sub3A_457 = arith.constant 256 : i32
    %sub3A_458 = vector.broadcast %sub3A_457 : i32 to vector<128x1xi32>
    %sub3A_459 = arith.subi %slice3A_456, %sub3A_458 : vector<128x1xi32>
    %eq3A_460 = vector.broadcast %sub3A_459 : vector<128x1xi32> to vector<128x128xi32>
    %eq3A_461 = arith.cmpi eq, %eq3A_460, %iota3A_321 : vector<128x128xi32>
    %jit3A_462 = arith.constant 2.048000e+03 : f32
    %jit3A_463 = arith.constant 0.000000e+00 : f32
    %broadcast_in_dim3A_464 = vector.broadcast %jit3A_462 : f32 to vector<128x128xf32>
    %broadcast_in_dim3A_465 = vector.broadcast %jit3A_463 : f32 to vector<128x128xf32>
    %select_n3A_466 = arith.select %eq3A_461, %broadcast_in_dim3A_464, %broadcast_in_dim3A_465 : vector<128x128xi1>, vector<128x128xf32>
    %add3A_467 = arith.addf %add3A_455, %select_n3A_466 : vector<128x128xf32>
    %slice3A_468 = vector.extract_strided_slice %convert_element_type3A_19 {offsets = [2, 0, 0], sizes = [1, 128, 128], strides = [1, 1, 1]} : vector<4x128x128xf32> to vector<1x128x128xf32>
    %squeeze3A_469 = vector.shape_cast %slice3A_468 : vector<1x128x128xf32> to vector<128x128xf32>
    %dot_general3A_470 = arith.constant dense<0.000000e+00> : vector<128x128xf32>
    %dot_general3A_471 = tpu.matmul %squeeze3A_469, %add3A_467, %dot_general3A_470 {dimension_numbers = #tpu.dot_dimension_numbers<[1], [1], [0], [0], [0, 0, 1, 0], [], []>, precision = #tpu.contract_precision<fp32>, transpose_lhs_hint = false} : vector<128x128xf32>, vector<128x128xf32>, vector<128x128xf32> -> vector<128x128xf32>
    %add3A_472 = arith.addf %add3A_320, %dot_general3A_471 : vector<128x128xf32>
    %iota3A_473 = tpu.iota {dimensions = array<i32: 1>} : vector<128x128xi32>
    %broadcast_in_dim3A_474 = arith.constant 0.000000e+00 : f32
    %broadcast_in_dim3A_475 = vector.broadcast %broadcast_in_dim3A_474 : f32 to vector<128x128xf32>
    %slice3A_476 = vector.extract_strided_slice %get3A_22 {offsets = [0, 0], sizes = [128, 1], strides = [1, 1]} : vector<128x12xi32> to vector<128x1xi32>
    %sub3A_477 = arith.constant 384 : i32
    %sub3A_478 = vector.broadcast %sub3A_477 : i32 to vector<128x1xi32>
    %sub3A_479 = arith.subi %slice3A_476, %sub3A_478 : vector<128x1xi32>
    %eq3A_480 = vector.broadcast %sub3A_479 : vector<128x1xi32> to vector<128x128xi32>
    %eq3A_481 = arith.cmpi eq, %eq3A_480, %iota3A_473 : vector<128x128xi32>
    %jit3A_482 = arith.constant 1.000000e+00 : f32
    %jit3A_483 = arith.constant 0.000000e+00 : f32
    %broadcast_in_dim3A_484 = vector.broadcast %jit3A_482 : f32 to vector<128x128xf32>
    %broadcast_in_dim3A_485 = vector.broadcast %jit3A_483 : f32 to vector<128x128xf32>
    %select_n3A_486 = arith.select %eq3A_481, %broadcast_in_dim3A_484, %broadcast_in_dim3A_485 : vector<128x128xi1>, vector<128x128xf32>
    %add3A_487 = arith.addf %broadcast_in_dim3A_475, %select_n3A_486 : vector<128x128xf32>
    %slice3A_488 = vector.extract_strided_slice %get3A_22 {offsets = [0, 1], sizes = [128, 1], strides = [1, 1]} : vector<128x12xi32> to vector<128x1xi32>
    %sub3A_489 = arith.constant 384 : i32
    %sub3A_490 = vector.broadcast %sub3A_489 : i32 to vector<128x1xi32>
    %sub3A_491 = arith.subi %slice3A_488, %sub3A_490 : vector<128x1xi32>
    %eq3A_492 = vector.broadcast %sub3A_491 : vector<128x1xi32> to vector<128x128xi32>
    %eq3A_493 = arith.cmpi eq, %eq3A_492, %iota3A_473 : vector<128x128xi32>
    %jit3A_494 = arith.constant 2.000000e+00 : f32
    %jit3A_495 = arith.constant 0.000000e+00 : f32
    %broadcast_in_dim3A_496 = vector.broadcast %jit3A_494 : f32 to vector<128x128xf32>
    %broadcast_in_dim3A_497 = vector.broadcast %jit3A_495 : f32 to vector<128x128xf32>
    %select_n3A_498 = arith.select %eq3A_493, %broadcast_in_dim3A_496, %broadcast_in_dim3A_497 : vector<128x128xi1>, vector<128x128xf32>
    %add3A_499 = arith.addf %add3A_487, %select_n3A_498 : vector<128x128xf32>
    %slice3A_500 = vector.extract_strided_slice %get3A_22 {offsets = [0, 2], sizes = [128, 1], strides = [1, 1]} : vector<128x12xi32> to vector<128x1xi32>
    %sub3A_501 = arith.constant 384 : i32
    %sub3A_502 = vector.broadcast %sub3A_501 : i32 to vector<128x1xi32>
    %sub3A_503 = arith.subi %slice3A_500, %sub3A_502 : vector<128x1xi32>
    %eq3A_504 = vector.broadcast %sub3A_503 : vector<128x1xi32> to vector<128x128xi32>
    %eq3A_505 = arith.cmpi eq, %eq3A_504, %iota3A_473 : vector<128x128xi32>
    %jit3A_506 = arith.constant 4.000000e+00 : f32
    %jit3A_507 = arith.constant 0.000000e+00 : f32
    %broadcast_in_dim3A_508 = vector.broadcast %jit3A_506 : f32 to vector<128x128xf32>
    %broadcast_in_dim3A_509 = vector.broadcast %jit3A_507 : f32 to vector<128x128xf32>
    %select_n3A_510 = arith.select %eq3A_505, %broadcast_in_dim3A_508, %broadcast_in_dim3A_509 : vector<128x128xi1>, vector<128x128xf32>
    %add3A_511 = arith.addf %add3A_499, %select_n3A_510 : vector<128x128xf32>
    %slice3A_512 = vector.extract_strided_slice %get3A_22 {offsets = [0, 3], sizes = [128, 1], strides = [1, 1]} : vector<128x12xi32> to vector<128x1xi32>
    %sub3A_513 = arith.constant 384 : i32
    %sub3A_514 = vector.broadcast %sub3A_513 : i32 to vector<128x1xi32>
    %sub3A_515 = arith.subi %slice3A_512, %sub3A_514 : vector<128x1xi32>
    %eq3A_516 = vector.broadcast %sub3A_515 : vector<128x1xi32> to vector<128x128xi32>
    %eq3A_517 = arith.cmpi eq, %eq3A_516, %iota3A_473 : vector<128x128xi32>
    %jit3A_518 = arith.constant 8.000000e+00 : f32
    %jit3A_519 = arith.constant 0.000000e+00 : f32
    %broadcast_in_dim3A_520 = vector.broadcast %jit3A_518 : f32 to vector<128x128xf32>
    %broadcast_in_dim3A_521 = vector.broadcast %jit3A_519 : f32 to vector<128x128xf32>
    %select_n3A_522 = arith.select %eq3A_517, %broadcast_in_dim3A_520, %broadcast_in_dim3A_521 : vector<128x128xi1>, vector<128x128xf32>
    %add3A_523 = arith.addf %add3A_511, %select_n3A_522 : vector<128x128xf32>
    %slice3A_524 = vector.extract_strided_slice %get3A_22 {offsets = [0, 4], sizes = [128, 1], strides = [1, 1]} : vector<128x12xi32> to vector<128x1xi32>
    %sub3A_525 = arith.constant 384 : i32
    %sub3A_526 = vector.broadcast %sub3A_525 : i32 to vector<128x1xi32>
    %sub3A_527 = arith.subi %slice3A_524, %sub3A_526 : vector<128x1xi32>
    %eq3A_528 = vector.broadcast %sub3A_527 : vector<128x1xi32> to vector<128x128xi32>
    %eq3A_529 = arith.cmpi eq, %eq3A_528, %iota3A_473 : vector<128x128xi32>
    %jit3A_530 = arith.constant 1.600000e+01 : f32
    %jit3A_531 = arith.constant 0.000000e+00 : f32
    %broadcast_in_dim3A_532 = vector.broadcast %jit3A_530 : f32 to vector<128x128xf32>
    %broadcast_in_dim3A_533 = vector.broadcast %jit3A_531 : f32 to vector<128x128xf32>
    %select_n3A_534 = arith.select %eq3A_529, %broadcast_in_dim3A_532, %broadcast_in_dim3A_533 : vector<128x128xi1>, vector<128x128xf32>
    %add3A_535 = arith.addf %add3A_523, %select_n3A_534 : vector<128x128xf32>
    %slice3A_536 = vector.extract_strided_slice %get3A_22 {offsets = [0, 5], sizes = [128, 1], strides = [1, 1]} : vector<128x12xi32> to vector<128x1xi32>
    %sub3A_537 = arith.constant 384 : i32
    %sub3A_538 = vector.broadcast %sub3A_537 : i32 to vector<128x1xi32>
    %sub3A_539 = arith.subi %slice3A_536, %sub3A_538 : vector<128x1xi32>
    %eq3A_540 = vector.broadcast %sub3A_539 : vector<128x1xi32> to vector<128x128xi32>
    %eq3A_541 = arith.cmpi eq, %eq3A_540, %iota3A_473 : vector<128x128xi32>
    %jit3A_542 = arith.constant 3.200000e+01 : f32
    %jit3A_543 = arith.constant 0.000000e+00 : f32
    %broadcast_in_dim3A_544 = vector.broadcast %jit3A_542 : f32 to vector<128x128xf32>
    %broadcast_in_dim3A_545 = vector.broadcast %jit3A_543 : f32 to vector<128x128xf32>
    %select_n3A_546 = arith.select %eq3A_541, %broadcast_in_dim3A_544, %broadcast_in_dim3A_545 : vector<128x128xi1>, vector<128x128xf32>
    %add3A_547 = arith.addf %add3A_535, %select_n3A_546 : vector<128x128xf32>
    %slice3A_548 = vector.extract_strided_slice %get3A_22 {offsets = [0, 6], sizes = [128, 1], strides = [1, 1]} : vector<128x12xi32> to vector<128x1xi32>
    %sub3A_549 = arith.constant 384 : i32
    %sub3A_550 = vector.broadcast %sub3A_549 : i32 to vector<128x1xi32>
    %sub3A_551 = arith.subi %slice3A_548, %sub3A_550 : vector<128x1xi32>
    %eq3A_552 = vector.broadcast %sub3A_551 : vector<128x1xi32> to vector<128x128xi32>
    %eq3A_553 = arith.cmpi eq, %eq3A_552, %iota3A_473 : vector<128x128xi32>
    %jit3A_554 = arith.constant 6.400000e+01 : f32
    %jit3A_555 = arith.constant 0.000000e+00 : f32
    %broadcast_in_dim3A_556 = vector.broadcast %jit3A_554 : f32 to vector<128x128xf32>
    %broadcast_in_dim3A_557 = vector.broadcast %jit3A_555 : f32 to vector<128x128xf32>
    %select_n3A_558 = arith.select %eq3A_553, %broadcast_in_dim3A_556, %broadcast_in_dim3A_557 : vector<128x128xi1>, vector<128x128xf32>
    %add3A_559 = arith.addf %add3A_547, %select_n3A_558 : vector<128x128xf32>
    %slice3A_560 = vector.extract_strided_slice %get3A_22 {offsets = [0, 7], sizes = [128, 1], strides = [1, 1]} : vector<128x12xi32> to vector<128x1xi32>
    %sub3A_561 = arith.constant 384 : i32
    %sub3A_562 = vector.broadcast %sub3A_561 : i32 to vector<128x1xi32>
    %sub3A_563 = arith.subi %slice3A_560, %sub3A_562 : vector<128x1xi32>
    %eq3A_564 = vector.broadcast %sub3A_563 : vector<128x1xi32> to vector<128x128xi32>
    %eq3A_565 = arith.cmpi eq, %eq3A_564, %iota3A_473 : vector<128x128xi32>
    %jit3A_566 = arith.constant 1.280000e+02 : f32
    %jit3A_567 = arith.constant 0.000000e+00 : f32
    %broadcast_in_dim3A_568 = vector.broadcast %jit3A_566 : f32 to vector<128x128xf32>
    %broadcast_in_dim3A_569 = vector.broadcast %jit3A_567 : f32 to vector<128x128xf32>
    %select_n3A_570 = arith.select %eq3A_565, %broadcast_in_dim3A_568, %broadcast_in_dim3A_569 : vector<128x128xi1>, vector<128x128xf32>
    %add3A_571 = arith.addf %add3A_559, %select_n3A_570 : vector<128x128xf32>
    %slice3A_572 = vector.extract_strided_slice %get3A_22 {offsets = [0, 8], sizes = [128, 1], strides = [1, 1]} : vector<128x12xi32> to vector<128x1xi32>
    %sub3A_573 = arith.constant 384 : i32
    %sub3A_574 = vector.broadcast %sub3A_573 : i32 to vector<128x1xi32>
    %sub3A_575 = arith.subi %slice3A_572, %sub3A_574 : vector<128x1xi32>
    %eq3A_576 = vector.broadcast %sub3A_575 : vector<128x1xi32> to vector<128x128xi32>
    %eq3A_577 = arith.cmpi eq, %eq3A_576, %iota3A_473 : vector<128x128xi32>
    %jit3A_578 = arith.constant 2.560000e+02 : f32
    %jit3A_579 = arith.constant 0.000000e+00 : f32
    %broadcast_in_dim3A_580 = vector.broadcast %jit3A_578 : f32 to vector<128x128xf32>
    %broadcast_in_dim3A_581 = vector.broadcast %jit3A_579 : f32 to vector<128x128xf32>
    %select_n3A_582 = arith.select %eq3A_577, %broadcast_in_dim3A_580, %broadcast_in_dim3A_581 : vector<128x128xi1>, vector<128x128xf32>
    %add3A_583 = arith.addf %add3A_571, %select_n3A_582 : vector<128x128xf32>
    %slice3A_584 = vector.extract_strided_slice %get3A_22 {offsets = [0, 9], sizes = [128, 1], strides = [1, 1]} : vector<128x12xi32> to vector<128x1xi32>
    %sub3A_585 = arith.constant 384 : i32
    %sub3A_586 = vector.broadcast %sub3A_585 : i32 to vector<128x1xi32>
    %sub3A_587 = arith.subi %slice3A_584, %sub3A_586 : vector<128x1xi32>
    %eq3A_588 = vector.broadcast %sub3A_587 : vector<128x1xi32> to vector<128x128xi32>
    %eq3A_589 = arith.cmpi eq, %eq3A_588, %iota3A_473 : vector<128x128xi32>
    %jit3A_590 = arith.constant 5.120000e+02 : f32
    %jit3A_591 = arith.constant 0.000000e+00 : f32
    %broadcast_in_dim3A_592 = vector.broadcast %jit3A_590 : f32 to vector<128x128xf32>
    %broadcast_in_dim3A_593 = vector.broadcast %jit3A_591 : f32 to vector<128x128xf32>
    %select_n3A_594 = arith.select %eq3A_589, %broadcast_in_dim3A_592, %broadcast_in_dim3A_593 : vector<128x128xi1>, vector<128x128xf32>
    %add3A_595 = arith.addf %add3A_583, %select_n3A_594 : vector<128x128xf32>
    %slice3A_596 = vector.extract_strided_slice %get3A_22 {offsets = [0, 10], sizes = [128, 1], strides = [1, 1]} : vector<128x12xi32> to vector<128x1xi32>
    %sub3A_597 = arith.constant 384 : i32
    %sub3A_598 = vector.broadcast %sub3A_597 : i32 to vector<128x1xi32>
    %sub3A_599 = arith.subi %slice3A_596, %sub3A_598 : vector<128x1xi32>
    %eq3A_600 = vector.broadcast %sub3A_599 : vector<128x1xi32> to vector<128x128xi32>
    %eq3A_601 = arith.cmpi eq, %eq3A_600, %iota3A_473 : vector<128x128xi32>
    %jit3A_602 = arith.constant 1.024000e+03 : f32
    %jit3A_603 = arith.constant 0.000000e+00 : f32
    %broadcast_in_dim3A_604 = vector.broadcast %jit3A_602 : f32 to vector<128x128xf32>
    %broadcast_in_dim3A_605 = vector.broadcast %jit3A_603 : f32 to vector<128x128xf32>
    %select_n3A_606 = arith.select %eq3A_601, %broadcast_in_dim3A_604, %broadcast_in_dim3A_605 : vector<128x128xi1>, vector<128x128xf32>
    %add3A_607 = arith.addf %add3A_595, %select_n3A_606 : vector<128x128xf32>
    %slice3A_608 = vector.extract_strided_slice %get3A_22 {offsets = [0, 11], sizes = [128, 1], strides = [1, 1]} : vector<128x12xi32> to vector<128x1xi32>
    %sub3A_609 = arith.constant 384 : i32
    %sub3A_610 = vector.broadcast %sub3A_609 : i32 to vector<128x1xi32>
    %sub3A_611 = arith.subi %slice3A_608, %sub3A_610 : vector<128x1xi32>
    %eq3A_612 = vector.broadcast %sub3A_611 : vector<128x1xi32> to vector<128x128xi32>
    %eq3A_613 = arith.cmpi eq, %eq3A_612, %iota3A_473 : vector<128x128xi32>
    %jit3A_614 = arith.constant 2.048000e+03 : f32
    %jit3A_615 = arith.constant 0.000000e+00 : f32
    %broadcast_in_dim3A_616 = vector.broadcast %jit3A_614 : f32 to vector<128x128xf32>
    %broadcast_in_dim3A_617 = vector.broadcast %jit3A_615 : f32 to vector<128x128xf32>
    %select_n3A_618 = arith.select %eq3A_613, %broadcast_in_dim3A_616, %broadcast_in_dim3A_617 : vector<128x128xi1>, vector<128x128xf32>
    %add3A_619 = arith.addf %add3A_607, %select_n3A_618 : vector<128x128xf32>
    %slice3A_620 = vector.extract_strided_slice %convert_element_type3A_19 {offsets = [3, 0, 0], sizes = [1, 128, 128], strides = [1, 1, 1]} : vector<4x128x128xf32> to vector<1x128x128xf32>
    %squeeze3A_621 = vector.shape_cast %slice3A_620 : vector<1x128x128xf32> to vector<128x128xf32>
    %dot_general3A_622 = arith.constant dense<0.000000e+00> : vector<128x128xf32>
    %dot_general3A_623 = tpu.matmul %squeeze3A_621, %add3A_619, %dot_general3A_622 {dimension_numbers = #tpu.dot_dimension_numbers<[1], [1], [0], [0], [0, 0, 1, 0], [], []>, precision = #tpu.contract_precision<fp32>, transpose_lhs_hint = false} : vector<128x128xf32>, vector<128x128xf32>, vector<128x128xf32> -> vector<128x128xf32>
    %add3A_624 = arith.addf %add3A_472, %dot_general3A_623 : vector<128x128xf32>
    %iota3A_625 = tpu.iota {dimensions = array<i32: 1>} : vector<128x128xi32>
    %mul3A = arith.constant 4096 : i32
    %mul3A_626 = vector.broadcast %mul3A : i32 to vector<128x128xi32>
    %mul3A_627 = arith.muli %iota3A_625, %mul3A_626 : vector<128x128xi32>
    %convert_element_type3A_628 = arith.fptosi %add3A_624 : vector<128x128xf32> to vector<128x128xi32>
    %add3A_629 = arith.addi %convert_element_type3A_628, %mul3A_627 : vector<128x128xi32>
    %swap3A = arith.constant 0 : index
    %swap3A_630 = arith.constant 0 : index
    %swap3A_631 = vector.load %arg3[%swap3A, %swap3A_630] : memref<128x128xi32, #tpu.memory_space<vmem>>, vector<128x128xi32>
    tpu.vector_store %arg3[%swap3A, %swap3A_630], %add3A_629 {strides = array<i32>} : memref<128x128xi32, #tpu.memory_space<vmem>>, vector<128x128xi32>,
    return
  }
}

module attributes {stable_mosaic.version = 14 : i64} {
  func.func @_addr_body(%arg0: memref<128x128xi32, #tpu.memory_space<vmem>>, %arg1: memref<256x128xi32, #tpu.memory_space<vmem>>, %arg2: memref<4x1x12xi32, #tpu.memory_space<vmem>>, %arg3: memref<4x128x10xi32, #tpu.memory_space<vmem>>, %arg4: memref<4x128x256xi32, #tpu.memory_space<vmem>>, %arg5: memref<512x256xi32, #tpu.memory_space<vmem>>) attributes {dimension_semantics = [], scalar_prefetch = 0 : i64, scratch_operands = 0 : i64, tpu.core_type = #tpu.core_type<tc>} {
    %get3A = arith.constant 0 : index
    %get3A_0 = arith.constant 0 : index
    %get3A_1 = vector.load %arg0[%get3A, %get3A_0] : memref<128x128xi32, #tpu.memory_space<vmem>>, vector<128x128xi32>
    %convert_element_type3A = arith.sitofp %get3A_1 : vector<128x128xi32> to vector<128x128xf32>
    %get3A_2 = arith.constant 0 : index
    %get3A_3 = arith.constant 0 : index
    %get3A_4 = vector.load %arg1[%get3A_2, %get3A_3] : memref<256x128xi32, #tpu.memory_space<vmem>>, vector<256x128xi32>
    %convert_element_type3A_5 = arith.sitofp %get3A_4 : vector<256x128xi32> to vector<256x128xf32>
    %get3A_6 = arith.constant 0 : index
    %get3A_7 = arith.constant 0 : index
    %get3A_8 = arith.constant 0 : index
    %get3A_9 = vector.load %arg2[%get3A_6, %get3A_7, %get3A_8] : memref<4x1x12xi32, #tpu.memory_space<vmem>>, vector<4x1x12xi32>
    %reshape3A = vector.shape_cast %get3A_9 : vector<4x1x12xi32> to vector<4x12xi32>
    %get3A_10 = arith.constant 0 : index
    %get3A_11 = arith.constant 0 : index
    %get3A_12 = arith.constant 0 : index
    %get3A_13 = vector.load %arg3[%get3A_10, %get3A_11, %get3A_12] : memref<4x128x10xi32, #tpu.memory_space<vmem>>, vector<4x128x10xi32>
    %reshape3A_14 = vector.shape_cast %get3A_13 : vector<4x128x10xi32> to vector<512x10xi32>
    %iota3A = tpu.iota {dimensions = array<i32: 1>} : vector<256x16xi32>
    %iota3A_15 = tpu.iota {dimensions = array<i32: 0>} : vector<256x16xi32>
    %sub3A = arith.constant 8 : i32
    %sub3A_16 = vector.broadcast %sub3A : i32 to vector<256x16xi32>
    %sub3A_17 = arith.subi %sub3A_16, %iota3A : vector<256x16xi32>
    %max3A = arith.constant 0 : i32
    %max3A_18 = vector.broadcast %max3A : i32 to vector<256x16xi32>
    %max3A_19 = arith.maxsi %sub3A_17, %max3A_18 : vector<256x16xi32>
    %lt3A = arith.constant 9 : i32
    %lt3A_20 = vector.broadcast %lt3A : i32 to vector<256x16xi32>
    %lt3A_21 = arith.cmpi slt, %iota3A, %lt3A_20 : vector<256x16xi32>
    %shift_right_arithmetic3A = arith.shrsi %iota3A_15, %max3A_19 : vector<256x16xi32>
    %and3A = arith.constant 1 : i32
    %and3A_22 = vector.broadcast %and3A : i32 to vector<256x16xi32>
    %and3A_23 = arith.andi %shift_right_arithmetic3A, %and3A_22 : vector<256x16xi32>
    %jit3A = arith.constant 0 : i32
    %broadcast_in_dim3A = vector.broadcast %jit3A : i32 to vector<256x16xi32>
    %select_n3A = arith.select %lt3A_21, %and3A_23, %broadcast_in_dim3A : vector<256x16xi1>, vector<256x16xi32>
    %convert_element_type3A_24 = arith.sitofp %select_n3A : vector<256x16xi32> to vector<256x16xf32>
    %concatenate3A = tpu.concatenate %convert_element_type3A_5, %convert_element_type3A_24 in 1 : vector<256x128xf32>, vector<256x16xf32> -> vector<256x144xf32>
    %iota3A_25 = tpu.iota {dimensions = array<i32: 1>} : vector<4x144xi32>
    %broadcast_in_dim3A_26 = arith.constant 0.000000e+00 : f32
    %broadcast_in_dim3A_27 = vector.broadcast %broadcast_in_dim3A_26 : f32 to vector<4x144xf32>
    %slice3A = vector.extract_strided_slice %reshape3A {offsets = [0, 0], sizes = [4, 1], strides = [1, 1]} : vector<4x12xi32> to vector<4x1xi32>
    %sub3A_28 = arith.constant 128 : i32
    %sub3A_29 = vector.broadcast %sub3A_28 : i32 to vector<4x1xi32>
    %sub3A_30 = arith.subi %slice3A, %sub3A_29 : vector<4x1xi32>
    %eq3A = vector.broadcast %sub3A_30 : vector<4x1xi32> to vector<4x144xi32>
    %eq3A_31 = arith.cmpi eq, %eq3A, %iota3A_25 : vector<4x144xi32>
    %jit3A_32 = arith.constant 1.000000e+00 : f32
    %jit3A_33 = arith.constant 0.000000e+00 : f32
    %broadcast_in_dim3A_34 = vector.broadcast %jit3A_32 : f32 to vector<4x144xf32>
    %broadcast_in_dim3A_35 = vector.broadcast %jit3A_33 : f32 to vector<4x144xf32>
    %select_n3A_36 = arith.select %eq3A_31, %broadcast_in_dim3A_34, %broadcast_in_dim3A_35 : vector<4x144xi1>, vector<4x144xf32>
    %add3A = arith.addf %broadcast_in_dim3A_27, %select_n3A_36 : vector<4x144xf32>
    %slice3A_37 = vector.extract_strided_slice %reshape3A {offsets = [0, 1], sizes = [4, 1], strides = [1, 1]} : vector<4x12xi32> to vector<4x1xi32>
    %sub3A_38 = arith.constant 128 : i32
    %sub3A_39 = vector.broadcast %sub3A_38 : i32 to vector<4x1xi32>
    %sub3A_40 = arith.subi %slice3A_37, %sub3A_39 : vector<4x1xi32>
    %eq3A_41 = vector.broadcast %sub3A_40 : vector<4x1xi32> to vector<4x144xi32>
    %eq3A_42 = arith.cmpi eq, %eq3A_41, %iota3A_25 : vector<4x144xi32>
    %jit3A_43 = arith.constant 2.000000e+00 : f32
    %jit3A_44 = arith.constant 0.000000e+00 : f32
    %broadcast_in_dim3A_45 = vector.broadcast %jit3A_43 : f32 to vector<4x144xf32>
    %broadcast_in_dim3A_46 = vector.broadcast %jit3A_44 : f32 to vector<4x144xf32>
    %select_n3A_47 = arith.select %eq3A_42, %broadcast_in_dim3A_45, %broadcast_in_dim3A_46 : vector<4x144xi1>, vector<4x144xf32>
    %add3A_48 = arith.addf %add3A, %select_n3A_47 : vector<4x144xf32>
    %slice3A_49 = vector.extract_strided_slice %reshape3A {offsets = [0, 2], sizes = [4, 1], strides = [1, 1]} : vector<4x12xi32> to vector<4x1xi32>
    %sub3A_50 = arith.constant 128 : i32
    %sub3A_51 = vector.broadcast %sub3A_50 : i32 to vector<4x1xi32>
    %sub3A_52 = arith.subi %slice3A_49, %sub3A_51 : vector<4x1xi32>
    %eq3A_53 = vector.broadcast %sub3A_52 : vector<4x1xi32> to vector<4x144xi32>
    %eq3A_54 = arith.cmpi eq, %eq3A_53, %iota3A_25 : vector<4x144xi32>
    %jit3A_55 = arith.constant 4.000000e+00 : f32
    %jit3A_56 = arith.constant 0.000000e+00 : f32
    %broadcast_in_dim3A_57 = vector.broadcast %jit3A_55 : f32 to vector<4x144xf32>
    %broadcast_in_dim3A_58 = vector.broadcast %jit3A_56 : f32 to vector<4x144xf32>
    %select_n3A_59 = arith.select %eq3A_54, %broadcast_in_dim3A_57, %broadcast_in_dim3A_58 : vector<4x144xi1>, vector<4x144xf32>
    %add3A_60 = arith.addf %add3A_48, %select_n3A_59 : vector<4x144xf32>
    %slice3A_61 = vector.extract_strided_slice %reshape3A {offsets = [0, 3], sizes = [4, 1], strides = [1, 1]} : vector<4x12xi32> to vector<4x1xi32>
    %sub3A_62 = arith.constant 128 : i32
    %sub3A_63 = vector.broadcast %sub3A_62 : i32 to vector<4x1xi32>
    %sub3A_64 = arith.subi %slice3A_61, %sub3A_63 : vector<4x1xi32>
    %eq3A_65 = vector.broadcast %sub3A_64 : vector<4x1xi32> to vector<4x144xi32>
    %eq3A_66 = arith.cmpi eq, %eq3A_65, %iota3A_25 : vector<4x144xi32>
    %jit3A_67 = arith.constant 8.000000e+00 : f32
    %jit3A_68 = arith.constant 0.000000e+00 : f32
    %broadcast_in_dim3A_69 = vector.broadcast %jit3A_67 : f32 to vector<4x144xf32>
    %broadcast_in_dim3A_70 = vector.broadcast %jit3A_68 : f32 to vector<4x144xf32>
    %select_n3A_71 = arith.select %eq3A_66, %broadcast_in_dim3A_69, %broadcast_in_dim3A_70 : vector<4x144xi1>, vector<4x144xf32>
    %add3A_72 = arith.addf %add3A_60, %select_n3A_71 : vector<4x144xf32>
    %slice3A_73 = vector.extract_strided_slice %reshape3A {offsets = [0, 4], sizes = [4, 1], strides = [1, 1]} : vector<4x12xi32> to vector<4x1xi32>
    %sub3A_74 = arith.constant 128 : i32
    %sub3A_75 = vector.broadcast %sub3A_74 : i32 to vector<4x1xi32>
    %sub3A_76 = arith.subi %slice3A_73, %sub3A_75 : vector<4x1xi32>
    %eq3A_77 = vector.broadcast %sub3A_76 : vector<4x1xi32> to vector<4x144xi32>
    %eq3A_78 = arith.cmpi eq, %eq3A_77, %iota3A_25 : vector<4x144xi32>
    %jit3A_79 = arith.constant 1.600000e+01 : f32
    %jit3A_80 = arith.constant 0.000000e+00 : f32
    %broadcast_in_dim3A_81 = vector.broadcast %jit3A_79 : f32 to vector<4x144xf32>
    %broadcast_in_dim3A_82 = vector.broadcast %jit3A_80 : f32 to vector<4x144xf32>
    %select_n3A_83 = arith.select %eq3A_78, %broadcast_in_dim3A_81, %broadcast_in_dim3A_82 : vector<4x144xi1>, vector<4x144xf32>
    %add3A_84 = arith.addf %add3A_72, %select_n3A_83 : vector<4x144xf32>
    %slice3A_85 = vector.extract_strided_slice %reshape3A {offsets = [0, 5], sizes = [4, 1], strides = [1, 1]} : vector<4x12xi32> to vector<4x1xi32>
    %sub3A_86 = arith.constant 128 : i32
    %sub3A_87 = vector.broadcast %sub3A_86 : i32 to vector<4x1xi32>
    %sub3A_88 = arith.subi %slice3A_85, %sub3A_87 : vector<4x1xi32>
    %eq3A_89 = vector.broadcast %sub3A_88 : vector<4x1xi32> to vector<4x144xi32>
    %eq3A_90 = arith.cmpi eq, %eq3A_89, %iota3A_25 : vector<4x144xi32>
    %jit3A_91 = arith.constant 3.200000e+01 : f32
    %jit3A_92 = arith.constant 0.000000e+00 : f32
    %broadcast_in_dim3A_93 = vector.broadcast %jit3A_91 : f32 to vector<4x144xf32>
    %broadcast_in_dim3A_94 = vector.broadcast %jit3A_92 : f32 to vector<4x144xf32>
    %select_n3A_95 = arith.select %eq3A_90, %broadcast_in_dim3A_93, %broadcast_in_dim3A_94 : vector<4x144xi1>, vector<4x144xf32>
    %add3A_96 = arith.addf %add3A_84, %select_n3A_95 : vector<4x144xf32>
    %slice3A_97 = vector.extract_strided_slice %reshape3A {offsets = [0, 6], sizes = [4, 1], strides = [1, 1]} : vector<4x12xi32> to vector<4x1xi32>
    %sub3A_98 = arith.constant 128 : i32
    %sub3A_99 = vector.broadcast %sub3A_98 : i32 to vector<4x1xi32>
    %sub3A_100 = arith.subi %slice3A_97, %sub3A_99 : vector<4x1xi32>
    %eq3A_101 = vector.broadcast %sub3A_100 : vector<4x1xi32> to vector<4x144xi32>
    %eq3A_102 = arith.cmpi eq, %eq3A_101, %iota3A_25 : vector<4x144xi32>
    %jit3A_103 = arith.constant 6.400000e+01 : f32
    %jit3A_104 = arith.constant 0.000000e+00 : f32
    %broadcast_in_dim3A_105 = vector.broadcast %jit3A_103 : f32 to vector<4x144xf32>
    %broadcast_in_dim3A_106 = vector.broadcast %jit3A_104 : f32 to vector<4x144xf32>
    %select_n3A_107 = arith.select %eq3A_102, %broadcast_in_dim3A_105, %broadcast_in_dim3A_106 : vector<4x144xi1>, vector<4x144xf32>
    %add3A_108 = arith.addf %add3A_96, %select_n3A_107 : vector<4x144xf32>
    %slice3A_109 = vector.extract_strided_slice %reshape3A {offsets = [0, 7], sizes = [4, 1], strides = [1, 1]} : vector<4x12xi32> to vector<4x1xi32>
    %sub3A_110 = arith.constant 128 : i32
    %sub3A_111 = vector.broadcast %sub3A_110 : i32 to vector<4x1xi32>
    %sub3A_112 = arith.subi %slice3A_109, %sub3A_111 : vector<4x1xi32>
    %eq3A_113 = vector.broadcast %sub3A_112 : vector<4x1xi32> to vector<4x144xi32>
    %eq3A_114 = arith.cmpi eq, %eq3A_113, %iota3A_25 : vector<4x144xi32>
    %jit3A_115 = arith.constant 1.280000e+02 : f32
    %jit3A_116 = arith.constant 0.000000e+00 : f32
    %broadcast_in_dim3A_117 = vector.broadcast %jit3A_115 : f32 to vector<4x144xf32>
    %broadcast_in_dim3A_118 = vector.broadcast %jit3A_116 : f32 to vector<4x144xf32>
    %select_n3A_119 = arith.select %eq3A_114, %broadcast_in_dim3A_117, %broadcast_in_dim3A_118 : vector<4x144xi1>, vector<4x144xf32>
    %add3A_120 = arith.addf %add3A_108, %select_n3A_119 : vector<4x144xf32>
    %slice3A_121 = vector.extract_strided_slice %reshape3A {offsets = [0, 8], sizes = [4, 1], strides = [1, 1]} : vector<4x12xi32> to vector<4x1xi32>
    %sub3A_122 = arith.constant 128 : i32
    %sub3A_123 = vector.broadcast %sub3A_122 : i32 to vector<4x1xi32>
    %sub3A_124 = arith.subi %slice3A_121, %sub3A_123 : vector<4x1xi32>
    %eq3A_125 = vector.broadcast %sub3A_124 : vector<4x1xi32> to vector<4x144xi32>
    %eq3A_126 = arith.cmpi eq, %eq3A_125, %iota3A_25 : vector<4x144xi32>
    %jit3A_127 = arith.constant 2.560000e+02 : f32
    %jit3A_128 = arith.constant 0.000000e+00 : f32
    %broadcast_in_dim3A_129 = vector.broadcast %jit3A_127 : f32 to vector<4x144xf32>
    %broadcast_in_dim3A_130 = vector.broadcast %jit3A_128 : f32 to vector<4x144xf32>
    %select_n3A_131 = arith.select %eq3A_126, %broadcast_in_dim3A_129, %broadcast_in_dim3A_130 : vector<4x144xi1>, vector<4x144xf32>
    %add3A_132 = arith.addf %add3A_120, %select_n3A_131 : vector<4x144xf32>
    %slice3A_133 = vector.extract_strided_slice %reshape3A {offsets = [0, 9], sizes = [4, 1], strides = [1, 1]} : vector<4x12xi32> to vector<4x1xi32>
    %sub3A_134 = arith.constant 128 : i32
    %sub3A_135 = vector.broadcast %sub3A_134 : i32 to vector<4x1xi32>
    %sub3A_136 = arith.subi %slice3A_133, %sub3A_135 : vector<4x1xi32>
    %eq3A_137 = vector.broadcast %sub3A_136 : vector<4x1xi32> to vector<4x144xi32>
    %eq3A_138 = arith.cmpi eq, %eq3A_137, %iota3A_25 : vector<4x144xi32>
    %jit3A_139 = arith.constant 5.120000e+02 : f32
    %jit3A_140 = arith.constant 0.000000e+00 : f32
    %broadcast_in_dim3A_141 = vector.broadcast %jit3A_139 : f32 to vector<4x144xf32>
    %broadcast_in_dim3A_142 = vector.broadcast %jit3A_140 : f32 to vector<4x144xf32>
    %select_n3A_143 = arith.select %eq3A_138, %broadcast_in_dim3A_141, %broadcast_in_dim3A_142 : vector<4x144xi1>, vector<4x144xf32>
    %add3A_144 = arith.addf %add3A_132, %select_n3A_143 : vector<4x144xf32>
    %slice3A_145 = vector.extract_strided_slice %reshape3A {offsets = [0, 10], sizes = [4, 1], strides = [1, 1]} : vector<4x12xi32> to vector<4x1xi32>
    %sub3A_146 = arith.constant 128 : i32
    %sub3A_147 = vector.broadcast %sub3A_146 : i32 to vector<4x1xi32>
    %sub3A_148 = arith.subi %slice3A_145, %sub3A_147 : vector<4x1xi32>
    %eq3A_149 = vector.broadcast %sub3A_148 : vector<4x1xi32> to vector<4x144xi32>
    %eq3A_150 = arith.cmpi eq, %eq3A_149, %iota3A_25 : vector<4x144xi32>
    %jit3A_151 = arith.constant 1.024000e+03 : f32
    %jit3A_152 = arith.constant 0.000000e+00 : f32
    %broadcast_in_dim3A_153 = vector.broadcast %jit3A_151 : f32 to vector<4x144xf32>
    %broadcast_in_dim3A_154 = vector.broadcast %jit3A_152 : f32 to vector<4x144xf32>
    %select_n3A_155 = arith.select %eq3A_150, %broadcast_in_dim3A_153, %broadcast_in_dim3A_154 : vector<4x144xi1>, vector<4x144xf32>
    %add3A_156 = arith.addf %add3A_144, %select_n3A_155 : vector<4x144xf32>
    %slice3A_157 = vector.extract_strided_slice %reshape3A {offsets = [0, 11], sizes = [4, 1], strides = [1, 1]} : vector<4x12xi32> to vector<4x1xi32>
    %sub3A_158 = arith.constant 128 : i32
    %sub3A_159 = vector.broadcast %sub3A_158 : i32 to vector<4x1xi32>
    %sub3A_160 = arith.subi %slice3A_157, %sub3A_159 : vector<4x1xi32>
    %eq3A_161 = vector.broadcast %sub3A_160 : vector<4x1xi32> to vector<4x144xi32>
    %eq3A_162 = arith.cmpi eq, %eq3A_161, %iota3A_25 : vector<4x144xi32>
    %jit3A_163 = arith.constant 2.048000e+03 : f32
    %jit3A_164 = arith.constant 0.000000e+00 : f32
    %broadcast_in_dim3A_165 = vector.broadcast %jit3A_163 : f32 to vector<4x144xf32>
    %broadcast_in_dim3A_166 = vector.broadcast %jit3A_164 : f32 to vector<4x144xf32>
    %select_n3A_167 = arith.select %eq3A_162, %broadcast_in_dim3A_165, %broadcast_in_dim3A_166 : vector<4x144xi1>, vector<4x144xf32>
    %add3A_168 = arith.addf %add3A_156, %select_n3A_167 : vector<4x144xf32>
    %iota3A_169 = tpu.iota {dimensions = array<i32: 1>} : vector<512x144xi32>
    %broadcast_in_dim3A_170 = arith.constant 0.000000e+00 : f32
    %broadcast_in_dim3A_171 = vector.broadcast %broadcast_in_dim3A_170 : f32 to vector<512x144xf32>
    %slice3A_172 = vector.extract_strided_slice %reshape3A_14 {offsets = [0, 0], sizes = [512, 1], strides = [1, 1]} : vector<512x10xi32> to vector<512x1xi32>
    %sub3A_173 = arith.constant 0 : i32
    %sub3A_174 = vector.broadcast %sub3A_173 : i32 to vector<512x1xi32>
    %sub3A_175 = arith.subi %slice3A_172, %sub3A_174 : vector<512x1xi32>
    %eq3A_176 = vector.broadcast %sub3A_175 : vector<512x1xi32> to vector<512x144xi32>
    %eq3A_177 = arith.cmpi eq, %eq3A_176, %iota3A_169 : vector<512x144xi32>
    %jit3A_178 = arith.constant 1.000000e+00 : f32
    %jit3A_179 = arith.constant 0.000000e+00 : f32
    %broadcast_in_dim3A_180 = vector.broadcast %jit3A_178 : f32 to vector<512x144xf32>
    %broadcast_in_dim3A_181 = vector.broadcast %jit3A_179 : f32 to vector<512x144xf32>
    %select_n3A_182 = arith.select %eq3A_177, %broadcast_in_dim3A_180, %broadcast_in_dim3A_181 : vector<512x144xi1>, vector<512x144xf32>
    %add3A_183 = arith.addf %broadcast_in_dim3A_171, %select_n3A_182 : vector<512x144xf32>
    %slice3A_184 = vector.extract_strided_slice %reshape3A_14 {offsets = [0, 1], sizes = [512, 1], strides = [1, 1]} : vector<512x10xi32> to vector<512x1xi32>
    %sub3A_185 = arith.constant 0 : i32
    %sub3A_186 = vector.broadcast %sub3A_185 : i32 to vector<512x1xi32>
    %sub3A_187 = arith.subi %slice3A_184, %sub3A_186 : vector<512x1xi32>
    %eq3A_188 = vector.broadcast %sub3A_187 : vector<512x1xi32> to vector<512x144xi32>
    %eq3A_189 = arith.cmpi eq, %eq3A_188, %iota3A_169 : vector<512x144xi32>
    %jit3A_190 = arith.constant 2.000000e+00 : f32
    %jit3A_191 = arith.constant 0.000000e+00 : f32
    %broadcast_in_dim3A_192 = vector.broadcast %jit3A_190 : f32 to vector<512x144xf32>
    %broadcast_in_dim3A_193 = vector.broadcast %jit3A_191 : f32 to vector<512x144xf32>
    %select_n3A_194 = arith.select %eq3A_189, %broadcast_in_dim3A_192, %broadcast_in_dim3A_193 : vector<512x144xi1>, vector<512x144xf32>
    %add3A_195 = arith.addf %add3A_183, %select_n3A_194 : vector<512x144xf32>
    %slice3A_196 = vector.extract_strided_slice %reshape3A_14 {offsets = [0, 2], sizes = [512, 1], strides = [1, 1]} : vector<512x10xi32> to vector<512x1xi32>
    %sub3A_197 = arith.constant 0 : i32
    %sub3A_198 = vector.broadcast %sub3A_197 : i32 to vector<512x1xi32>
    %sub3A_199 = arith.subi %slice3A_196, %sub3A_198 : vector<512x1xi32>
    %eq3A_200 = vector.broadcast %sub3A_199 : vector<512x1xi32> to vector<512x144xi32>
    %eq3A_201 = arith.cmpi eq, %eq3A_200, %iota3A_169 : vector<512x144xi32>
    %jit3A_202 = arith.constant 4.000000e+00 : f32
    %jit3A_203 = arith.constant 0.000000e+00 : f32
    %broadcast_in_dim3A_204 = vector.broadcast %jit3A_202 : f32 to vector<512x144xf32>
    %broadcast_in_dim3A_205 = vector.broadcast %jit3A_203 : f32 to vector<512x144xf32>
    %select_n3A_206 = arith.select %eq3A_201, %broadcast_in_dim3A_204, %broadcast_in_dim3A_205 : vector<512x144xi1>, vector<512x144xf32>
    %add3A_207 = arith.addf %add3A_195, %select_n3A_206 : vector<512x144xf32>
    %slice3A_208 = vector.extract_strided_slice %reshape3A_14 {offsets = [0, 3], sizes = [512, 1], strides = [1, 1]} : vector<512x10xi32> to vector<512x1xi32>
    %sub3A_209 = arith.constant 0 : i32
    %sub3A_210 = vector.broadcast %sub3A_209 : i32 to vector<512x1xi32>
    %sub3A_211 = arith.subi %slice3A_208, %sub3A_210 : vector<512x1xi32>
    %eq3A_212 = vector.broadcast %sub3A_211 : vector<512x1xi32> to vector<512x144xi32>
    %eq3A_213 = arith.cmpi eq, %eq3A_212, %iota3A_169 : vector<512x144xi32>
    %jit3A_214 = arith.constant 8.000000e+00 : f32
    %jit3A_215 = arith.constant 0.000000e+00 : f32
    %broadcast_in_dim3A_216 = vector.broadcast %jit3A_214 : f32 to vector<512x144xf32>
    %broadcast_in_dim3A_217 = vector.broadcast %jit3A_215 : f32 to vector<512x144xf32>
    %select_n3A_218 = arith.select %eq3A_213, %broadcast_in_dim3A_216, %broadcast_in_dim3A_217 : vector<512x144xi1>, vector<512x144xf32>
    %add3A_219 = arith.addf %add3A_207, %select_n3A_218 : vector<512x144xf32>
    %slice3A_220 = vector.extract_strided_slice %reshape3A_14 {offsets = [0, 4], sizes = [512, 1], strides = [1, 1]} : vector<512x10xi32> to vector<512x1xi32>
    %sub3A_221 = arith.constant 0 : i32
    %sub3A_222 = vector.broadcast %sub3A_221 : i32 to vector<512x1xi32>
    %sub3A_223 = arith.subi %slice3A_220, %sub3A_222 : vector<512x1xi32>
    %eq3A_224 = vector.broadcast %sub3A_223 : vector<512x1xi32> to vector<512x144xi32>
    %eq3A_225 = arith.cmpi eq, %eq3A_224, %iota3A_169 : vector<512x144xi32>
    %jit3A_226 = arith.constant 1.600000e+01 : f32
    %jit3A_227 = arith.constant 0.000000e+00 : f32
    %broadcast_in_dim3A_228 = vector.broadcast %jit3A_226 : f32 to vector<512x144xf32>
    %broadcast_in_dim3A_229 = vector.broadcast %jit3A_227 : f32 to vector<512x144xf32>
    %select_n3A_230 = arith.select %eq3A_225, %broadcast_in_dim3A_228, %broadcast_in_dim3A_229 : vector<512x144xi1>, vector<512x144xf32>
    %add3A_231 = arith.addf %add3A_219, %select_n3A_230 : vector<512x144xf32>
    %slice3A_232 = vector.extract_strided_slice %reshape3A_14 {offsets = [0, 5], sizes = [512, 1], strides = [1, 1]} : vector<512x10xi32> to vector<512x1xi32>
    %sub3A_233 = arith.constant 0 : i32
    %sub3A_234 = vector.broadcast %sub3A_233 : i32 to vector<512x1xi32>
    %sub3A_235 = arith.subi %slice3A_232, %sub3A_234 : vector<512x1xi32>
    %eq3A_236 = vector.broadcast %sub3A_235 : vector<512x1xi32> to vector<512x144xi32>
    %eq3A_237 = arith.cmpi eq, %eq3A_236, %iota3A_169 : vector<512x144xi32>
    %jit3A_238 = arith.constant 3.200000e+01 : f32
    %jit3A_239 = arith.constant 0.000000e+00 : f32
    %broadcast_in_dim3A_240 = vector.broadcast %jit3A_238 : f32 to vector<512x144xf32>
    %broadcast_in_dim3A_241 = vector.broadcast %jit3A_239 : f32 to vector<512x144xf32>
    %select_n3A_242 = arith.select %eq3A_237, %broadcast_in_dim3A_240, %broadcast_in_dim3A_241 : vector<512x144xi1>, vector<512x144xf32>
    %add3A_243 = arith.addf %add3A_231, %select_n3A_242 : vector<512x144xf32>
    %slice3A_244 = vector.extract_strided_slice %reshape3A_14 {offsets = [0, 6], sizes = [512, 1], strides = [1, 1]} : vector<512x10xi32> to vector<512x1xi32>
    %sub3A_245 = arith.constant 0 : i32
    %sub3A_246 = vector.broadcast %sub3A_245 : i32 to vector<512x1xi32>
    %sub3A_247 = arith.subi %slice3A_244, %sub3A_246 : vector<512x1xi32>
    %eq3A_248 = vector.broadcast %sub3A_247 : vector<512x1xi32> to vector<512x144xi32>
    %eq3A_249 = arith.cmpi eq, %eq3A_248, %iota3A_169 : vector<512x144xi32>
    %jit3A_250 = arith.constant 6.400000e+01 : f32
    %jit3A_251 = arith.constant 0.000000e+00 : f32
    %broadcast_in_dim3A_252 = vector.broadcast %jit3A_250 : f32 to vector<512x144xf32>
    %broadcast_in_dim3A_253 = vector.broadcast %jit3A_251 : f32 to vector<512x144xf32>
    %select_n3A_254 = arith.select %eq3A_249, %broadcast_in_dim3A_252, %broadcast_in_dim3A_253 : vector<512x144xi1>, vector<512x144xf32>
    %add3A_255 = arith.addf %add3A_243, %select_n3A_254 : vector<512x144xf32>
    %slice3A_256 = vector.extract_strided_slice %reshape3A_14 {offsets = [0, 7], sizes = [512, 1], strides = [1, 1]} : vector<512x10xi32> to vector<512x1xi32>
    %sub3A_257 = arith.constant 0 : i32
    %sub3A_258 = vector.broadcast %sub3A_257 : i32 to vector<512x1xi32>
    %sub3A_259 = arith.subi %slice3A_256, %sub3A_258 : vector<512x1xi32>
    %eq3A_260 = vector.broadcast %sub3A_259 : vector<512x1xi32> to vector<512x144xi32>
    %eq3A_261 = arith.cmpi eq, %eq3A_260, %iota3A_169 : vector<512x144xi32>
    %jit3A_262 = arith.constant 1.280000e+02 : f32
    %jit3A_263 = arith.constant 0.000000e+00 : f32
    %broadcast_in_dim3A_264 = vector.broadcast %jit3A_262 : f32 to vector<512x144xf32>
    %broadcast_in_dim3A_265 = vector.broadcast %jit3A_263 : f32 to vector<512x144xf32>
    %select_n3A_266 = arith.select %eq3A_261, %broadcast_in_dim3A_264, %broadcast_in_dim3A_265 : vector<512x144xi1>, vector<512x144xf32>
    %add3A_267 = arith.addf %add3A_255, %select_n3A_266 : vector<512x144xf32>
    %slice3A_268 = vector.extract_strided_slice %reshape3A_14 {offsets = [0, 8], sizes = [512, 1], strides = [1, 1]} : vector<512x10xi32> to vector<512x1xi32>
    %sub3A_269 = arith.constant 0 : i32
    %sub3A_270 = vector.broadcast %sub3A_269 : i32 to vector<512x1xi32>
    %sub3A_271 = arith.subi %slice3A_268, %sub3A_270 : vector<512x1xi32>
    %eq3A_272 = vector.broadcast %sub3A_271 : vector<512x1xi32> to vector<512x144xi32>
    %eq3A_273 = arith.cmpi eq, %eq3A_272, %iota3A_169 : vector<512x144xi32>
    %jit3A_274 = arith.constant 2.560000e+02 : f32
    %jit3A_275 = arith.constant 0.000000e+00 : f32
    %broadcast_in_dim3A_276 = vector.broadcast %jit3A_274 : f32 to vector<512x144xf32>
    %broadcast_in_dim3A_277 = vector.broadcast %jit3A_275 : f32 to vector<512x144xf32>
    %select_n3A_278 = arith.select %eq3A_273, %broadcast_in_dim3A_276, %broadcast_in_dim3A_277 : vector<512x144xi1>, vector<512x144xf32>
    %add3A_279 = arith.addf %add3A_267, %select_n3A_278 : vector<512x144xf32>
    %slice3A_280 = vector.extract_strided_slice %reshape3A_14 {offsets = [0, 9], sizes = [512, 1], strides = [1, 1]} : vector<512x10xi32> to vector<512x1xi32>
    %sub3A_281 = arith.constant 0 : i32
    %sub3A_282 = vector.broadcast %sub3A_281 : i32 to vector<512x1xi32>
    %sub3A_283 = arith.subi %slice3A_280, %sub3A_282 : vector<512x1xi32>
    %eq3A_284 = vector.broadcast %sub3A_283 : vector<512x1xi32> to vector<512x144xi32>
    %eq3A_285 = arith.cmpi eq, %eq3A_284, %iota3A_169 : vector<512x144xi32>
    %jit3A_286 = arith.constant 5.120000e+02 : f32
    %jit3A_287 = arith.constant 0.000000e+00 : f32
    %broadcast_in_dim3A_288 = vector.broadcast %jit3A_286 : f32 to vector<512x144xf32>
    %broadcast_in_dim3A_289 = vector.broadcast %jit3A_287 : f32 to vector<512x144xf32>
    %select_n3A_290 = arith.select %eq3A_285, %broadcast_in_dim3A_288, %broadcast_in_dim3A_289 : vector<512x144xi1>, vector<512x144xf32>
    %add3A_291 = arith.addf %add3A_279, %select_n3A_290 : vector<512x144xf32>
    %iota3A_292 = tpu.iota {dimensions = array<i32: 1>} : vector<4x128xi32>
    %broadcast_in_dim3A_293 = arith.constant 0.000000e+00 : f32
    %broadcast_in_dim3A_294 = vector.broadcast %broadcast_in_dim3A_293 : f32 to vector<4x128xf32>
    %slice3A_295 = vector.extract_strided_slice %reshape3A {offsets = [0, 0], sizes = [4, 1], strides = [1, 1]} : vector<4x12xi32> to vector<4x1xi32>
    %sub3A_296 = arith.constant 0 : i32
    %sub3A_297 = vector.broadcast %sub3A_296 : i32 to vector<4x1xi32>
    %sub3A_298 = arith.subi %slice3A_295, %sub3A_297 : vector<4x1xi32>
    %eq3A_299 = vector.broadcast %sub3A_298 : vector<4x1xi32> to vector<4x128xi32>
    %eq3A_300 = arith.cmpi eq, %eq3A_299, %iota3A_292 : vector<4x128xi32>
    %jit3A_301 = arith.constant 1.000000e+00 : f32
    %jit3A_302 = arith.constant 0.000000e+00 : f32
    %broadcast_in_dim3A_303 = vector.broadcast %jit3A_301 : f32 to vector<4x128xf32>
    %broadcast_in_dim3A_304 = vector.broadcast %jit3A_302 : f32 to vector<4x128xf32>
    %select_n3A_305 = arith.select %eq3A_300, %broadcast_in_dim3A_303, %broadcast_in_dim3A_304 : vector<4x128xi1>, vector<4x128xf32>
    %add3A_306 = arith.addf %broadcast_in_dim3A_294, %select_n3A_305 : vector<4x128xf32>
    %slice3A_307 = vector.extract_strided_slice %reshape3A {offsets = [0, 1], sizes = [4, 1], strides = [1, 1]} : vector<4x12xi32> to vector<4x1xi32>
    %sub3A_308 = arith.constant 0 : i32
    %sub3A_309 = vector.broadcast %sub3A_308 : i32 to vector<4x1xi32>
    %sub3A_310 = arith.subi %slice3A_307, %sub3A_309 : vector<4x1xi32>
    %eq3A_311 = vector.broadcast %sub3A_310 : vector<4x1xi32> to vector<4x128xi32>
    %eq3A_312 = arith.cmpi eq, %eq3A_311, %iota3A_292 : vector<4x128xi32>
    %jit3A_313 = arith.constant 2.000000e+00 : f32
    %jit3A_314 = arith.constant 0.000000e+00 : f32
    %broadcast_in_dim3A_315 = vector.broadcast %jit3A_313 : f32 to vector<4x128xf32>
    %broadcast_in_dim3A_316 = vector.broadcast %jit3A_314 : f32 to vector<4x128xf32>
    %select_n3A_317 = arith.select %eq3A_312, %broadcast_in_dim3A_315, %broadcast_in_dim3A_316 : vector<4x128xi1>, vector<4x128xf32>
    %add3A_318 = arith.addf %add3A_306, %select_n3A_317 : vector<4x128xf32>
    %slice3A_319 = vector.extract_strided_slice %reshape3A {offsets = [0, 2], sizes = [4, 1], strides = [1, 1]} : vector<4x12xi32> to vector<4x1xi32>
    %sub3A_320 = arith.constant 0 : i32
    %sub3A_321 = vector.broadcast %sub3A_320 : i32 to vector<4x1xi32>
    %sub3A_322 = arith.subi %slice3A_319, %sub3A_321 : vector<4x1xi32>
    %eq3A_323 = vector.broadcast %sub3A_322 : vector<4x1xi32> to vector<4x128xi32>
    %eq3A_324 = arith.cmpi eq, %eq3A_323, %iota3A_292 : vector<4x128xi32>
    %jit3A_325 = arith.constant 4.000000e+00 : f32
    %jit3A_326 = arith.constant 0.000000e+00 : f32
    %broadcast_in_dim3A_327 = vector.broadcast %jit3A_325 : f32 to vector<4x128xf32>
    %broadcast_in_dim3A_328 = vector.broadcast %jit3A_326 : f32 to vector<4x128xf32>
    %select_n3A_329 = arith.select %eq3A_324, %broadcast_in_dim3A_327, %broadcast_in_dim3A_328 : vector<4x128xi1>, vector<4x128xf32>
    %add3A_330 = arith.addf %add3A_318, %select_n3A_329 : vector<4x128xf32>
    %slice3A_331 = vector.extract_strided_slice %reshape3A {offsets = [0, 3], sizes = [4, 1], strides = [1, 1]} : vector<4x12xi32> to vector<4x1xi32>
    %sub3A_332 = arith.constant 0 : i32
    %sub3A_333 = vector.broadcast %sub3A_332 : i32 to vector<4x1xi32>
    %sub3A_334 = arith.subi %slice3A_331, %sub3A_333 : vector<4x1xi32>
    %eq3A_335 = vector.broadcast %sub3A_334 : vector<4x1xi32> to vector<4x128xi32>
    %eq3A_336 = arith.cmpi eq, %eq3A_335, %iota3A_292 : vector<4x128xi32>
    %jit3A_337 = arith.constant 8.000000e+00 : f32
    %jit3A_338 = arith.constant 0.000000e+00 : f32
    %broadcast_in_dim3A_339 = vector.broadcast %jit3A_337 : f32 to vector<4x128xf32>
    %broadcast_in_dim3A_340 = vector.broadcast %jit3A_338 : f32 to vector<4x128xf32>
    %select_n3A_341 = arith.select %eq3A_336, %broadcast_in_dim3A_339, %broadcast_in_dim3A_340 : vector<4x128xi1>, vector<4x128xf32>
    %add3A_342 = arith.addf %add3A_330, %select_n3A_341 : vector<4x128xf32>
    %slice3A_343 = vector.extract_strided_slice %reshape3A {offsets = [0, 4], sizes = [4, 1], strides = [1, 1]} : vector<4x12xi32> to vector<4x1xi32>
    %sub3A_344 = arith.constant 0 : i32
    %sub3A_345 = vector.broadcast %sub3A_344 : i32 to vector<4x1xi32>
    %sub3A_346 = arith.subi %slice3A_343, %sub3A_345 : vector<4x1xi32>
    %eq3A_347 = vector.broadcast %sub3A_346 : vector<4x1xi32> to vector<4x128xi32>
    %eq3A_348 = arith.cmpi eq, %eq3A_347, %iota3A_292 : vector<4x128xi32>
    %jit3A_349 = arith.constant 1.600000e+01 : f32
    %jit3A_350 = arith.constant 0.000000e+00 : f32
    %broadcast_in_dim3A_351 = vector.broadcast %jit3A_349 : f32 to vector<4x128xf32>
    %broadcast_in_dim3A_352 = vector.broadcast %jit3A_350 : f32 to vector<4x128xf32>
    %select_n3A_353 = arith.select %eq3A_348, %broadcast_in_dim3A_351, %broadcast_in_dim3A_352 : vector<4x128xi1>, vector<4x128xf32>
    %add3A_354 = arith.addf %add3A_342, %select_n3A_353 : vector<4x128xf32>
    %slice3A_355 = vector.extract_strided_slice %reshape3A {offsets = [0, 5], sizes = [4, 1], strides = [1, 1]} : vector<4x12xi32> to vector<4x1xi32>
    %sub3A_356 = arith.constant 0 : i32
    %sub3A_357 = vector.broadcast %sub3A_356 : i32 to vector<4x1xi32>
    %sub3A_358 = arith.subi %slice3A_355, %sub3A_357 : vector<4x1xi32>
    %eq3A_359 = vector.broadcast %sub3A_358 : vector<4x1xi32> to vector<4x128xi32>
    %eq3A_360 = arith.cmpi eq, %eq3A_359, %iota3A_292 : vector<4x128xi32>
    %jit3A_361 = arith.constant 3.200000e+01 : f32
    %jit3A_362 = arith.constant 0.000000e+00 : f32
    %broadcast_in_dim3A_363 = vector.broadcast %jit3A_361 : f32 to vector<4x128xf32>
    %broadcast_in_dim3A_364 = vector.broadcast %jit3A_362 : f32 to vector<4x128xf32>
    %select_n3A_365 = arith.select %eq3A_360, %broadcast_in_dim3A_363, %broadcast_in_dim3A_364 : vector<4x128xi1>, vector<4x128xf32>
    %add3A_366 = arith.addf %add3A_354, %select_n3A_365 : vector<4x128xf32>
    %slice3A_367 = vector.extract_strided_slice %reshape3A {offsets = [0, 6], sizes = [4, 1], strides = [1, 1]} : vector<4x12xi32> to vector<4x1xi32>
    %sub3A_368 = arith.constant 0 : i32
    %sub3A_369 = vector.broadcast %sub3A_368 : i32 to vector<4x1xi32>
    %sub3A_370 = arith.subi %slice3A_367, %sub3A_369 : vector<4x1xi32>
    %eq3A_371 = vector.broadcast %sub3A_370 : vector<4x1xi32> to vector<4x128xi32>
    %eq3A_372 = arith.cmpi eq, %eq3A_371, %iota3A_292 : vector<4x128xi32>
    %jit3A_373 = arith.constant 6.400000e+01 : f32
    %jit3A_374 = arith.constant 0.000000e+00 : f32
    %broadcast_in_dim3A_375 = vector.broadcast %jit3A_373 : f32 to vector<4x128xf32>
    %broadcast_in_dim3A_376 = vector.broadcast %jit3A_374 : f32 to vector<4x128xf32>
    %select_n3A_377 = arith.select %eq3A_372, %broadcast_in_dim3A_375, %broadcast_in_dim3A_376 : vector<4x128xi1>, vector<4x128xf32>
    %add3A_378 = arith.addf %add3A_366, %select_n3A_377 : vector<4x128xf32>
    %slice3A_379 = vector.extract_strided_slice %reshape3A {offsets = [0, 7], sizes = [4, 1], strides = [1, 1]} : vector<4x12xi32> to vector<4x1xi32>
    %sub3A_380 = arith.constant 0 : i32
    %sub3A_381 = vector.broadcast %sub3A_380 : i32 to vector<4x1xi32>
    %sub3A_382 = arith.subi %slice3A_379, %sub3A_381 : vector<4x1xi32>
    %eq3A_383 = vector.broadcast %sub3A_382 : vector<4x1xi32> to vector<4x128xi32>
    %eq3A_384 = arith.cmpi eq, %eq3A_383, %iota3A_292 : vector<4x128xi32>
    %jit3A_385 = arith.constant 1.280000e+02 : f32
    %jit3A_386 = arith.constant 0.000000e+00 : f32
    %broadcast_in_dim3A_387 = vector.broadcast %jit3A_385 : f32 to vector<4x128xf32>
    %broadcast_in_dim3A_388 = vector.broadcast %jit3A_386 : f32 to vector<4x128xf32>
    %select_n3A_389 = arith.select %eq3A_384, %broadcast_in_dim3A_387, %broadcast_in_dim3A_388 : vector<4x128xi1>, vector<4x128xf32>
    %add3A_390 = arith.addf %add3A_378, %select_n3A_389 : vector<4x128xf32>
    %slice3A_391 = vector.extract_strided_slice %reshape3A {offsets = [0, 8], sizes = [4, 1], strides = [1, 1]} : vector<4x12xi32> to vector<4x1xi32>
    %sub3A_392 = arith.constant 0 : i32
    %sub3A_393 = vector.broadcast %sub3A_392 : i32 to vector<4x1xi32>
    %sub3A_394 = arith.subi %slice3A_391, %sub3A_393 : vector<4x1xi32>
    %eq3A_395 = vector.broadcast %sub3A_394 : vector<4x1xi32> to vector<4x128xi32>
    %eq3A_396 = arith.cmpi eq, %eq3A_395, %iota3A_292 : vector<4x128xi32>
    %jit3A_397 = arith.constant 2.560000e+02 : f32
    %jit3A_398 = arith.constant 0.000000e+00 : f32
    %broadcast_in_dim3A_399 = vector.broadcast %jit3A_397 : f32 to vector<4x128xf32>
    %broadcast_in_dim3A_400 = vector.broadcast %jit3A_398 : f32 to vector<4x128xf32>
    %select_n3A_401 = arith.select %eq3A_396, %broadcast_in_dim3A_399, %broadcast_in_dim3A_400 : vector<4x128xi1>, vector<4x128xf32>
    %add3A_402 = arith.addf %add3A_390, %select_n3A_401 : vector<4x128xf32>
    %slice3A_403 = vector.extract_strided_slice %reshape3A {offsets = [0, 9], sizes = [4, 1], strides = [1, 1]} : vector<4x12xi32> to vector<4x1xi32>
    %sub3A_404 = arith.constant 0 : i32
    %sub3A_405 = vector.broadcast %sub3A_404 : i32 to vector<4x1xi32>
    %sub3A_406 = arith.subi %slice3A_403, %sub3A_405 : vector<4x1xi32>
    %eq3A_407 = vector.broadcast %sub3A_406 : vector<4x1xi32> to vector<4x128xi32>
    %eq3A_408 = arith.cmpi eq, %eq3A_407, %iota3A_292 : vector<4x128xi32>
    %jit3A_409 = arith.constant 5.120000e+02 : f32
    %jit3A_410 = arith.constant 0.000000e+00 : f32
    %broadcast_in_dim3A_411 = vector.broadcast %jit3A_409 : f32 to vector<4x128xf32>
    %broadcast_in_dim3A_412 = vector.broadcast %jit3A_410 : f32 to vector<4x128xf32>
    %select_n3A_413 = arith.select %eq3A_408, %broadcast_in_dim3A_411, %broadcast_in_dim3A_412 : vector<4x128xi1>, vector<4x128xf32>
    %add3A_414 = arith.addf %add3A_402, %select_n3A_413 : vector<4x128xf32>
    %slice3A_415 = vector.extract_strided_slice %reshape3A {offsets = [0, 10], sizes = [4, 1], strides = [1, 1]} : vector<4x12xi32> to vector<4x1xi32>
    %sub3A_416 = arith.constant 0 : i32
    %sub3A_417 = vector.broadcast %sub3A_416 : i32 to vector<4x1xi32>
    %sub3A_418 = arith.subi %slice3A_415, %sub3A_417 : vector<4x1xi32>
    %eq3A_419 = vector.broadcast %sub3A_418 : vector<4x1xi32> to vector<4x128xi32>
    %eq3A_420 = arith.cmpi eq, %eq3A_419, %iota3A_292 : vector<4x128xi32>
    %jit3A_421 = arith.constant 1.024000e+03 : f32
    %jit3A_422 = arith.constant 0.000000e+00 : f32
    %broadcast_in_dim3A_423 = vector.broadcast %jit3A_421 : f32 to vector<4x128xf32>
    %broadcast_in_dim3A_424 = vector.broadcast %jit3A_422 : f32 to vector<4x128xf32>
    %select_n3A_425 = arith.select %eq3A_420, %broadcast_in_dim3A_423, %broadcast_in_dim3A_424 : vector<4x128xi1>, vector<4x128xf32>
    %add3A_426 = arith.addf %add3A_414, %select_n3A_425 : vector<4x128xf32>
    %slice3A_427 = vector.extract_strided_slice %reshape3A {offsets = [0, 11], sizes = [4, 1], strides = [1, 1]} : vector<4x12xi32> to vector<4x1xi32>
    %sub3A_428 = arith.constant 0 : i32
    %sub3A_429 = vector.broadcast %sub3A_428 : i32 to vector<4x1xi32>
    %sub3A_430 = arith.subi %slice3A_427, %sub3A_429 : vector<4x1xi32>
    %eq3A_431 = vector.broadcast %sub3A_430 : vector<4x1xi32> to vector<4x128xi32>
    %eq3A_432 = arith.cmpi eq, %eq3A_431, %iota3A_292 : vector<4x128xi32>
    %jit3A_433 = arith.constant 2.048000e+03 : f32
    %jit3A_434 = arith.constant 0.000000e+00 : f32
    %broadcast_in_dim3A_435 = vector.broadcast %jit3A_433 : f32 to vector<4x128xf32>
    %broadcast_in_dim3A_436 = vector.broadcast %jit3A_434 : f32 to vector<4x128xf32>
    %select_n3A_437 = arith.select %eq3A_432, %broadcast_in_dim3A_435, %broadcast_in_dim3A_436 : vector<4x128xi1>, vector<4x128xf32>
    %add3A_438 = arith.addf %add3A_426, %select_n3A_437 : vector<4x128xf32>
    %concatenate3A_439 = tpu.concatenate %add3A_168, %add3A_291 in 0 : vector<4x144xf32>, vector<512x144xf32> -> vector<516x144xf32>
    %dot_general3A = arith.constant dense<0.000000e+00> : vector<516x256xf32>
    %dot_general3A_440 = tpu.matmul %concatenate3A_439, %concatenate3A, %dot_general3A {dimension_numbers = #tpu.dot_dimension_numbers<[1], [1], [0], [0], [0, 0, 1, 0], [], []>, precision = #tpu.contract_precision<fp32>, transpose_lhs_hint = false} : vector<516x144xf32>, vector<256x144xf32>, vector<516x256xf32> -> vector<516x256xf32>
    %dot_general3A_441 = arith.constant dense<0.000000e+00> : vector<4x128xf32>
    %dot_general3A_442 = tpu.matmul %add3A_438, %convert_element_type3A, %dot_general3A_441 {dimension_numbers = #tpu.dot_dimension_numbers<[1], [1], [0], [0], [0, 0, 1, 0], [], []>, precision = #tpu.contract_precision<fp32>, transpose_lhs_hint = false} : vector<4x128xf32>, vector<128x128xf32>, vector<4x128xf32> -> vector<4x128xf32>
    %broadcast_in_dim3A_443 = vector.shape_cast %dot_general3A_442 : vector<4x128xf32> to vector<4x128x1xf32>
    %slice3A_444 = vector.extract_strided_slice %dot_general3A_440 {offsets = [0, 0], sizes = [4, 256], strides = [1, 1]} : vector<516x256xf32> to vector<4x256xf32>
    %broadcast_in_dim3A_445 = vector.shape_cast %slice3A_444 : vector<4x256xf32> to vector<4x1x256xf32>
    %add3A_446 = vector.broadcast %broadcast_in_dim3A_443 : vector<4x128x1xf32> to vector<4x128x256xf32>
    %add3A_447 = vector.broadcast %broadcast_in_dim3A_445 : vector<4x1x256xf32> to vector<4x128x256xf32>
    %add3A_448 = arith.addf %add3A_446, %add3A_447 : vector<4x128x256xf32>
    %convert_element_type3A_449 = arith.fptosi %add3A_448 : vector<4x128x256xf32> to vector<4x128x256xi32>
    %swap3A = arith.constant 0 : index
    %swap3A_450 = arith.constant 0 : index
    %swap3A_451 = arith.constant 0 : index
    %swap3A_452 = vector.load %arg4[%swap3A, %swap3A_450, %swap3A_451] : memref<4x128x256xi32, #tpu.memory_space<vmem>>, vector<4x128x256xi32>
    tpu.vector_store %arg4[%swap3A, %swap3A_450, %swap3A_451], %convert_element_type3A_449 {strides = array<i32>} : memref<4x128x256xi32, #tpu.memory_space<vmem>>, vector<4x128x256xi32>,
    %slice3A_453 = vector.extract_strided_slice %dot_general3A_440 {offsets = [4, 0], sizes = [512, 256], strides = [1, 1]} : vector<516x256xf32> to vector<512x256xf32>
    %convert_element_type3A_454 = arith.fptosi %slice3A_453 : vector<512x256xf32> to vector<512x256xi32>
    %swap3A_455 = arith.constant 0 : index
    %swap3A_456 = arith.constant 0 : index
    %swap3A_457 = vector.load %arg5[%swap3A_455, %swap3A_456] : memref<512x256xi32, #tpu.memory_space<vmem>>, vector<512x256xi32>
    tpu.vector_store %arg5[%swap3A_455, %swap3A_456], %convert_element_type3A_454 {strides = array<i32>} : memref<512x256xi32, #tpu.memory_space<vmem>>, vector<512x256xi32>,
    return
  }
}

</mosaic_0001>

<sc_bundles>
// kernel: kernel.6.cloned.1.call-start
scs
__scs_entry_jumppad:
0x0: {  	(pc) =	sbr.rel $0x88, $3  }
0x1: {  	(tag) =	ssettag $0x0;
	lr =	simm.s32 $0x1  }
0x2: {  	[smem:$0x3F99] =	sst lr;
	_ =	strace $0xD0000000  }
0x3: {  	_ = 	snop  }
0x4: {  	_ = 	snop  }
0x5: {  	_ = 	snop  }
0x6: {  	_ = 	snop  }
0x7: {  	_ = 	snop  }
__scs_overlays_trampoline_lowered:
0x8: {  	[smem:$0x3FA8] =	sst s0  }
0x9: {  	[smem:$0x3FA9] =	sst s1  }
0xa: {  	[smem:$0x3FAA] =	sst s2  }
0xb: {  	[smem:$0x3FAB] =	sst s3  }
0xc: {  	[smem:$0x3FAC] =	sst s4  }
0xd: {  	[smem:$0x3FAD] =	sst s5  }
0xe: {  	[smem:$0x3FAE] =	sst s6  }
0xf: {  	[smem:$0x3FAF] =	sst s7  }
0x10: {  	[smem:$0x3FB0] =	sst s8  }
0x11: {  	[smem:$0x3FB1] =	sst s9;
	s0 =	simm.s32 @!p0 $0x0  }
0x12: {  	s1 =	sld [smem:$0x3F97];
	s0 =	simm.s32 @p0 $0x1  }
0x13: {  	[smem:$0x3FB2] =	sst s0;
	s0 =	simm.s32 @!p1 $0x0  }
0x14: {  	s2 =	sld [smem:$0x3F96];
	s0 =	simm.s32 @p1 $0x1  }
0x15: {  	[smem:$0x3FB3] =	sst s0;
	s0 =	simm.s32 @!p2 $0x0  }
0x16: {  	s3 =	sld [smem:$0x3FDB];
	s0 =	simm.s32 @p2 $0x1  }
0x17: {  	s4 =	simm.s32 $0x1BF5;
	[smem:$0x3FB5] =	sst s0  }
0x18: {  	s0 =	sld [smem:$0x3F98];
	_ =	swait.ge [sflag:s4], $0x0  }
0x19: {  	s7 =	sld [smem:$0x3F99]  }
0x1a: {  	s8 =	sadd.s32 $0xFFFFE003, lr  }
0x1b: {  	s9 =	sadd.s32 $0xFFFFFEF7, lr;
	s5 =	simm.s32 $0xFFFFFFFF;
	p2 =	slt.u32 s8, $0xFFFFF086  }
0x1c: {  	p1 =	slt.u32 s9, $0xF7A;
	s5 =	simm.s32 @!p2 $0x0  }
0x1d: {  	s5 =	simm.s32 @p1 $0x1;
	p0 =	seq.s32 s7, s2  }
0x1e: {  	s7 =	smul.u32 @!p0 $0xF7A, s2;
	p2 =	seq.s32 @!p0 s5, $0x0  }
0x1f: {  	s9 =	smul.u32 $0xF7A, s1;
	s8 =	simm.s32 @!p0 $0x1BF5;
	p2 =	por !p2, p0  }
0x20: {  	[sflag:s8] =	ssyncset.s32 @!p0 $0xFFFFF086;
	s6 =	sadd.s32 @!p0 s3, s7;
	s7 =	simm.s32 @!p0 $0x108  }
0x21: {  	s3 =	sadd.s32 s3, s9;
	s6 =	sadd.s32 @!p0 $0x88, s6;
	s7 =	simm.s32 @p2 $0x1082  }
0x22: {  	[simem:s7], [sflag:s8] =	dma.local @!p0 [hbm:s6], $0xF7A  }
0x23: {  	s9 =	sor.u32 $0xD0000000, s2;
	s6 =	simm.s32 $0x108;
	_ =	swait.ge @!p0 [sflag:s8], $0x0  }
0x24: {  	s3 =	sadd.s32 $0x88, s3;
	s6 =	simm.s32 @!p1 $0x1082;
	[sflag:s4] =	ssyncset.s32 $0xFFFFF086  }
0x25: {  	[simem:s6], [sflag:s4] =	dma.local [hbm:s3], $0xF7A  }
0x26: {  	[smem:$0x3F99] =	sst s1;
	(tag) =	ssettag s2;
	_ =	strace s9  }
0x27: {  	s1 =	sld [smem:$0x3FA9]  }
0x28: {  	s2 =	sld [smem:$0x3FAA]  }
0x29: {  	s4 =	sld [smem:$0x3FAC]  }
0x2a: {  	p0 =	seq.s32 s5, $0x0;
	s5 =	sld [smem:$0x3FAD]  }
0x2b: {  	s6 =	sld [smem:$0x3FAE]  }
0x2c: {  	s7 =	sld [smem:$0x3FAF]  }
0x2d: {  	s3 =	simm.s32 $0x108;
	s8 =	sld [smem:$0x3FB0]  }
0x2e: {  	s3 =	simm.s32 @!p0 $0x1082;
	s9 =	sld [smem:$0x3FB1]  }
0x2f: {  	lr =	sadd.s32 s0, s3;
	s0 =	sld [smem:$0x3FA8]  }
0x30: {  	s3 =	sld [smem:$0x3FAB]  }
0x31: {  	[smem:$0x3FB4] =	sst s10  }
0x32: {  	s10 =	sld [smem:$0x3FB2];
	_ =	sdelay $0x3  }
0x33: {  	p0 =	seq.s32 s10, $0x1;
	s10 =	sld [smem:$0x3FB4];
	_ =	sdelay $0x3  }
0x34: {  	[smem:$0x3FB4] =	sst s10  }
0x35: {  	s10 =	sld [smem:$0x3FB3];
	_ =	sdelay $0x3  }
0x36: {  	p1 =	seq.s32 s10, $0x1;
	s10 =	sld [smem:$0x3FB4];
	_ =	sdelay $0x3  }
0x37: {  	[smem:$0x3FB4] =	sst s10  }
0x38: {  	s10 =	sld [smem:$0x3FB5]  }
0x39: {  	_ = 	snop;
	(pc) =	sbr.ind lr, $3  }
0x3a: {  	_ = 	snop  }
0x3b: {  	_ = 	snop  }
0x3c: {  	p2 =	seq.s32 s10, $0x1;
	s10 =	sld [smem:$0x3FB4]  }
0x3d: {  	_ =	shalt  }
0x3e: {  	_ =	shalt  }
0x3f: {  	_ =	shalt  }
0x40: {  	_ =	shalt  }
0x41: {  	_ =	shalt  }
0x42: {  	_ =	shalt  }
0x43: {  	_ =	shalt  }
0x44: {  	_ =	shalt  }
0x45: {  	_ =	shalt  }
0x46: {  	_ =	shalt  }
0x47: {  	_ =	shalt  }
0x48: {  	_ =	shalt  }
0x49: {  	_ =	shalt  }
0x4a: {  	_ =	shalt  }
0x4b: {  	_ =	shalt  }
0x4c: {  	_ =	shalt  }
0x4d: {  	_ =	shalt  }
0x4e: {  	_ =	shalt  }
0x4f: {  	_ =	shalt  }
0x50: {  	_ =	shalt  }
0x51: {  	_ =	shalt  }
0x52: {  	_ =	shalt  }
0x53: {  	_ =	shalt  }
0x54: {  	_ =	shalt  }
0x55: {  	_ =	shalt  }
0x56: {  	_ =	shalt  }
0x57: {  	_ =	shalt  }
0x58: {  	_ =	shalt  }
0x59: {  	_ =	shalt  }
0x5a: {  	_ =	shalt  }
0x5b: {  	_ =	shalt  }
0x5c: {  	_ =	shalt  }
0x5d: {  	_ =	shalt  }
0x5e: {  	_ =	shalt  }
0x5f: {  	_ =	shalt  }
0x60: {  	_ =	shalt  }
0x61: {  	_ =	shalt  }
0x62: {  	_ =	shalt  }
0x63: {  	_ =	shalt  }
0x64: {  	_ =	shalt  }
0x65: {  	_ =	shalt  }
0x66: {  	_ =	shalt  }
0x67: {  	_ =	shalt  }
0x68: {  	_ =	shalt  }
0x69: {  	_ =	shalt  }
0x6a: {  	_ =	shalt  }
0x6b: {  	_ =	shalt  }
0x6c: {  	_ =	shalt  }
0x6d: {  	_ =	shalt  }
0x6e: {  	_ =	shalt  }
0x6f: {  	_ =	shalt  }
0x70: {  	_ =	shalt  }
0x71: {  	_ =	shalt  }
0x72: {  	_ =	shalt  }
0x73: {  	_ =	shalt  }
0x74: {  	_ =	shalt  }
0x75: {  	_ =	shalt  }
0x76: {  	_ =	shalt  }
0x77: {  	_ =	shalt  }
0x78: {  	_ =	shalt  }
0x79: {  	_ =	shalt  }
0x7a: {  	_ =	shalt  }
0x7b: {  	_ =	shalt  }
0x7c: {  	_ =	shalt  }
0x7d: {  	_ =	shalt  }
0x7e: {  	_ =	shalt  }
0x7f: {  	_ =	shalt  }
0x80: {  	_ =	shalt  }
0x81: {  	_ =	shalt  }
0x82: {  	_ =	shalt  }
0x83: {  	_ =	shalt  }
0x84: {  	_ =	shalt  }
0x85: {  	_ =	shalt  }
0x86: {  	_ =	shalt  }
0x87: {  	_ =	shalt  }
.Lfunc_end0:
.L_simem_size_0:
called_computation_lowered:
.L_overlay_start_0:
0x88: {  	s2 =	sld [smem:$0x3FD9]  }
0x89: {  	s3 =	sld [smem:$0x3FFE];
	_ =	sdelay $0x1  }
0x8a: {  	s1 =	srdreg.scid  }
0x8b: {  	s0 =	sand.u32 $0x1, s1  }
0x8c: {  	s17 =	sshll.u32 s0, $0xA;
	s2 =	sadd.s32 s3, s2  }
0x8d: {  	s2 =	sadd.s32 s2, s17  }
0x8e: {  	[smem:$0x3FC0] =	sst s2  }
0x8f: {  	_ = 	snop  }
0x90: {  	s2 =	sld [smem:$0x3FC6]  }
0x91: {  	s18 =	sld [smem:$0x3FC4];
	(tm) =	ssettm $0x1  }
0x92: {  	s4 =	sld [smem:$0x3FFB];
	_ =	sdelay $0x3  }
0x93: {  	_ =	strace s4  }
0x94: {  	s4 =	sld [smem:$0x3FFC];
	_ =	sdelay $0x3  }
0x95: {  	_ =	strace s4  }
0x96: {  	s4 =	sld [smem:$0x3FFD];
	_ =	sdelay $0x3  }
0x97: {  	_ =	strace s4  }
0x98: {  	_ =	strace $0x8FFFFFFF  }
0x99: {  	s19 =	sld [smem:$0x3FDB];
	_ =	sdelay $0x1  }
0x9a: {  	s5 =	simm.s32 $_scs_section_size  }
0x9b: {  	s6 =	simm.s32 $_size__tile_overlayer_lowered;
	s7 =	simm.s32 $_tile_overlayer_lowered  }
0x9c: {  	s22 =	simm.s32 $0x1BFF;
	s21 =	sshll.u32 s7, $0x1;
	s4 =	sadd.s32 s5, s19  }
0x9d: {  	s8 =	simm.s32 $0x0;
	s20 =	sshll.u32 s6, $0x1;
	s6 =	sadd.s32 s21, s4  }
0x9e: {  	[timem:s8], [sflag:s22] =	dma.local [hbm:s6], s20  }
0x9f: {  	_ =	swait.ge [sflag:s22], s20  }
0xa0: {  	s5 =	ssub.s32 $0x0, s20;
	[sflag:s22] =	ssyncset.done $0x0  }
0xa1: {  	[sflag:s22] =	ssyncadd.s32 s5;
	_ =	sdelay $0x1  }
0xa2: {  	s23 =	simm.s32 $0x1B8B  }
0xa3: {  	_ =	swait.ge [sflag:s23], $0x1  }
0xa4: {  	[sflag:s23] =	ssyncset.done $0x0  }
0xa5: {  	s25 =	simm.s32 $0x1B8E;
	s24 =	sld [smem:$0x3FFE];
	[sflag:s23] =	ssyncadd.s32 $0xFFFFFFFF  }
0xa6: {  	s26 =	simm.s32 $execute0_lowered;
	[smem:$0x3FD2] =	sst s25  }
0xa7: {  	s6 =	sshll.u32 s26, $0x1;
	_ =	strace $0x80000046;
	[dreg:$0x1] =	wrdreg $0xFFFFFFFF  }
0xa8: {  	s28 =	simm.s32 $_size_execute0_lowered;
	s4 =	sadd.s32 s4, s6;
	[dreg:$0x0] =	wrdreg $0x0  }
0xa9: {  	s6 =	sshll.u32 s28, $0x1;
	[dreg:$0x2] =	wrdreg s4  }
0xaa: {  	[dreg:$0x3] =	wrdreg s6  }
0xab: {  	[dreg:$0x4] =	wrdreg $0xC0  }
0xac: {  	_ =	task [dreg:s8], $0x5FFFF  }
0xad: {  	[dreg:$0x1] =	wrdreg $0xFFFFFFFF  }
0xae: {  	[dreg:$0x0] =	wrdreg $0x60  }
0xaf: {  	[dreg:$0x2] =	wrdreg s24  }
0xb0: {  	[dreg:$0x3] =	wrdreg s2  }
0xb1: {  	[dreg:$0x4] =	wrdreg s18  }
0xb2: {  	[dreg:$0x5] =	wrdreg $0x9  }
0xb3: {  	_ =	task.clear_ibuf [dreg:s8], $0x6FFFF;
	_ =	strace $0x90000046  }
0xb4: {  	s29 =	simm.s32 $0x9;
	_ =	strace $0x80000048  }
0xb5: {  	_ =	swait.ge [sflag:s29], $0x1  }
0xb6: {  	[sflag:s29] =	ssyncadd.s32 $0xFFFFFFFF  }
0xb7: {  	_ =	strace $0x90000048  }
0xb8: {  	_ =	sfence  }
0xb9: {  	s30 =	sld [smem:$0x0];
	_ =	sdelay $0x2  }
0xba: {  	s31 =	sshll.u32 s1, $0xD;
	s1 =	sshrl.u32 s1, $0x2  }
0xbb: {  	s3 =	sand.u32 $0x4000, s31;
	s1 =	sadd.s32 s1, s30  }
0xbc: {  	s0 =	sor.u32 s3, s0;
	s1 =	sshll.u32 s1, $0x11  }
0xbd: {  	s0 =	sor.u32 s1, s0  }
0xbe: {  	s0 =	sadd.s32 $0x8F2B, s0  }
0xbf: {  	[sflag:s0] =	ssyncadd.remote.s32 $0x1  }
0xc0: {  	_ =	sfence.sel $0xFFFF  }
0xc1: {  	[dreg:$0x0] =	wrdreg $0xFFFFFFFF;
	(pc) =	sbr.abs _section_cstart, $3  }
0xc2: {  	[dreg:$0x1] =	wrdreg $0xFFFFFFFF  }
0xc3: {  	_ =	task.clear_ibuf [dreg:s8], $0x2FFFF;
	_ =	strace $0x9FFFFFFF  }
0xc4: {  	(tm) =	ssettm $0x7FFFFFFF  }
0xc5: {  	_ =	shalt  }
tec
execute0_lowered:
.L_overlay_start_1:
0x0: {  	(tag) =	ssettag $0x1  }
0x1: {  	s3 =	rddreg [dreg:$0x0]  }
0x2: {  	s4 =	rddreg [dreg:$0x1]  }
0x3: {  	s5 =	rddreg [dreg:$0x2]  }
0x4: {  	s0 =	stileid.u32;
	s6 =	srdreg.scid;
	s2 =	simm.s32 $0x0  }
0x5: {  	s11 =	simm.s32 $0x1000;
	s12 =	simm.s32 $0x6000;
	s13 =	simm.s32 $0x1  }
0x6: {  	s14 =	simm.s32 $0x2;
	s15 =	simm.s32 $0x7000;
	s16 =	simm.s32 $0x3  }
0x7: {  	s17 =	simm.s32 $0x4;
	s18 =	simm.s32 $0x8000;
	s19 =	simm.s32 $0x5  }
0x8: {  	s20 =	simm.s32 $0x0;
	s7 =	sshll.u32 s0, $0x1;
	s6 =	sand.u32 $0x1, s6  }
0x9: {  	[smem:$0x7FF] =	sst s2;
	s8 =	sshrl.u32 s0, $0x2;
	s7 =	sand.u32 $0x6, s7  }
0xa: {  	s9 =	sshll.u32 s8, $0xC;
	_ =	strace $0x80000047;
	s30 =	sshll.u32 s8, $0xE  }
0xb: {  	s31 =	sshll.u32 s8, $0x9;
	s7 =	sor.u32 s6, s7;
	s6 =	ssub.s32 $0x2, s6  }
0xc: {  	s5 =	sadd.s32 s5, s30;
	s10 =	sshll.u32 s7, $0x9;
	s29 =	sshrl.u32 s6, $0x1  }
0xd: {  	s7 =	sshll.u32 s7, $0xB;
	s9 =	sor.u32 s9, s10;
	s10 =	ssub.s32 s6, s29  }
0xe: {  	s5 =	sadd.s32 s7, s5;
	s9 =	sadd.s32 s9, s3;
	s3 =	sadd.s32 s4, s31  }
0xf: {  	s4 =	sadd.s32 $0x2200, s9;
	s6 =	sadd.s32 $0x6200, s9;
	s7 =	sadd.s32 $0xA200, s9  }
0x10: {  	s8 =	sadd.s32 $0xE200, s9;
	s9 =	smax.u32 s10, $0x1;
	s10 =	simm.s32 $0x5000  }
.LBB2_1:
0x11: {  	[tilespmem:s2], [sflag:$0x1] =	stream.linear.gather [hbm4b:s3+s2], $0x1000, $0x38;
	[tilespmem:$0x9000] =	vst v63  }
0x12: {  	_ = 	snop  }
0x13: {  	[tilespmem:s10], [sflag:$0x2] =	stream.linear.gather [hbm4b:s4+s2], $0x1000, $0x38;
	[tilespmem:$0x9000] =	vst v63  }
0x14: {  	_ = 	snop  }
0x15: {  	[tilespmem:s11], [sflag:$0x3] =	stream.linear.gather [hbm4b:s5+s2], $0x4000, $0x38;
	[tilespmem:$0x9000] =	vst v63  }
0x16: {  	_ = 	snop  }
0x17: {  	[tilespmem:s12], [sflag:$0x4] =	stream.linear.gather [hbm4b:s6+s2], $0x1000, $0x38;
	[tilespmem:$0x9000] =	vst v63  }
0x18: {  	_ =	swait.ge [sflag:s13], $0x1000  }
0x19: {  	[sflag:s13] =	ssyncset.done $0x0  }
0x1a: {  	[sflag:s13] =	ssyncadd.s32 $0xFFFFF000  }
0x1b: {  	_ =	swait.ge [sflag:s14], $0x1000  }
0x1c: {  	s21 =	sand.u32 $0x800, s2;
	s22 =	sand.u32 $0x300, s2;
	[sflag:s14] =	ssyncset.done $0x0  }
0x1d: {  	s21 =	sor.u32 s22, s21;
	[sflag:s14] =	ssyncadd.s32 $0xFFFFF000  }
0x1e: {  	v0 =	vld [tilespmem:s21+$0x5080]  }
0x1f: {  	v1 =	vld [tilespmem:s21+$0x5000]  }
0x20: {  	v2 =	vld [tilespmem:s21+$0x5090]  }
0x21: {  	v3 =	vld [tilespmem:s21+$0x5010]  }
0x22: {  	v4 =	vld [tilespmem:s21+$0x5020]  }
0x23: {  	v5 =	vld [tilespmem:s21+$0x5030]  }
0x24: {  	v6 =	vld [tilespmem:s21+$0x50A0]  }
0x25: {  	v7 =	vld [tilespmem:s21+$0x5040]  }
0x26: {  	v8 =	vld [tilespmem:s21+$0x5060]  }
0x27: {  	s29 =	simm.s32 $0x100;
	s23 =	simm.s32 $0x200;
	v9 =	vld [tilespmem:s21+$0x5400]  }
0x28: {  	s23 =	sand.u32 $0x800, s23;
	s22 =	sand.u32 $0x300, s29;
	v10 =	vld [tilespmem:s21+$0x5440]  }
0x29: {  	s22 =	sor.u32 s22, s23;
	v11 =	vld [tilespmem:s21+$0x5480]  }
0x2a: {  	v12 =	vld [tilespmem:s22+$0x5080]  }
0x2b: {  	v13 =	vld [tilespmem:s22+$0x5010]  }
0x2c: {  	v14 =	vld [tilespmem:s22+$0x5020]  }
0x2d: {  	v15 =	vld [tilespmem:s22+$0x5030]  }
0x2e: {  	v16 =	vld [tilespmem:s21+$0x54A0]  }
0x2f: {  	v0 =	vld.idx.msk [tilespmem:v0+s2+$0x0], $0xffff  }
0x30: {  	v17 =	vld [tilespmem:s22+$0x5090]  }
0x31: {  	v18 =	vld [tilespmem:s22+$0x5050]  }
0x32: {  	v1 =	vld.idx.msk [tilespmem:v1+s2+$0x0], $0xffff  }
0x33: {  	v19 =	vld [tilespmem:s21+$0x54B0]  }
0x34: {  	v20 =	vld [tilespmem:s22+$0x50A0];
	[tilespmem:s21+$0x7080] =	vst v0  }
0x35: {  	v0 =	vld.idx.msk [tilespmem:v2+s2+$0x0], $0xffff  }
0x36: {  	v21 =	vld [tilespmem:s22+$0x50B0]  }
0x37: {  	s30 =	simm.s32 $0x200;
	s24 =	simm.s32 $0x400;
	v44 =	vld [tilespmem:s22+$0x54A0];
	[tilespmem:s21+$0x7000] =	vst v1  }
0x38: {  	s24 =	sand.u32 $0x800, s24;
	s23 =	sand.u32 $0x300, s30;
	v1 =	vld.idx.msk [tilespmem:v3+s2+$0x0], $0xffff  }
0x39: {  	s23 =	sor.u32 s23, s24;
	v3 =	vld [tilespmem:s21+$0x50B0]  }
0x3a: {  	v45 =	vld [tilespmem:s23+$0x5090];
	[tilespmem:s21+$0x7090] =	vst v0  }
0x3b: {  	v0 =	vld.idx.msk [tilespmem:v6+s2+$0x0], $0xffff  }
0x3c: {  	v22 =	vld [tilespmem:s23+$0x5050]  }
0x3d: {  	v23 =	vld [tilespmem:s22+$0x54B0];
	[tilespmem:s21+$0x7010] =	vst v1  }
0x3e: {  	v1 =	vld.idx.msk [tilespmem:v4+s2+$0x0], $0xffff  }
0x3f: {  	v4 =	vld [tilespmem:s21+$0x50C0]  }
0x40: {  	v24 =	vld [tilespmem:s23+$0x50A0];
	[tilespmem:s21+$0x70A0] =	vst v0  }
0x41: {  	v0 =	vld.idx.msk [tilespmem:v3+s2+$0x0], $0xffff  }
0x42: {  	v46 =	vld [tilespmem:s23+$0x5070]  }
0x43: {  	v47 =	vld [tilespmem:s22+$0x54C0];
	[tilespmem:s21+$0x7020] =	vst v1  }
0x44: {  	v1 =	vld.idx.msk [tilespmem:v5+s2+$0x0], $0xffff  }
0x45: {  	v3 =	vld [tilespmem:s21+$0x50D0]  }
0x46: {  	v25 =	vld [tilespmem:s23+$0x50B0];
	[tilespmem:s21+$0x70B0] =	vst v0  }
0x47: {  	v0 =	vld.idx.msk [tilespmem:v4+s2+$0x0], $0xffff  }
0x48: {  	v2 =	vld [tilespmem:s21+$0x5050]  }
0x49: {  	v48 =	vld [tilespmem:s23+$0x50C0];
	[tilespmem:s21+$0x7030] =	vst v1  }
0x4a: {  	v1 =	vld.idx.msk [tilespmem:v7+s2+$0x0], $0xffff  }
0x4b: {  	v5 =	vld [tilespmem:s21+$0x50E0]  }
0x4c: {  	s31 =	simm.s32 $0x300;
	s25 =	simm.s32 $0x600;
	v49 =	vld [tilespmem:s23+$0x50D0];
	[tilespmem:s21+$0x70C0] =	vst v0  }
0x4d: {  	s25 =	sand.u32 $0x800, s25;
	s24 =	sand.u32 $0x300, s31;
	v0 =	vld.idx.msk [tilespmem:v3+s2+$0x0], $0xffff  }
0x4e: {  	s24 =	sor.u32 s24, s25;
	v50 =	vld [tilespmem:s23+$0x5440]  }
0x4f: {  	v51 =	vld [tilespmem:s24+$0x5020];
	[tilespmem:s21+$0x7040] =	vst v1  }
0x50: {  	v1 =	vld.idx.msk [tilespmem:v2+s2+$0x0], $0xffff  }
0x51: {  	v2 =	vld [tilespmem:s21+$0x50F0]  }
0x52: {  	v52 =	vld [tilespmem:s24+$0x5030];
	[tilespmem:s21+$0x70D0] =	vst v0  }
0x53: {  	v0 =	vld.idx.msk [tilespmem:v5+s2+$0x0], $0xffff  }
0x54: {  	v6 =	vld [tilespmem:s21+$0x5070]  }
0x55: {  	v53 =	vld [tilespmem:s23+$0x54A0];
	[tilespmem:s21+$0x7050] =	vst v1  }
0x56: {  	v1 =	vld.idx.msk [tilespmem:v8+s2+$0x0], $0xffff  }
0x57: {  	v54 =	vld [tilespmem:s24+$0x5090]  }
0x58: {  	v55 =	vld [tilespmem:s24+$0x5050];
	[tilespmem:s21+$0x70E0] =	vst v0  }
0x59: {  	v2 =	vld.idx.msk [tilespmem:v2+s2+$0x0], $0xffff  }
0x5a: {  	v26 =	vld [tilespmem:s23+$0x54B0]  }
0x5b: {  	v27 =	vld [tilespmem:s24+$0x50A0];
	[tilespmem:s21+$0x7060] =	vst v1  }
0x5c: {  	v1 =	vld.idx.msk [tilespmem:v6+s2+$0x0], $0xffff  }
0x5d: {  	v6 =	vld [tilespmem:s21+$0x5490]  }
0x5e: {  	v56 =	vld [tilespmem:s24+$0x5070];
	[tilespmem:s21+$0x70F0] =	vst v2  }
0x5f: {  	v2 =	vld.idx.msk [tilespmem:v11+s2+$0x0], $0xffff  }
0x60: {  	v11 =	vld [tilespmem:s22+$0x5000]  }
0x61: {  	v57 =	vld [tilespmem:s23+$0x54C0]  }
0x62: {  	v28 =	vld [tilespmem:s24+$0x50B0]  }
0x63: {  	v59 =	vld [tilespmem:s23+$0x54E0]  }
0x64: {  	v60 =	vld [tilespmem:s24+$0x50D0];
	[tilespmem:s21+$0x7480] =	vst v2  }
0x65: {  	v2 =	vld.idx.msk [tilespmem:v6+s2+$0x0], $0xffff  }
0x66: {  	v6 =	vld.idx.msk [tilespmem:v12+s2+$0x0], $0xffff  }
0x67: {  	v61 =	vld [tilespmem:s24+$0x50E0]  }
0x68: {  	v11 =	vld.idx.msk [tilespmem:v11+s2+$0x0], $0xffff  }
0x69: {  	v4 =	vld [tilespmem:s21+$0x5410]  }
0x6a: {  	v7 =	vld [tilespmem:s21+$0x5420]  }
0x6b: {  	v5 =	vld [tilespmem:s21+$0x5430];
	[tilespmem:s22+$0x7080] =	vst v6  }
0x6c: {  	[tilespmem:s21+$0x7490] =	vst v2;
	v6 =	vld.idx.msk [tilespmem:v17+s2+$0x0], $0xffff  }
0x6d: {  	v2 =	vld.idx.msk [tilespmem:v16+s2+$0x0], $0xffff;
	[tilespmem:s22+$0x7000] =	vst v11  }
0x6e: {  	[tilespmem:s21+$0x7070] =	vst v1;
	v11 =	vld.idx.msk [tilespmem:v13+s2+$0x0], $0xffff  }
0x6f: {  	v1 =	vld.idx.msk [tilespmem:v9+s2+$0x0], $0xffff  }
0x70: {  	v9 =	vld [tilespmem:s21+$0x54D0]  }
0x71: {  	v17 =	vld [tilespmem:s21+$0x54C0];
	[tilespmem:s22+$0x7090] =	vst v6  }
0x72: {  	[tilespmem:s21+$0x74A0] =	vst v2;
	v6 =	vld.idx.msk [tilespmem:v20+s2+$0x0], $0xffff  }
0x73: {  	v2 =	vld.idx.msk [tilespmem:v19+s2+$0x0], $0xffff;
	[tilespmem:s22+$0x7010] =	vst v11  }
0x74: {  	v11 =	vld.idx.msk [tilespmem:v14+s2+$0x0], $0xffff  }
0x75: {  	v12 =	vld [tilespmem:s22+$0x5040]  }
0x76: {  	[tilespmem:s21+$0x7400] =	vst v1;
	v19 =	vld [tilespmem:s22+$0x50C0]  }
0x77: {  	v1 =	vld.idx.msk [tilespmem:v4+s2+$0x0], $0xffff;
	[tilespmem:s22+$0x70A0] =	vst v6  }
0x78: {  	[tilespmem:s21+$0x74B0] =	vst v2;
	v6 =	vld.idx.msk [tilespmem:v21+s2+$0x0], $0xffff  }
0x79: {  	v2 =	vld.idx.msk [tilespmem:v17+s2+$0x0], $0xffff;
	[tilespmem:s22+$0x7020] =	vst v11  }
0x7a: {  	v11 =	vld.idx.msk [tilespmem:v15+s2+$0x0], $0xffff  }
0x7b: {  	v4 =	vld [tilespmem:s21+$0x54E0]  }
0x7c: {  	[tilespmem:s21+$0x7410] =	vst v1;
	v17 =	vld [tilespmem:s22+$0x50D0]  }
0x7d: {  	v1 =	vld.idx.msk [tilespmem:v7+s2+$0x0], $0xffff;
	[tilespmem:s22+$0x70B0] =	vst v6  }
0x7e: {  	[tilespmem:s21+$0x74C0] =	vst v2;
	v6 =	vld.idx.msk [tilespmem:v19+s2+$0x0], $0xffff  }
0x7f: {  	v2 =	vld.idx.msk [tilespmem:v9+s2+$0x0], $0xffff;
	[tilespmem:s22+$0x7030] =	vst v11  }
0x80: {  	v9 =	vld.idx.msk [tilespmem:v12+s2+$0x0], $0xffff  }
0x81: {  	v3 =	vld [tilespmem:s21+$0x5460]  }
0x82: {  	v7 =	vld [tilespmem:s22+$0x50E0];
	[tilespmem:s21+$0x7420] =	vst v1  }
0x83: {  	v13 =	vld [tilespmem:s22+$0x5060];
	[tilespmem:s22+$0x70C0] =	vst v6  }
0x84: {  	[tilespmem:s21+$0x74D0] =	vst v2;
	v2 =	vld.idx.msk [tilespmem:v17+s2+$0x0], $0xffff  }
0x85: {  	v5 =	vld.idx.msk [tilespmem:v5+s2+$0x0], $0xffff;
	[tilespmem:s22+$0x7040] =	vst v9  }
0x86: {  	v6 =	vld.idx.msk [tilespmem:v18+s2+$0x0], $0xffff  }
0x87: {  	v4 =	vld.idx.msk [tilespmem:v4+s2+$0x0], $0xffff  }
0x88: {  	v8 =	vld [tilespmem:s21+$0x5450]  }
0x89: {  	v1 =	vld [tilespmem:s22+$0x50F0];
	[tilespmem:s22+$0x70D0] =	vst v2  }
0x8a: {  	[tilespmem:s21+$0x7430] =	vst v5;
	v2 =	vld.idx.msk [tilespmem:v7+s2+$0x0], $0xffff  }
0x8b: {  	v0 =	vld [tilespmem:s21+$0x5470];
	[tilespmem:s22+$0x7050] =	vst v6  }
0x8c: {  	[tilespmem:s21+$0x74E0] =	vst v4;
	v4 =	vld.idx.msk [tilespmem:v13+s2+$0x0], $0xffff  }
0x8d: {  	v5 =	vld.idx.msk [tilespmem:v10+s2+$0x0], $0xffff  }
0x8e: {  	v16 =	vld [tilespmem:s22+$0x5070]  }
0x8f: {  	[tilespmem:s22+$0x70E0] =	vst v2;
	v2 =	vld [tilespmem:s22+$0x5480]  }
0x90: {  	v14 =	vld [tilespmem:s22+$0x5400]  }
0x91: {  	[tilespmem:s22+$0x7060] =	vst v4;
	v4 =	vld.idx.msk [tilespmem:v1+s2+$0x0], $0xffff  }
0x92: {  	v15 =	vld [tilespmem:s22+$0x5410];
	[tilespmem:s21+$0x7440] =	vst v5  }
0x93: {  	v5 =	vld.idx.msk [tilespmem:v8+s2+$0x0], $0xffff  }
0x94: {  	v8 =	vld [tilespmem:s22+$0x5490]  }
0x95: {  	v13 =	vld [tilespmem:s23+$0x5080]  }
0x96: {  	[tilespmem:s22+$0x70F0] =	vst v4;
	v4 =	vld [tilespmem:s23+$0x5000]  }
0x97: {  	v2 =	vld.idx.msk [tilespmem:v2+s2+$0x0], $0xffff  }
0x98: {  	v19 =	vld [tilespmem:s23+$0x5030]  }
0x99: {  	v11 =	vld [tilespmem:s21+$0x54F0]  }
0x9a: {  	v12 =	vld [tilespmem:s22+$0x5420]  }
0x9b: {  	v17 =	vld [tilespmem:s22+$0x5430]  }
0x9c: {  	v18 =	vld [tilespmem:s23+$0x5020];
	[tilespmem:s22+$0x7480] =	vst v2  }
0x9d: {  	v2 =	vld.idx.msk [tilespmem:v8+s2+$0x0], $0xffff  }
0x9e: {  	v8 =	vld.idx.msk [tilespmem:v13+s2+$0x0], $0xffff  }
0x9f: {  	v4 =	vld.idx.msk [tilespmem:v4+s2+$0x0], $0xffff  }
0xa0: {  	v10 =	vld.idx.msk [tilespmem:v16+s2+$0x0], $0xffff  }
0xa1: {  	v16 =	vld [tilespmem:s23+$0x5010]  }
0xa2: {  	v7 =	vld [tilespmem:s22+$0x5440]  }
0xa3: {  	v9 =	vld.idx.msk [tilespmem:v11+s2+$0x0], $0xffff;
	[tilespmem:s23+$0x7080] =	vst v8  }
0xa4: {  	[tilespmem:s23+$0x7000] =	vst v4;
	v4 =	vld.idx.msk [tilespmem:v45+s2+$0x0], $0xffff  }
0xa5: {  	v11 =	vld [tilespmem:s22+$0x5460];
	[tilespmem:s22+$0x7070] =	vst v10  }
0xa6: {  	v14 =	vld.idx.msk [tilespmem:v14+s2+$0x0], $0xffff;
	[tilespmem:s22+$0x7490] =	vst v2  }
0xa7: {  	v2 =	vld.idx.msk [tilespmem:v44+s2+$0x0], $0xffff  }
0xa8: {  	v6 =	vld [tilespmem:s22+$0x5450]  }
0xa9: {  	v8 =	vld.idx.msk [tilespmem:v16+s2+$0x0], $0xffff;
	[tilespmem:s23+$0x7090] =	vst v4  }
0xaa: {  	[tilespmem:s21+$0x74F0] =	vst v9;
	v4 =	vld.idx.msk [tilespmem:v24+s2+$0x0], $0xffff  }
0xab: {  	v9 =	vld [tilespmem:s24+$0x5460];
	[tilespmem:s22+$0x7400] =	vst v14  }
0xac: {  	v14 =	vld.idx.msk [tilespmem:v15+s2+$0x0], $0xffff;
	[tilespmem:s22+$0x74A0] =	vst v2  }
0xad: {  	v2 =	vld.idx.msk [tilespmem:v23+s2+$0x0], $0xffff  }
0xae: {  	v1 =	vld [tilespmem:s22+$0x5470];
	[tilespmem:s23+$0x7010] =	vst v8  }
0xaf: {  	v8 =	vld.idx.msk [tilespmem:v18+s2+$0x0], $0xffff;
	[tilespmem:s23+$0x70A0] =	vst v4  }
0xb0: {  	v4 =	vld.idx.msk [tilespmem:v25+s2+$0x0], $0xffff  }
0xb1: {  	[tilespmem:s22+$0x7410] =	vst v14;
	v18 =	vld [tilespmem:s22+$0x54D0]  }
0xb2: {  	v12 =	vld.idx.msk [tilespmem:v12+s2+$0x0], $0xffff;
	[tilespmem:s22+$0x74B0] =	vst v2  }
0xb3: {  	v2 =	vld.idx.msk [tilespmem:v47+s2+$0x0], $0xffff  }
0xb4: {  	v10 =	vld [tilespmem:s23+$0x5400]  }
0xb5: {  	v13 =	vld [tilespmem:s23+$0x5040];
	[tilespmem:s23+$0x70B0] =	vst v4  }
0xb6: {  	v4 =	vld.idx.msk [tilespmem:v48+s2+$0x0], $0xffff  }
0xb7: {  	v15 =	vld [tilespmem:s22+$0x54E0];
	[tilespmem:s22+$0x7420] =	vst v12  }
0xb8: {  	v12 =	vld.idx.msk [tilespmem:v17+s2+$0x0], $0xffff;
	[tilespmem:s22+$0x74C0] =	vst v2  }
0xb9: {  	v2 =	vld.idx.msk [tilespmem:v18+s2+$0x0], $0xffff  }
0xba: {  	v18 =	vld [tilespmem:s23+$0x50E0]  }
0xbb: {  	v14 =	vld [tilespmem:s22+$0x54F0];
	[tilespmem:s23+$0x70C0] =	vst v4  }
0xbc: {  	[tilespmem:s23+$0x7020] =	vst v8;
	v4 =	vld.idx.msk [tilespmem:v49+s2+$0x0], $0xffff  }
0xbd: {  	[tilespmem:s22+$0x7430] =	vst v12;
	v8 =	vld.idx.msk [tilespmem:v19+s2+$0x0], $0xffff  }
0xbe: {  	v7 =	vld.idx.msk [tilespmem:v7+s2+$0x0], $0xffff  }
0xbf: {  	v16 =	vld [tilespmem:s23+$0x5060]  }
0xc0: {  	v17 =	vld [tilespmem:s23+$0x50F0]  }
0xc1: {  	v19 =	vld [tilespmem:s23+$0x5410];
	[tilespmem:s23+$0x70D0] =	vst v4  }
0xc2: {  	[tilespmem:s23+$0x7030] =	vst v8;
	v4 =	vld.idx.msk [tilespmem:v18+s2+$0x0], $0xffff  }
0xc3: {  	[tilespmem:s22+$0x7440] =	vst v7;
	v7 =	vld [tilespmem:s24+$0x5080]  }
0xc4: {  	v8 =	vld.idx.msk [tilespmem:v13+s2+$0x0], $0xffff  }
0xc5: {  	v13 =	vld [tilespmem:s23+$0x5420]  }
0xc6: {  	v12 =	vld.idx.msk [tilespmem:v6+s2+$0x0], $0xffff  }
0xc7: {  	[tilespmem:s23+$0x70E0] =	vst v4;
	v4 =	vld [tilespmem:s23+$0x5480]  }
0xc8: {  	[tilespmem:s21+$0x7450] =	vst v5;
	v6 =	vld [tilespmem:s23+$0x5490]  }
0xc9: {  	[tilespmem:s22+$0x74D0] =	vst v2;
	v5 =	vld.idx.msk [tilespmem:v17+s2+$0x0], $0xffff  }
0xca: {  	v2 =	vld.idx.msk [tilespmem:v15+s2+$0x0], $0xffff  }
0xcb: {  	[tilespmem:s23+$0x7040] =	vst v8;
	v15 =	vld [tilespmem:s23+$0x5430]  }
0xcc: {  	[tilespmem:s22+$0x7450] =	vst v12;
	v8 =	vld.idx.msk [tilespmem:v22+s2+$0x0], $0xffff  }
0xcd: {  	v12 =	vld.idx.msk [tilespmem:v11+s2+$0x0], $0xffff  }
0xce: {  	[tilespmem:s23+$0x70F0] =	vst v5;
	v5 =	vld [tilespmem:s24+$0x5000]  }
0xcf: {  	v4 =	vld.idx.msk [tilespmem:v4+s2+$0x0], $0xffff  }
0xd0: {  	v11 =	vld [tilespmem:s24+$0x5470];
	[tilespmem:s22+$0x74E0] =	vst v2  }
0xd1: {  	v2 =	vld [tilespmem:s23+$0x5460];
	[tilespmem:s23+$0x7050] =	vst v8  }
0xd2: {  	v8 =	vld.idx.msk [tilespmem:v16+s2+$0x0], $0xffff  }
0xd3: {  	v14 =	vld.idx.msk [tilespmem:v14+s2+$0x0], $0xffff  }
0xd4: {  	v17 =	vld [tilespmem:s24+$0x5010];
	[tilespmem:s23+$0x7480] =	vst v4  }
0xd5: {  	v4 =	vld.idx.msk [tilespmem:v6+s2+$0x0], $0xffff  }
0xd6: {  	v6 =	vld.idx.msk [tilespmem:v7+s2+$0x0], $0xffff  }
0xd7: {  	[tilespmem:s23+$0x7060] =	vst v8;
	v5 =	vld.idx.msk [tilespmem:v5+s2+$0x0], $0xffff  }
0xd8: {  	v8 =	vld.idx.msk [tilespmem:v46+s2+$0x0], $0xffff  }
0xd9: {  	v18 =	vld [tilespmem:s23+$0x5450]  }
0xda: {  	v16 =	vld.idx.msk [tilespmem:v3+s2+$0x0], $0xffff;
	[tilespmem:s23+$0x7490] =	vst v4  }
0xdb: {  	[tilespmem:s24+$0x7080] =	vst v6;
	v4 =	vld.idx.msk [tilespmem:v53+s2+$0x0], $0xffff  }
0xdc: {  	[tilespmem:s24+$0x7000] =	vst v5;
	v5 =	vld.idx.msk [tilespmem:v54+s2+$0x0], $0xffff  }
0xdd: {  	[tilespmem:s23+$0x7070] =	vst v8;
	v6 =	vld.idx.msk [tilespmem:v17+s2+$0x0], $0xffff  }
0xde: {  	v8 =	vld.idx.msk [tilespmem:v10+s2+$0x0], $0xffff  }
0xdf: {  	v3 =	vld [tilespmem:s23+$0x5470];
	[tilespmem:s22+$0x74F0] =	vst v14  }
0xe0: {  	v14 =	vld [tilespmem:s24+$0x5480];
	[tilespmem:s23+$0x74A0] =	vst v4  }
0xe1: {  	[tilespmem:s24+$0x7090] =	vst v5;
	v5 =	vld.idx.msk [tilespmem:v26+s2+$0x0], $0xffff  }
0xe2: {  	[tilespmem:s24+$0x7010] =	vst v6;
	v6 =	vld.idx.msk [tilespmem:v27+s2+$0x0], $0xffff  }
0xe3: {  	[tilespmem:s23+$0x7400] =	vst v8;
	v20 =	vld.idx.msk [tilespmem:v51+s2+$0x0], $0xffff  }
0xe4: {  	v19 =	vld.idx.msk [tilespmem:v19+s2+$0x0], $0xffff  }
0xe5: {  	v10 =	vld [tilespmem:s23+$0x54D0]  }
0xe6: {  	[tilespmem:s23+$0x74B0] =	vst v5;
	v5 =	vld [tilespmem:s24+$0x50C0]  }
0xe7: {  	v7 =	vld [tilespmem:s24+$0x5040];
	[tilespmem:s24+$0x70A0] =	vst v6  }
0xe8: {  	[tilespmem:s24+$0x7020] =	vst v20;
	v58 =	vld.idx.msk [tilespmem:v28+s2+$0x0], $0xffff  }
0xe9: {  	[tilespmem:s23+$0x7410] =	vst v19;
	v22 =	vld.idx.msk [tilespmem:v52+s2+$0x0], $0xffff  }
0xea: {  	v13 =	vld.idx.msk [tilespmem:v13+s2+$0x0], $0xffff  }
0xeb: {  	v24 =	vld.idx.msk [tilespmem:v57+s2+$0x0], $0xffff  }
0xec: {  	v8 =	vld [tilespmem:s24+$0x5420]  }
0xed: {  	v19 =	vld [tilespmem:s23+$0x54F0];
	[tilespmem:s24+$0x70B0] =	vst v58  }
0xee: {  	[tilespmem:s24+$0x7030] =	vst v22;
	v5 =	vld.idx.msk [tilespmem:v5+s2+$0x0], $0xffff  }
0xef: {  	[tilespmem:s23+$0x7420] =	vst v13;
	v7 =	vld.idx.msk [tilespmem:v7+s2+$0x0], $0xffff  }
0xf0: {  	v13 =	vld.idx.msk [tilespmem:v15+s2+$0x0], $0xffff;
	[tilespmem:s23+$0x74C0] =	vst v24  }
0xf1: {  	v10 =	vld.idx.msk [tilespmem:v10+s2+$0x0], $0xffff  }
0xf2: {  	v17 =	vld [tilespmem:s24+$0x5060]  }
0xf3: {  	v4 =	vld [tilespmem:s24+$0x5400];
	[tilespmem:s24+$0x70C0] =	vst v5  }
0xf4: {  	[tilespmem:s24+$0x7040] =	vst v7;
	v7 =	vld.idx.msk [tilespmem:v60+s2+$0x0], $0xffff  }
0xf5: {  	[tilespmem:s23+$0x7430] =	vst v13;
	v63 =	vld.idx.msk [tilespmem:v55+s2+$0x0], $0xffff  }
0xf6: {  	v13 =	vld.idx.msk [tilespmem:v50+s2+$0x0], $0xffff;
	[tilespmem:s23+$0x74D0] =	vst v10  }
0xf7: {  	v62 =	vld.idx.msk [tilespmem:v59+s2+$0x0], $0xffff  }
0xf8: {  	v15 =	vld [tilespmem:s24+$0x50F0]  }
0xf9: {  	v6 =	vld [tilespmem:s24+$0x5410];
	[tilespmem:s24+$0x70D0] =	vst v7  }
0xfa: {  	[tilespmem:s24+$0x7050] =	vst v63;
	v20 =	vld.idx.msk [tilespmem:v61+s2+$0x0], $0xffff  }
0xfb: {  	[tilespmem:s23+$0x7440] =	vst v13;
	v17 =	vld.idx.msk [tilespmem:v17+s2+$0x0], $0xffff  }
0xfc: {  	v13 =	vld.idx.msk [tilespmem:v18+s2+$0x0], $0xffff;
	[tilespmem:s23+$0x74E0] =	vst v62  }
0xfd: {  	v19 =	vld.idx.msk [tilespmem:v19+s2+$0x0], $0xffff  }
0xfe: {  	v10 =	vld [tilespmem:s24+$0x5430]  }
0xff: {  	v5 =	vld [tilespmem:s24+$0x5440];
	[tilespmem:s24+$0x70E0] =	vst v20  }
0x100: {  	[tilespmem:s24+$0x7060] =	vst v17;
	v15 =	vld.idx.msk [tilespmem:v15+s2+$0x0], $0xffff  }
0x101: {  	[tilespmem:s21+$0x7460] =	vst v16;
	v16 =	vld.idx.msk [tilespmem:v56+s2+$0x0], $0xffff  }
0x102: {  	s26 =	simm.s32 $0x400;
	s28 =	simm.s32 $0x800;
	s25 =	simm.s32 $0x6;
	v7 =	vld [tilespmem:s24+$0x5450];
	[tilespmem:s23+$0x74F0] =	vst v19  }
.LBB2_2:
0x103: {  	s29 =	sand.u32 $0x800, s28;
	s30 =	sand.u32 $0x300, s26;
	[tilespmem:s22+$0x7460] =	vst v12;
	v12 =	vld.idx.msk [tilespmem:v0+s2+$0x0], $0xffff;
	v0 =	vmov v1;
	v1 =	vmov v3  }
0x104: {  	s25 =	sadd.s32 $0x2, s25;
	s29 =	sor.u32 s30, s29;
	v17 =	vld [tilespmem:s24+$0x5490]  }
0x105: {  	p0 =	slt.u32 s25, $0xE;
	v18 =	vld [tilespmem:s29+$0x5080];
	[tilespmem:s24+$0x70F0] =	vst v15  }
0x106: {  	[tilespmem:s24+$0x7070] =	vst v16;
	v14 =	vld.idx.msk [tilespmem:v14+s2+$0x0], $0xffff;
	v3 =	vmov v11  }
0x107: {  	v11 =	vld [tilespmem:s29+$0x5000]  }
0x108: {  	v15 =	vld [tilespmem:s29+$0x5010];
	[tilespmem:s23+$0x7450] =	vst v13  }
0x109: {  	v13 =	vld [tilespmem:s29+$0x5020];
	[tilespmem:s21+$0x7470] =	vst v12;
	s21 =	smov.u32 s22;
	s22 =	smov.u32 s23;
	s23 =	smov.u32 s24  }
0x10a: {  	s24 =	smov.u32 s29;
	v12 =	vld [tilespmem:s29+$0x5030]  }
0x10b: {  	v16 =	vld [tilespmem:s23+$0x54A0]  }
0x10c: {  	v19 =	vld [tilespmem:s24+$0x5090];
	[tilespmem:s23+$0x7480] =	vst v14  }
0x10d: {  	v14 =	vld.idx.msk [tilespmem:v17+s2+$0x0], $0xffff  }
0x10e: {  	v17 =	vld.idx.msk [tilespmem:v18+s2+$0x0], $0xffff  }
0x10f: {  	v11 =	vld.idx.msk [tilespmem:v11+s2+$0x0], $0xffff  }
0x110: {  	v18 =	vld [tilespmem:s24+$0x5040]  }
0x111: {  	v20 =	vld [tilespmem:s24+$0x5050]  }
0x112: {  	v21 =	vld [tilespmem:s23+$0x54B0]  }
0x113: {  	v22 =	vld [tilespmem:s24+$0x50A0];
	[tilespmem:s23+$0x7490] =	vst v14  }
0x114: {  	[tilespmem:s24+$0x7080] =	vst v17;
	v14 =	vld.idx.msk [tilespmem:v16+s2+$0x0], $0xffff  }
0x115: {  	[tilespmem:s24+$0x7000] =	vst v11;
	v11 =	vld.idx.msk [tilespmem:v19+s2+$0x0], $0xffff  }
0x116: {  	v15 =	vld.idx.msk [tilespmem:v15+s2+$0x0], $0xffff  }
0x117: {  	v16 =	vld [tilespmem:s24+$0x5060]  }
0x118: {  	v17 =	vld [tilespmem:s24+$0x5070]  }
0x119: {  	v19 =	vld [tilespmem:s23+$0x54C0]  }
0x11a: {  	v23 =	vld [tilespmem:s24+$0x50B0];
	[tilespmem:s23+$0x74A0] =	vst v14  }
0x11b: {  	[tilespmem:s24+$0x7090] =	vst v11;
	v11 =	vld.idx.msk [tilespmem:v21+s2+$0x0], $0xffff  }
0x11c: {  	[tilespmem:s24+$0x7010] =	vst v15;
	v14 =	vld.idx.msk [tilespmem:v22+s2+$0x0], $0xffff  }
0x11d: {  	v13 =	vld.idx.msk [tilespmem:v13+s2+$0x0], $0xffff  }
0x11e: {  	v15 =	vld [tilespmem:s24+$0x5400]  }
0x11f: {  	v21 =	vld.idx.msk [tilespmem:v4+s2+$0x0], $0xffff  }
0x120: {  	v22 =	vld [tilespmem:s23+$0x54D0]  }
0x121: {  	v24 =	vld [tilespmem:s24+$0x50C0];
	[tilespmem:s23+$0x74B0] =	vst v11  }
0x122: {  	[tilespmem:s24+$0x70A0] =	vst v14;
	v11 =	vld.idx.msk [tilespmem:v19+s2+$0x0], $0xffff  }
0x123: {  	[tilespmem:s24+$0x7020] =	vst v13;
	v13 =	vld.idx.msk [tilespmem:v23+s2+$0x0], $0xffff;
	v4 =	vmov v15  }
0x124: {  	v12 =	vld.idx.msk [tilespmem:v12+s2+$0x0], $0xffff  }
0x125: {  	v14 =	vld [tilespmem:s24+$0x5410];
	[tilespmem:s23+$0x7400] =	vst v21  }
0x126: {  	v15 =	vld.idx.msk [tilespmem:v6+s2+$0x0], $0xffff  }
0x127: {  	v19 =	vld [tilespmem:s23+$0x54E0]  }
0x128: {  	v21 =	vld [tilespmem:s24+$0x50D0];
	[tilespmem:s23+$0x74C0] =	vst v11  }
0x129: {  	[tilespmem:s24+$0x70B0] =	vst v13;
	v11 =	vld.idx.msk [tilespmem:v22+s2+$0x0], $0xffff  }
0x12a: {  	[tilespmem:s24+$0x7030] =	vst v12;
	v12 =	vld.idx.msk [tilespmem:v24+s2+$0x0], $0xffff;
	v6 =	vmov v14  }
0x12b: {  	v13 =	vld.idx.msk [tilespmem:v18+s2+$0x0], $0xffff  }
0x12c: {  	v14 =	vld [tilespmem:s24+$0x5420];
	[tilespmem:s23+$0x7410] =	vst v15  }
0x12d: {  	v15 =	vld.idx.msk [tilespmem:v8+s2+$0x0], $0xffff  }
0x12e: {  	v18 =	vld [tilespmem:s23+$0x54F0]  }
0x12f: {  	v22 =	vld [tilespmem:s24+$0x50E0];
	[tilespmem:s23+$0x74D0] =	vst v11  }
0x130: {  	[tilespmem:s24+$0x70C0] =	vst v12;
	v11 =	vld.idx.msk [tilespmem:v19+s2+$0x0], $0xffff  }
0x131: {  	[tilespmem:s24+$0x7040] =	vst v13;
	v12 =	vld.idx.msk [tilespmem:v21+s2+$0x0], $0xffff;
	v8 =	vmov v14  }
0x132: {  	v13 =	vld.idx.msk [tilespmem:v20+s2+$0x0], $0xffff  }
0x133: {  	v14 =	vld [tilespmem:s24+$0x5430];
	[tilespmem:s23+$0x7420] =	vst v15  }
0x134: {  	v15 =	vld.idx.msk [tilespmem:v10+s2+$0x0], $0xffff  }
0x135: {  	v19 =	vld [tilespmem:s24+$0x5440]  }
0x136: {  	v20 =	vld [tilespmem:s24+$0x50F0];
	[tilespmem:s23+$0x74E0] =	vst v11  }
0x137: {  	[tilespmem:s24+$0x70D0] =	vst v12;
	v11 =	vld.idx.msk [tilespmem:v18+s2+$0x0], $0xffff  }
0x138: {  	[tilespmem:s24+$0x7050] =	vst v13;
	v13 =	vld.idx.msk [tilespmem:v22+s2+$0x0], $0xffff;
	v10 =	vmov v14  }
0x139: {  	v16 =	vld.idx.msk [tilespmem:v16+s2+$0x0], $0xffff  }
0x13a: {  	v18 =	vld [tilespmem:s24+$0x5450];
	[tilespmem:s23+$0x7430] =	vst v15  }
0x13b: {  	v21 =	vld.idx.msk [tilespmem:v5+s2+$0x0], $0xffff;
	v5 =	vmov v19  }
0x13c: {  	v19 =	vld [tilespmem:s24+$0x5460]  }
0x13d: {  	[tilespmem:s23+$0x74F0] =	vst v11;
	v12 =	vld.idx.msk [tilespmem:v2+s2+$0x0], $0xffff;
	v2 =	vmov v9  }
.Ltmp0:
0x13e: {  	[tilespmem:s24+$0x70E0] =	vst v13;
	v14 =	vld [tilespmem:s24+$0x5480];
	(pc) =	sbr.rel @p0 .LBB2_2-.Ltmp0, $4  }
0x13f: {  	[tilespmem:s24+$0x7060] =	vst v16;
	v15 =	vld.idx.msk [tilespmem:v20+s2+$0x0], $0xffff  }
0x140: {  	v16 =	vld.idx.msk [tilespmem:v17+s2+$0x0], $0xffff  }
0x141: {  	v11 =	vld [tilespmem:s24+$0x5470];
	[tilespmem:s23+$0x7440] =	vst v21;
	v9 =	vmov v19  }
0x142: {  	s26 =	sadd.s32 $0x100, s26;
	s28 =	sadd.s32 $0x200, s28;
	v13 =	vld.idx.msk [tilespmem:v7+s2+$0x0], $0xffff;
	v7 =	vmov v18  }
0x143: {  	_ =	sdelay $0x1  }
0x144: {  	v17 =	vld [tilespmem:s24+$0x5490]  }
0x145: {  	[tilespmem:s24+$0x70F0] =	vst v15  }
0x146: {  	v14 =	vld.idx.msk [tilespmem:v14+s2+$0x0], $0xffff;
	[tilespmem:s24+$0x7070] =	vst v16  }
0x147: {  	v4 =	vld.idx.msk [tilespmem:v4+s2+$0x0], $0xffff;
	_ =	sdelay $0x2  }
0x148: {  	v15 =	vld [tilespmem:s24+$0x54A0]  }
0x149: {  	[tilespmem:s24+$0x7480] =	vst v14  }
0x14a: {  	v14 =	vld.idx.msk [tilespmem:v17+s2+$0x0], $0xffff;
	[tilespmem:s24+$0x7400] =	vst v4  }
0x14b: {  	v4 =	vld.idx.msk [tilespmem:v6+s2+$0x0], $0xffff;
	_ =	sdelay $0x2  }
0x14c: {  	v6 =	vld [tilespmem:s24+$0x54B0]  }
0x14d: {  	[tilespmem:s24+$0x7490] =	vst v14  }
0x14e: {  	v14 =	vld.idx.msk [tilespmem:v15+s2+$0x0], $0xffff;
	[tilespmem:s24+$0x7410] =	vst v4  }
0x14f: {  	v4 =	vld.idx.msk [tilespmem:v8+s2+$0x0], $0xffff;
	_ =	sdelay $0x2  }
0x150: {  	v8 =	vld [tilespmem:s24+$0x54C0]  }
0x151: {  	[tilespmem:s24+$0x74A0] =	vst v14  }
0x152: {  	v6 =	vld.idx.msk [tilespmem:v6+s2+$0x0], $0xffff;
	[tilespmem:s24+$0x7420] =	vst v4  }
0x153: {  	v4 =	vld.idx.msk [tilespmem:v10+s2+$0x0], $0xffff;
	_ =	sdelay $0x2  }
0x154: {  	v10 =	vld [tilespmem:s24+$0x54D0]  }
0x155: {  	[tilespmem:s24+$0x74B0] =	vst v6  }
0x156: {  	v6 =	vld.idx.msk [tilespmem:v8+s2+$0x0], $0xffff;
	[tilespmem:s24+$0x7430] =	vst v4  }
0x157: {  	v4 =	vld.idx.msk [tilespmem:v5+s2+$0x0], $0xffff;
	_ =	sdelay $0x2  }
0x158: {  	v5 =	vld [tilespmem:s24+$0x54E0]  }
0x159: {  	[tilespmem:s24+$0x74C0] =	vst v6  }
0x15a: {  	v6 =	vld.idx.msk [tilespmem:v10+s2+$0x0], $0xffff;
	[tilespmem:s24+$0x7440] =	vst v4  }
0x15b: {  	v4 =	vld.idx.msk [tilespmem:v7+s2+$0x0], $0xffff;
	_ =	sdelay $0x2  }
0x15c: {  	[tilespmem:s23+$0x7450] =	vst v13;
	v7 =	vld [tilespmem:s24+$0x54F0]  }
0x15d: {  	v2 =	vld.idx.msk [tilespmem:v2+s2+$0x0], $0xffff;
	[tilespmem:s24+$0x74D0] =	vst v6  }
0x15e: {  	v5 =	vld.idx.msk [tilespmem:v5+s2+$0x0], $0xffff;
	[tilespmem:s24+$0x7450] =	vst v4  }
0x15f: {  	v4 =	vld.idx.msk [tilespmem:v9+s2+$0x0], $0xffff;
	_ =	sdelay $0x1  }
0x160: {  	v0 =	vld.idx.msk [tilespmem:v0+s2+$0x0], $0xffff;
	[tilespmem:s22+$0x7460] =	vst v12  }
0x161: {  	v1 =	vld.idx.msk [tilespmem:v1+s2+$0x0], $0xffff;
	[tilespmem:s23+$0x7460] =	vst v2  }
0x162: {  	v2 =	vld.idx.msk [tilespmem:v3+s2+$0x0], $0xffff;
	[tilespmem:s24+$0x74E0] =	vst v5  }
0x163: {  	v5 =	vld.idx.msk [tilespmem:v7+s2+$0x0], $0xffff;
	[tilespmem:s24+$0x7460] =	vst v4  }
0x164: {  	v3 =	vld.idx.msk [tilespmem:v11+s2+$0x0], $0xffff  }
0x165: {  	[tilespmem:s21+$0x7470] =	vst v0  }
0x166: {  	[tilespmem:s22+$0x7470] =	vst v1  }
0x167: {  	[tilespmem:s23+$0x7470] =	vst v2  }
0x168: {  	[tilespmem:s24+$0x74F0] =	vst v5  }
0x169: {  	s1 =	simm.s32 $0x0;
	[tilespmem:s24+$0x7470] =	vst v3  }
0x16a: {  	[hbm4b:s7+s1] =	stream.linear.scatter [tilespmem:s15], [sflag:$0x1], $0x1000, $0x38;
	[tilespmem:$0x9000] =	vst v63  }
0x16b: {  	_ =	swait.ge [sflag:s16], $0x4000  }
0x16c: {  	[sflag:s16] =	ssyncset.done $0x0  }
0x16d: {  	s26 =	simm.s32 $0x80;
	[sflag:s16] =	ssyncadd.s32 $0xFFFFC000  }
0x16e: {  	s31 =	simm.s32 $0x1;
	s23 =	simm.s32 $0x0;
	_ =	swait.ge [sflag:s17], $0x1000  }
0x16f: {  	s21 =	sand.u32 $0x300, s23;
	s24 =	sand.u32 $0x800, s1;
	[sflag:s17] =	ssyncset.done $0x0  }
0x170: {  	s25 =	sor.u32 s21, s24;
	s21 =	sand.u32 $0x380, s26;
	[sflag:s17] =	ssyncadd.s32 $0xFFFFF000  }
0x171: {  	s0 =	simm.s32 $0x100;
	v5 =	vmov s1;
	s1 =	simm.s32 $0x200;
	s21 =	sor.u32 s24, s21;
	v0 =	vld [tilespmem:s25+$0x6000]  }
0x172: {  	v1 =	vmov s31;
	s22 =	sand.u32 $0x300, s0;
	s31 =	simm.s32 $0x180;
	s23 =	sand.u32 $0x800, s1;
	v6 =	vld [tilespmem:s21+$0x6010]  }
0x173: {  	s26 =	sor.u32 s22, s23;
	s22 =	sand.u32 $0x380, s31;
	v9 =	vld [tilespmem:s25+$0x6010]  }
0x174: {  	s22 =	sor.u32 s23, s22;
	v20 =	vld [tilespmem:s21+$0x6410]  }
0x175: {  	v3 =	vshll.u32 v1, $0xA;
	v1 =	vshll.u32 v1, $0x7;
	v28 =	vld [tilespmem:s22+$0x6020]  }
0x176: {  	v4 =	vand.u32 $0x380, v1;
	v63 =	vld [tilespmem:s22+$0x6060]  }
0x177: {  	v1 =	vshll.u32 v5, $0xA;
	v7 =	vand.u32 $0x2000, v3;
	v5 =	vshll.u32 v5, $0x7;
	v2 =	vld [tilespmem:s21+$0x6000]  }
0x178: {  	v1 =	vand.u32 $0x2000, v1;
	v38 =	vld [tilespmem:s22+$0x6070];
	v8 =	vshll.u32 v0, $0x3;
	v10 =	vshll.u32 v6, $0x3  }
0x179: {  	v43 =	vld [tilespmem:s22+$0x6410];
	v11 =	vshll.u32 v9, $0x3;
	v9 =	vand.u32 $0x7F, v9;
	v6 =	vand.u32 $0x7F, v6  }
0x17a: {  	v21 =	vshll.u32 v20, $0x3;
	v29 =	vshll.u32 v28, $0x3;
	v28 =	vand.u32 $0x7F, v28  }
0x17b: {  	v47 =	vld [tilespmem:s26+$0x6060];
	v41 =	vshll.u32 v63, $0x3;
	v3 =	vand.u32 $0xFFFFFC00, v8;
	v8 =	vand.u32 $0x7F, v0  }
0x17c: {  	v0 =	vand.u32 $0x300, v5;
	v5 =	vshll.u32 v2, $0x3;
	v3 =	vadd.s32 v1, v3  }
0x17d: {  	v46 =	vshll.u32 v38, $0x3;
	v5 =	vand.u32 $0xFFFFFC00, v5;
	v3 =	vor.u32 v8, v3;
	v8 =	vld [tilespmem:s21+$0x6020]  }
0x17e: {  	v12 =	vld [tilespmem:s25+$0x6020];
	v49 =	vshll.u32 v43, $0x3;
	v2 =	vand.u32 $0x7F, v2;
	v5 =	vadd.s32 v7, v5  }
0x17f: {  	v11 =	vand.u32 $0xFFFFFC00, v11;
	v3 =	vor.u32 v0, v3;
	v2 =	vor.u32 v2, v5;
	v5 =	vld [tilespmem:s21+$0x6030]  }
0x180: {  	v50 =	vand.u32 $0x7F, v47;
	v10 =	vand.u32 $0xFFFFFC00, v10;
	v11 =	vadd.s32 v1, v11  }
0x181: {  	v10 =	vadd.s32 v7, v10;
	v9 =	vor.u32 v9, v11;
	v2 =	vor.u32 v4, v2  }
0x182: {  	v14 =	vld [tilespmem:s25+$0x6030];
	v6 =	vor.u32 v6, v10;
	v9 =	vor.u32 v0, v9;
	v13 =	vshll.u32 v8, $0x3  }
0x183: {  	v11 =	vld [tilespmem:s21+$0x6040];
	v6 =	vor.u32 v4, v6;
	v8 =	vand.u32 $0x7F, v8;
	v10 =	vand.u32 $0xFFFFFC00, v13  }
0x184: {  	v13 =	vshll.u32 v12, $0x3;
	v3 =	vld.idx.msk [tilespmem:v3+s11+$0x0], $0xffff;
	v15 =	vshll.u32 v5, $0x3;
	v12 =	vand.u32 $0x7F, v12  }
0x185: {  	v5 =	vand.u32 $0x7F, v5;
	v10 =	vadd.s32 v7, v10;
	v13 =	vand.u32 $0xFFFFFC00, v13  }
0x186: {  	v2 =	vld.idx.msk [tilespmem:v2+s11+$0x0], $0xffff;
	v13 =	vadd.s32 v1, v13;
	v8 =	vor.u32 v8, v10;
	v10 =	vand.u32 $0xFFFFFC00, v15  }
0x187: {  	v12 =	vor.u32 v12, v13;
	v13 =	vld [tilespmem:s21+$0x6050];
	v10 =	vadd.s32 v7, v10;
	v16 =	vor.u32 v4, v8  }
0x188: {  	v8 =	vshll.u32 v14, $0x3;
	v14 =	vand.u32 $0x7F, v14;
	v5 =	vor.u32 v5, v10;
	v10 =	vld [tilespmem:s25+$0x6040]  }
0x189: {  	v15 =	vld [tilespmem:s21+$0x6060];
	v12 =	vor.u32 v0, v12;
	v8 =	vand.u32 $0xFFFFFC00, v8;
	[tilespmem:s25+$0x8000] =	vst v3;
	v3 =	vshll.u32 v11, $0x3  }
0x18a: {  	v5 =	vor.u32 v4, v5;
	v8 =	vadd.s32 v1, v8;
	v9 =	vld.idx.msk [tilespmem:v9+s11+$0x0], $0xffff;
	v3 =	vand.u32 $0xFFFFFC00, v3  }
0x18b: {  	v19 =	vld [tilespmem:s21+$0x6400];
	v11 =	vand.u32 $0x7F, v11;
	v8 =	vor.u32 v14, v8;
	v3 =	vadd.s32 v7, v3  }
0x18c: {  	v14 =	vld [tilespmem:s21+$0x6070];
	[tilespmem:s21+$0x8000] =	vst v2;
	v17 =	vor.u32 v0, v8;
	v8 =	vshll.u32 v13, $0x3;
	v3 =	vor.u32 v11, v3  }
0x18d: {  	v6 =	vld.idx.msk [tilespmem:v6+s11+$0x0], $0xffff;
	v13 =	vand.u32 $0x7F, v13;
	v11 =	vand.u32 $0xFFFFFC00, v8;
	v18 =	vshll.u32 v10, $0x3  }
0x18e: {  	v8 =	vor.u32 v4, v3;
	v3 =	vld [tilespmem:s25+$0x6050];
	v10 =	vand.u32 $0x7F, v10;
	v18 =	vand.u32 $0xFFFFFC00, v18  }
0x18f: {  	v11 =	vadd.s32 v7, v11;
	[tilespmem:s25+$0x8010] =	vst v9;
	v9 =	vshll.u32 v15, $0x3;
	v18 =	vadd.s32 v1, v18  }
0x190: {  	v12 =	vld.idx.msk [tilespmem:v12+s11+$0x0], $0xffff;
	v2 =	vor.u32 v10, v18;
	v10 =	vor.u32 v13, v11;
	v9 =	vand.u32 $0xFFFFFC00, v9  }
0x191: {  	v13 =	vand.u32 $0x7F, v15;
	v18 =	vshll.u32 v14, $0x3;
	v9 =	vadd.s32 v7, v9  }
0x192: {  	[tilespmem:s21+$0x8010] =	vst v6;
	v6 =	vshll.u32 v19, $0x3;
	v2 =	vor.u32 v0, v2;
	v9 =	vor.u32 v13, v9;
	v13 =	vld [tilespmem:s25+$0x6060]  }
0x193: {  	v11 =	vor.u32 v4, v10;
	v6 =	vand.u32 $0xFFFFFC00, v6;
	v10 =	vshll.u32 v3, $0x3  }
0x194: {  	v3 =	vand.u32 $0x7F, v3;
	v6 =	vadd.s32 v7, v6;
	v10 =	vand.u32 $0xFFFFFC00, v10  }
0x195: {  	v15 =	vor.u32 v4, v9;
	v9 =	vand.u32 $0xFFFFFC00, v18;
	v18 =	vld [tilespmem:s21+$0x6420];
	v10 =	vadd.s32 v1, v10;
	[tilespmem:s25+$0x8020] =	vst v12  }
0x196: {  	v9 =	vadd.s32 v7, v9;
	v3 =	vor.u32 v3, v10;
	v10 =	vand.u32 $0x7F, v14;
	v12 =	vld.idx.msk [tilespmem:v17+s11+$0x0], $0xffff  }
0x197: {  	v3 =	vor.u32 v0, v3;
	v9 =	vor.u32 v10, v9;
	v10 =	vld.idx.msk [tilespmem:v16+s11+$0x0], $0xffff;
	v16 =	vshll.u32 v13, $0x3  }
0x198: {  	v17 =	vld [tilespmem:s21+$0x6430];
	v14 =	vor.u32 v4, v9;
	v9 =	vand.u32 $0xFFFFFC00, v16;
	v16 =	vand.u32 $0x7F, v19  }
0x199: {  	v13 =	vand.u32 $0x7F, v13;
	v19 =	vld [tilespmem:s25+$0x6070];
	v9 =	vadd.s32 v1, v9;
	v6 =	vor.u32 v16, v6  }
0x19a: {  	v16 =	vand.u32 $0xFFFFFC00, v21;
	v9 =	vor.u32 v13, v9;
	v13 =	vor.u32 v4, v6  }
0x19b: {  	v6 =	vand.u32 $0x7F, v20;
	v16 =	vadd.s32 v7, v16;
	v20 =	vld [tilespmem:s21+$0x6440];
	[tilespmem:s25+$0x8030] =	vst v12;
	v21 =	vor.u32 v0, v9  }
0x19c: {  	v6 =	vor.u32 v6, v16;
	v9 =	vshll.u32 v18, $0x3;
	[tilespmem:s21+$0x8020] =	vst v10;
	v10 =	vand.u32 $0x7F, v18;
	v2 =	vld.idx.msk [tilespmem:v2+s11+$0x0], $0xffff  }
0x19d: {  	v18 =	vld [tilespmem:s21+$0x6450];
	v12 =	vor.u32 v4, v6;
	v6 =	vand.u32 $0xFFFFFC00, v9;
	v9 =	vshll.u32 v17, $0x3  }
0x19e: {  	v5 =	vld.idx.msk [tilespmem:v5+s11+$0x0], $0xffff;
	v16 =	vshll.u32 v19, $0x3;
	v6 =	vadd.s32 v7, v6;
	v9 =	vand.u32 $0xFFFFFC00, v9  }
0x19f: {  	v19 =	vand.u32 $0x7F, v19;
	v16 =	vand.u32 $0xFFFFFC00, v16;
	v6 =	vor.u32 v10, v6;
	v10 =	vld [tilespmem:s25+$0x6400]  }
0x1a0: {  	v22 =	vadd.s32 v7, v9;
	v16 =	vadd.s32 v1, v16;
	v9 =	vor.u32 v4, v6  }
0x1a1: {  	v6 =	vor.u32 v19, v16;
	v16 =	vshll.u32 v20, $0x3;
	[tilespmem:s25+$0x8040] =	vst v2;
	v2 =	vand.u32 $0x7F, v17  }
0x1a2: {  	v19 =	vld [tilespmem:s21+$0x6460];
	v17 =	vor.u32 v0, v6;
	v6 =	vand.u32 $0xFFFFFC00, v16;
	v2 =	vor.u32 v2, v22  }
0x1a3: {  	[tilespmem:s21+$0x8030] =	vst v5;
	v16 =	vld.idx.msk [tilespmem:v3+s11+$0x0], $0xffff;
	v3 =	vand.u32 $0x7F, v20;
	v6 =	vadd.s32 v7, v6;
	v5 =	vor.u32 v4, v2  }
0x1a4: {  	v2 =	vor.u32 v3, v6;
	v3 =	vshll.u32 v18, $0x3;
	v20 =	vshll.u32 v10, $0x3  }
0x1a5: {  	v6 =	vld [tilespmem:s21+$0x6470];
	v22 =	vand.u32 $0xFFFFFC00, v3;
	v3 =	vor.u32 v4, v2;
	v2 =	vand.u32 $0xFFFFFC00, v20  }
0x1a6: {  	v34 =	vld [tilespmem:s25+$0x6460];
	v18 =	vand.u32 $0x7F, v18;
	v10 =	vand.u32 $0x7F, v10;
	v2 =	vadd.s32 v1, v2  }
0x1a7: {  	s24 =	simm.s32 $0x3;
	v20 =	vadd.s32 v7, v22;
	v22 =	vld [tilespmem:s25+$0x6410];
	v23 =	vshll.u32 v19, $0x3;
	v10 =	vor.u32 v10, v2  }
0x1a8: {  	[tilespmem:s25+$0x8050] =	vst v16;
	v16 =	vor.u32 v18, v20;
	v18 =	vand.u32 $0xFFFFFC00, v23;
	v23 =	vmov s24  }
0x1a9: {  	v2 =	vor.u32 v4, v16;
	v16 =	vand.u32 $0x7F, v19;
	v18 =	vadd.s32 v7, v18  }
0x1aa: {  	s1 =	simm.s32 $0x200;
	s31 =	simm.s32 $0x400;
	v20 =	vld.idx.msk [tilespmem:v21+s11+$0x0], $0xffff;
	v19 =	vor.u32 v0, v10;
	v10 =	vor.u32 v16, v18;
	v16 =	vshll.u32 v6, $0x3  }
0x1ab: {  	s23 =	sand.u32 $0x300, s1;
	v24 =	vld.idx.msk [tilespmem:v8+s11+$0x0], $0xffff;
	s24 =	sand.u32 $0x800, s31;
	v18 =	vand.u32 $0x7F, v6;
	v6 =	vor.u32 v4, v10;
	v10 =	vand.u32 $0xFFFFFC00, v16  }
0x1ac: {  	v42 =	vshll.u32 v34, $0x3;
	s23 =	sor.u32 s23, s24;
	v16 =	vld [tilespmem:s26+$0x6000];
	v21 =	vshll.u32 v22, $0x3;
	v7 =	vadd.s32 v7, v10  }
0x1ad: {  	v44 =	vand.u32 $0x7F, v34;
	v54 =	vld [tilespmem:s23+$0x6010];
	v8 =	vand.u32 $0xFFFFFC00, v21;
	v7 =	vor.u32 v18, v7  }
0x1ae: {  	s0 =	simm.s32 $0x2;
	v25 =	vld [tilespmem:s22+$0x6010];
	v18 =	vand.u32 $0x7F, v22;
	v8 =	vadd.s32 v1, v8;
	v10 =	vor.u32 v4, v7  }
0x1af: {  	[tilespmem:s25+$0x8060] =	vst v20;
	v20 =	vld [tilespmem:s25+$0x6420];
	v4 =	vshll.u32 v23, $0x7;
	v7 =	vor.u32 v18, v8;
	v18 =	vmov s0  }
0x1b0: {  	v21 =	vshll.u32 v23, $0xA;
	v22 =	vld [tilespmem:s22+$0x6000];
	v4 =	vand.u32 $0x380, v4;
	v8 =	vshll.u32 v18, $0xA  }
0x1b1: {  	v17 =	vld.idx.msk [tilespmem:v17+s11+$0x0], $0xffff;
	v26 =	vor.u32 v0, v7;
	v18 =	vshll.u32 v18, $0x7;
	v23 =	vshll.u32 v16, $0x3  }
0x1b2: {  	v59 =	vshll.u32 v54, $0x3;
	v8 =	vand.u32 $0x2000, v8;
	v7 =	vand.u32 $0xFFFFFC00, v23  }
0x1b3: {  	v27 =	vld [tilespmem:s26+$0x6010];
	[tilespmem:s21+$0x8040] =	vst v24;
	v16 =	vand.u32 $0x7F, v16;
	v23 =	vadd.s32 v8, v7;
	v7 =	vand.u32 $0x300, v18  }
0x1b4: {  	v18 =	vld.idx.msk [tilespmem:v11+s11+$0x0], $0xffff;
	v11 =	vand.u32 $0x2000, v21;
	v24 =	vshll.u32 v20, $0x3;
	v16 =	vor.u32 v16, v23  }
0x1b5: {  	v30 =	vld [tilespmem:s26+$0x6030];
	v20 =	vand.u32 $0x7F, v20;
	v21 =	vand.u32 $0xFFFFFC00, v24;
	v16 =	vor.u32 v7, v16  }
0x1b6: {  	v23 =	vld [tilespmem:s25+$0x6430];
	v24 =	vshll.u32 v22, $0x3;
	[tilespmem:s25+$0x8070] =	vst v17;
	v17 =	vand.u32 $0x7F, v22;
	v22 =	vshll.u32 v25, $0x3  }
0x1b7: {  	v31 =	vld [tilespmem:s22+$0x6050];
	v25 =	vand.u32 $0x7F, v25;
	v21 =	vadd.s32 v1, v21;
	v22 =	vand.u32 $0xFFFFFC00, v22  }
0x1b8: {  	v19 =	vld.idx.msk [tilespmem:v19+s11+$0x0], $0xffff;
	v20 =	vor.u32 v20, v21;
	v21 =	vand.u32 $0xFFFFFC00, v24;
	v24 =	vshll.u32 v27, $0x3  }
0x1b9: {  	v22 =	vadd.s32 v11, v22;
	v21 =	vadd.s32 v11, v21;
	v24 =	vand.u32 $0xFFFFFC00, v24;
	[tilespmem:s21+$0x8050] =	vst v18;
	v18 =	vld [tilespmem:s26+$0x6020]  }
0x1ba: {  	v17 =	vor.u32 v17, v21;
	v21 =	vand.u32 $0x7F, v27;
	v24 =	vadd.s32 v8, v24;
	v15 =	vld.idx.msk [tilespmem:v15+s11+$0x0], $0xffff  }
0x1bb: {  	v20 =	vor.u32 v0, v20;
	v27 =	vshll.u32 v23, $0x3;
	v21 =	vor.u32 v21, v24;
	v24 =	vld [tilespmem:s22+$0x6030]  }
0x1bc: {  	v22 =	vor.u32 v25, v22;
	v23 =	vand.u32 $0x7F, v23;
	v27 =	vand.u32 $0xFFFFFC00, v27;
	v16 =	vld.idx.msk [tilespmem:v16+s11+$0x0], $0xffff  }
0x1bd: {  	v22 =	vor.u32 v4, v22;
	v17 =	vor.u32 v4, v17;
	[tilespmem:s25+$0x8400] =	vst v19;
	v19 =	vld [tilespmem:s25+$0x6440];
	v27 =	vadd.s32 v1, v27  }
0x1be: {  	v21 =	vor.u32 v7, v21;
	v26 =	vld.idx.msk [tilespmem:v26+s11+$0x0], $0xffff;
	v23 =	vor.u32 v23, v27;
	v27 =	vand.u32 $0xFFFFFC00, v29  }
0x1bf: {  	v37 =	vld [tilespmem:s26+$0x6040];
	v23 =	vor.u32 v0, v23;
	v62 =	vshll.u32 v18, $0x3;
	v27 =	vadd.s32 v11, v27  }
0x1c0: {  	v25 =	vld [tilespmem:s22+$0x6040];
	v18 =	vand.u32 $0x7F, v18;
	v29 =	vand.u32 $0xFFFFFC00, v62;
	v27 =	vor.u32 v28, v27;
	[tilespmem:s21+$0x8060] =	vst v15  }
0x1c1: {  	v29 =	vadd.s32 v8, v29;
	v32 =	vshll.u32 v24, $0x3;
	v27 =	vor.u32 v4, v27;
	v14 =	vld.idx.msk [tilespmem:v14+s11+$0x0], $0xffff  }
0x1c2: {  	v24 =	vand.u32 $0x7F, v24;
	[tilespmem:s26+$0x8000] =	vst v16;
	v17 =	vld.idx.msk [tilespmem:v17+s11+$0x0], $0xffff;
	v33 =	vshll.u32 v19, $0x3;
	v18 =	vor.u32 v18, v29  }
0x1c3: {  	v19 =	vand.u32 $0x7F, v19;
	v29 =	vand.u32 $0x7F, v63;
	v63 =	vld [tilespmem:s26+$0x6440];
	v36 =	vand.u32 $0xFFFFFC00, v33;
	[tilespmem:s25+$0x8410] =	vst v26  }
0x1c4: {  	v18 =	vor.u32 v7, v18;
	v28 =	vadd.s32 v1, v36;
	v15 =	vld.idx.msk [tilespmem:v20+s11+$0x0], $0xffff;
	v20 =	vand.u32 $0xFFFFFC00, v32  }
0x1c5: {  	v26 =	vld [tilespmem:s25+$0x6450];
	v32 =	vand.u32 $0xFFFFFC00, v59;
	v19 =	vor.u32 v19, v28;
	v16 =	vadd.s32 v11, v20  }
0x1c6: {  	v20 =	vshll.u32 v30, $0x3;
	v30 =	vand.u32 $0x7F, v30;
	v28 =	vand.u32 $0x7F, v37  }
0x1c7: {  	v21 =	vld.idx.msk [tilespmem:v21+s11+$0x0], $0xffff;
	v19 =	vor.u32 v0, v19;
	v16 =	vor.u32 v24, v16;
	v24 =	vshll.u32 v25, $0x3  }
0x1c8: {  	v20 =	vand.u32 $0xFFFFFC00, v20;
	v25 =	vand.u32 $0x7F, v25;
	[tilespmem:s21+$0x8070] =	vst v14;
	v14 =	vshll.u32 v31, $0x3  }
0x1c9: {  	v16 =	vor.u32 v4, v16;
	v20 =	vadd.s32 v8, v20;
	v24 =	vand.u32 $0xFFFFFC00, v24  }
0x1ca: {  	[tilespmem:s22+$0x8000] =	vst v17;
	v17 =	vld [tilespmem:s25+$0x6470];
	v14 =	vand.u32 $0xFFFFFC00, v14;
	v34 =	vand.u32 $0x7F, v63;
	v39 =	vshll.u32 v26, $0x3  }
0x1cb: {  	v13 =	vld.idx.msk [tilespmem:v13+s11+$0x0], $0xffff;
	v20 =	vor.u32 v30, v20;
	v24 =	vadd.s32 v11, v24;
	v26 =	vand.u32 $0x7F, v26  }
0x1cc: {  	[tilespmem:s26+$0x8010] =	vst v21;
	v22 =	vld.idx.msk [tilespmem:v22+s11+$0x0], $0xffff;
	v14 =	vadd.s32 v11, v14;
	v33 =	vand.u32 $0xFFFFFC00, v39;
	v20 =	vor.u32 v7, v20  }
0x1cd: {  	v18 =	vld.idx.msk [tilespmem:v18+s11+$0x0], $0xffff;
	v24 =	vor.u32 v25, v24;
	v25 =	vshll.u32 v37, $0x3;
	v37 =	vshll.u32 v63, $0x3  }
0x1ce: {  	[tilespmem:s25+$0x8420] =	vst v15;
	v15 =	vld [tilespmem:s26+$0x6050];
	v33 =	vadd.s32 v1, v33;
	v24 =	vor.u32 v4, v24;
	v25 =	vand.u32 $0xFFFFFC00, v25  }
0x1cf: {  	v39 =	vld [tilespmem:s26+$0x6450];
	v26 =	vor.u32 v26, v33;
	v25 =	vadd.s32 v8, v25;
	v48 =	vshll.u32 v17, $0x3  }
0x1d0: {  	v17 =	vand.u32 $0x7F, v17;
	v21 =	vor.u32 v0, v26;
	v26 =	vand.u32 $0x7F, v31  }
0x1d1: {  	v23 =	vld.idx.msk [tilespmem:v23+s11+$0x0], $0xffff;
	v25 =	vor.u32 v28, v25;
	[tilespmem:s21+$0x8400] =	vst v13;
	v13 =	vand.u32 $0xFFFFFC00, v41;
	v28 =	vand.u32 $0x7F, v54  }
0x1d2: {  	v40 =	vld [tilespmem:s22+$0x6400];
	[tilespmem:s22+$0x8010] =	vst v22;
	v14 =	vor.u32 v26, v14;
	v26 =	vand.u32 $0xFFFFFC00, v42;
	v25 =	vor.u32 v7, v25  }
0x1d3: {  	v12 =	vld.idx.msk [tilespmem:v12+s11+$0x0], $0xffff;
	v13 =	vadd.s32 v11, v13;
	v26 =	vadd.s32 v1, v26;
	v14 =	vor.u32 v4, v14  }
0x1d4: {  	[tilespmem:s26+$0x8020] =	vst v18;
	v22 =	vld.idx.msk [tilespmem:v27+s11+$0x0], $0xffff;
	v18 =	vshll.u32 v15, $0x3;
	v13 =	vor.u32 v29, v13;
	v33 =	vand.u32 $0x7F, v39  }
0x1d5: {  	v45 =	vld.idx.msk [tilespmem:v20+s11+$0x0], $0xffff;
	v26 =	vor.u32 v44, v26;
	v18 =	vand.u32 $0xFFFFFC00, v18;
	v20 =	vor.u32 v4, v13  }
0x1d6: {  	v53 =	vld [tilespmem:s26+$0x6400];
	v13 =	vand.u32 $0x7F, v15;
	[tilespmem:s25+$0x8430] =	vst v23;
	v26 =	vor.u32 v0, v26;
	v15 =	vadd.s32 v8, v18  }
0x1d7: {  	v18 =	vand.u32 $0xFFFFFC00, v46;
	v13 =	vor.u32 v13, v15;
	v15 =	vld.idx.msk [tilespmem:v19+s11+$0x0], $0xffff;
	v19 =	vand.u32 $0xFFFFFC00, v48  }
0x1d8: {  	v27 =	vld [tilespmem:s22+$0x6430];
	v18 =	vadd.s32 v11, v18;
	v13 =	vor.u32 v7, v13;
	v1 =	vadd.s32 v1, v19;
	[tilespmem:s21+$0x8410] =	vst v12  }
0x1d9: {  	v23 =	vld [tilespmem:s22+$0x6420];
	v19 =	vand.u32 $0x7F, v38;
	v12 =	vshll.u32 v40, $0x3;
	[tilespmem:s22+$0x8020] =	vst v22;
	v22 =	vand.u32 $0x7F, v43  }
0x1da: {  	v38 =	vand.u32 $0xFFFFFC00, v37;
	v43 =	vshll.u32 v39, $0x3;
	v1 =	vor.u32 v17, v1;
	v9 =	vld.idx.msk [tilespmem:v9+s11+$0x0], $0xffff  }
0x1db: {  	v17 =	vor.u32 v19, v18;
	[tilespmem:s26+$0x8030] =	vst v45;
	v12 =	vand.u32 $0xFFFFFC00, v12;
	v18 =	vand.u32 $0x7F, v40;
	v45 =	vld [tilespmem:s26+$0x6460]  }
0x1dc: {  	v0 =	vor.u32 v0, v1;
	v1 =	vshll.u32 v47, $0x3;
	v25 =	vld.idx.msk [tilespmem:v25+s11+$0x0], $0xffff;
	v12 =	vadd.s32 v11, v12  }
0x1dd: {  	v52 =	vld.idx.msk [tilespmem:v16+s11+$0x0], $0xffff;
	v1 =	vand.u32 $0xFFFFFC00, v1;
	v12 =	vor.u32 v18, v12;
	v18 =	vand.u32 $0xFFFFFC00, v49  }
0x1de: {  	v19 =	vor.u32 v4, v17;
	v17 =	vld [tilespmem:s26+$0x6070];
	v1 =	vadd.s32 v8, v1;
	v51 =	vadd.s32 v11, v18  }
0x1df: {  	[tilespmem:s25+$0x8440] =	vst v15;
	v15 =	vld [tilespmem:s22+$0x6440];
	v18 =	vor.u32 v4, v12;
	v1 =	vor.u32 v50, v1;
	v12 =	vor.u32 v22, v51  }
0x1e0: {  	v44 =	vand.u32 $0xFFFFFC00, v43;
	v21 =	vld.idx.msk [tilespmem:v21+s11+$0x0], $0xffff;
	v1 =	vor.u32 v7, v1;
	v16 =	vor.u32 v4, v12  }
0x1e1: {  	v22 =	vld [tilespmem:s22+$0x6450];
	v50 =	vshll.u32 v45, $0x3;
	[tilespmem:s26+$0x8040] =	vst v25;
	v25 =	vand.u32 $0x7F, v23;
	v23 =	vshll.u32 v23, $0x3  }
0x1e2: {  	[tilespmem:s21+$0x8420] =	vst v9;
	v51 =	vand.u32 $0xFFFFFC00, v50;
	v9 =	vld.idx.msk [tilespmem:v13+s11+$0x0], $0xffff;
	v12 =	vand.u32 $0xFFFFFC00, v23;
	v13 =	vshll.u32 v27, $0x3  }
0x1e3: {  	v5 =	vld.idx.msk [tilespmem:v5+s11+$0x0], $0xffff;
	v23 =	vshll.u32 v17, $0x3;
	v17 =	vand.u32 $0x7F, v17;
	v12 =	vadd.s32 v11, v12  }
0x1e4: {  	[tilespmem:s22+$0x8030] =	vst v52;
	v52 =	vld [tilespmem:s26+$0x6470];
	v13 =	vand.u32 $0xFFFFFC00, v13;
	v23 =	vand.u32 $0xFFFFFC00, v23;
	v12 =	vor.u32 v25, v12  }
0x1e5: {  	v24 =	vld.idx.msk [tilespmem:v24+s11+$0x0], $0xffff;
	v25 =	vadd.s32 v11, v13;
	v23 =	vadd.s32 v8, v23;
	v13 =	vor.u32 v4, v12  }
0x1e6: {  	[tilespmem:s25+$0x8450] =	vst v21;
	v21 =	vld [tilespmem:s22+$0x6460];
	v12 =	vshll.u32 v15, $0x3;
	v17 =	vor.u32 v17, v23;
	v23 =	vand.u32 $0x7F, v27  }
0x1e7: {  	v26 =	vld.idx.msk [tilespmem:v26+s11+$0x0], $0xffff;
	v15 =	vand.u32 $0x7F, v15;
	v27 =	vand.u32 $0x7F, v53;
	v12 =	vand.u32 $0xFFFFFC00, v12;
	[tilespmem:s26+$0x8050] =	vst v9  }
0x1e8: {  	v17 =	vor.u32 v7, v17;
	[tilespmem:s21+$0x8430] =	vst v5;
	v5 =	vand.u32 $0x7F, v22;
	v22 =	vshll.u32 v22, $0x3;
	v1 =	vld.idx.msk [tilespmem:v1+s11+$0x0], $0xffff  }
0x1e9: {  	v9 =	vor.u32 v23, v25;
	v23 =	vadd.s32 v11, v12;
	v22 =	vand.u32 $0xFFFFFC00, v22  }
0x1ea: {  	v12 =	vor.u32 v4, v9;
	v9 =	vor.u32 v15, v23;
	v15 =	vld [tilespmem:s22+$0x6470];
	v23 =	vshll.u32 v53, $0x3  }
0x1eb: {  	v59 =	vshll.u32 v52, $0x3;
	[tilespmem:s22+$0x8040] =	vst v24;
	v3 =	vld.idx.msk [tilespmem:v3+s11+$0x0], $0xffff;
	v22 =	vadd.s32 v11, v22;
	v23 =	vand.u32 $0xFFFFFC00, v23  }
0x1ec: {  	v25 =	vld [tilespmem:s26+$0x6410];
	v24 =	vshll.u32 v21, $0x3;
	v5 =	vor.u32 v5, v22;
	v23 =	vadd.s32 v8, v23;
	[tilespmem:s25+$0x8460] =	vst v26  }
0x1ed: {  	v21 =	vand.u32 $0x7F, v21;
	v22 =	vor.u32 v27, v23;
	v23 =	vld.idx.msk [tilespmem:v14+s11+$0x0], $0xffff;
	[tilespmem:s26+$0x8060] =	vst v1;
	v1 =	vand.u32 $0xFFFFFC00, v24  }
0x1ee: {  	v14 =	vor.u32 v4, v5;
	v5 =	vor.u32 v7, v22;
	v22 =	vld.idx.msk [tilespmem:v17+s11+$0x0], $0xffff;
	v1 =	vadd.s32 v11, v1  }
0x1ef: {  	v53 =	vand.u32 $0x7F, v45;
	v24 =	vshll.u32 v15, $0x3;
	v17 =	vld.idx.msk [tilespmem:v0+s11+$0x0], $0xffff;
	v0 =	vor.u32 v21, v1  }
0x1f0: {  	s28 =	simm.s32 $0x5;
	[tilespmem:s21+$0x8440] =	vst v3;
	v3 =	vld [tilespmem:s23+$0x6000];
	v21 =	vand.u32 $0x7F, v15;
	v15 =	vand.u32 $0xFFFFFC00, v24;
	v1 =	vor.u32 v4, v0  }
0x1f1: {  	v0 =	vshll.u32 v25, $0x3;
	v11 =	vadd.s32 v11, v15;
	v15 =	vld.idx.msk [tilespmem:v2+s11+$0x0], $0xffff;
	v2 =	vmov s28;
	s28 =	simm.s32 $0x280  }
0x1f2: {  	v9 =	vor.u32 v4, v9;
	[tilespmem:s22+$0x8050] =	vst v23;
	v0 =	vand.u32 $0xFFFFFC00, v0;
	v11 =	vor.u32 v21, v11;
	v21 =	vld [tilespmem:s26+$0x6420];
	s28 =	sand.u32 $0x380, s28  }
0x1f3: {  	v23 =	vand.u32 $0x7F, v25;
	v24 =	vadd.s32 v8, v0;
	v0 =	vor.u32 v4, v11;
	v11 =	vld.idx.msk [tilespmem:v20+s11+$0x0], $0xffff;
	s24 =	sor.u32 s24, s28  }
0x1f4: {  	s29 =	simm.s32 $0x4;
	v4 =	vshll.u32 v2, $0xA;
	v2 =	vshll.u32 v2, $0x7;
	v20 =	vor.u32 v23, v24;
	v24 =	vld [tilespmem:s24+$0x6000]  }
0x1f5: {  	v26 =	vshll.u32 v3, $0x3;
	[tilespmem:s26+$0x8070] =	vst v22;
	v23 =	vmov s29;
	v2 =	vand.u32 $0x380, v2;
	v27 =	vld [tilespmem:s24+$0x6010]  }
0x1f6: {  	v22 =	vld.idx.msk [tilespmem:v5+s11+$0x0], $0xffff;
	v20 =	vor.u32 v7, v20;
	v25 =	vshll.u32 v23, $0xA;
	v5 =	vand.u32 $0x2000, v4  }
0x1f7: {  	v56 =	vld [tilespmem:s24+$0x6020];
	v23 =	vshll.u32 v23, $0x7;
	v4 =	vand.u32 $0x2000, v25;
	v25 =	vand.u32 $0xFFFFFC00, v26  }
0x1f8: {  	v57 =	vld [tilespmem:s24+$0x6030];
	v26 =	vand.u32 $0x7F, v3;
	v3 =	vand.u32 $0x300, v23;
	v25 =	vadd.s32 v4, v25  }
0x1f9: {  	v58 =	vld [tilespmem:s24+$0x6040];
	v55 =	vshll.u32 v21, $0x3;
	v21 =	vand.u32 $0x7F, v21;
	v32 =	vadd.s32 v4, v32  }
0x1fa: {  	v23 =	vor.u32 v26, v25;
	v25 =	vand.u32 $0xFFFFFC00, v55;
	v26 =	vld [tilespmem:s26+$0x6430];
	v28 =	vor.u32 v28, v32  }
0x1fb: {  	v60 =	vld [tilespmem:s23+$0x6020];
	v23 =	vor.u32 v3, v23;
	v25 =	vadd.s32 v8, v25;
	v28 =	vor.u32 v3, v28  }
0x1fc: {  	v36 =	vld [tilespmem:s23+$0x6030];
	v30 =	vand.u32 $0x7F, v56;
	[tilespmem:s26+$0x8400] =	vst v22;
	v22 =	vand.u32 $0x7F, v24;
	v24 =	vshll.u32 v24, $0x3  }
0x1fd: {  	v29 =	vand.u32 $0x7F, v57;
	v21 =	vor.u32 v21, v25;
	v20 =	vld.idx.msk [tilespmem:v20+s11+$0x0], $0xffff;
	v24 =	vand.u32 $0xFFFFFC00, v24  }
0x1fe: {  	v42 =	vld [tilespmem:s23+$0x6040];
	v40 =	vshll.u32 v58, $0x3;
	v21 =	vor.u32 v7, v21;
	v24 =	vadd.s32 v5, v24  }
0x1ff: {  	v35 =	vld [tilespmem:s24+$0x6060];
	v25 =	vshll.u32 v27, $0x3;
	v22 =	vor.u32 v22, v24;
	v61 =	vshll.u32 v26, $0x3  }
0x200: {  	v25 =	vand.u32 $0xFFFFFC00, v25;
	v23 =	vld.idx.msk [tilespmem:v23+s11+$0x0], $0xffff;
	v22 =	vor.u32 v2, v22;
	v62 =	vand.u32 $0xFFFFFC00, v61  }
0x201: {  	v49 =	vld [tilespmem:s23+$0x6050];
	[tilespmem:s22+$0x8060] =	vst v11;
	v24 =	vadd.s32 v5, v25;
	v26 =	vand.u32 $0x7F, v26;
	v32 =	vadd.s32 v8, v62  }
0x202: {  	v19 =	vld.idx.msk [tilespmem:v19+s11+$0x0], $0xffff;
	[tilespmem:s26+$0x8410] =	vst v20;
	v20 =	vand.u32 $0x7F, v27;
	v27 =	vshll.u32 v56, $0x3;
	v26 =	vor.u32 v26, v32  }
0x203: {  	v21 =	vld.idx.msk [tilespmem:v21+s11+$0x0], $0xffff;
	v20 =	vor.u32 v20, v24;
	v24 =	vand.u32 $0xFFFFFC00, v27;
	v27 =	vshll.u32 v60, $0x3  }
0x204: {  	v11 =	vld [tilespmem:s24+$0x6070];
	v31 =	vand.u32 $0x7F, v58;
	v26 =	vor.u32 v7, v26;
	v27 =	vand.u32 $0xFFFFFC00, v27  }
0x205: {  	v55 =	vand.u32 $0x7F, v35;
	[tilespmem:s23+$0x8000] =	vst v23;
	v23 =	vand.u32 $0x7F, v60;
	v27 =	vadd.s32 v4, v27;
	v22 =	vld.idx.msk [tilespmem:v22+s11+$0x0], $0xffff  }
0x206: {  	v58 =	vand.u32 $0x7F, v49;
	v20 =	vor.u32 v2, v20;
	v23 =	vor.u32 v23, v27;
	v28 =	vld.idx.msk [tilespmem:v28+s11+$0x0], $0xffff  }
0x207: {  	v41 =	vand.u32 $0xFFFFFC00, v40;
	v25 =	vld [tilespmem:s24+$0x6050];
	[tilespmem:s22+$0x8070] =	vst v19;
	v24 =	vadd.s32 v5, v24;
	v23 =	vor.u32 v3, v23  }
0x208: {  	v19 =	vshll.u32 v36, $0x3;
	v18 =	vld.idx.msk [tilespmem:v18+s11+$0x0], $0xffff;
	v24 =	vor.u32 v30, v24;
	v30 =	vadd.s32 v8, v38;
	[tilespmem:s26+$0x8420] =	vst v21  }
0x209: {  	v19 =	vand.u32 $0xFFFFFC00, v19;
	v32 =	vand.u32 $0x7F, v36;
	v30 =	vor.u32 v34, v30;
	v26 =	vld.idx.msk [tilespmem:v26+s11+$0x0], $0xffff  }
0x20a: {  	v19 =	vadd.s32 v4, v19;
	v56 =	vshll.u32 v11, $0x3;
	v30 =	vor.u32 v7, v30;
	[tilespmem:s24+$0x8000] =	vst v22  }
0x20b: {  	v11 =	vand.u32 $0x7F, v11;
	v19 =	vor.u32 v32, v19;
	v32 =	vadd.s32 v8, v44;
	[tilespmem:s23+$0x8010] =	vst v28;
	v20 =	vld.idx.msk [tilespmem:v20+s11+$0x0], $0xffff  }
0x20c: {  	v19 =	vor.u32 v3, v19;
	v27 =	vshll.u32 v57, $0x3;
	v24 =	vor.u32 v2, v24;
	v23 =	vld.idx.msk [tilespmem:v23+s11+$0x0], $0xffff  }
0x20d: {  	v32 =	vor.u32 v33, v32;
	v46 =	vshll.u32 v25, $0x3;
	[tilespmem:s22+$0x8400] =	vst v18;
	v27 =	vand.u32 $0xFFFFFC00, v27  }
0x20e: {  	v47 =	vand.u32 $0xFFFFFC00, v46;
	v18 =	vshll.u32 v42, $0x3;
	v16 =	vld.idx.msk [tilespmem:v16+s11+$0x0], $0xffff;
	v27 =	vadd.s32 v5, v27;
	[tilespmem:s26+$0x8430] =	vst v26  }
0x20f: {  	v48 =	vor.u32 v7, v32;
	v18 =	vand.u32 $0xFFFFFC00, v18;
	v27 =	vor.u32 v29, v27;
	v22 =	vld.idx.msk [tilespmem:v30+s11+$0x0], $0xffff  }
0x210: {  	v61 =	vld [tilespmem:s24+$0x6430];
	v18 =	vadd.s32 v4, v18;
	v29 =	vand.u32 $0x7F, v42;
	v27 =	vor.u32 v2, v27;
	[tilespmem:s24+$0x8010] =	vst v20  }
0x211: {  	v60 =	vand.u32 $0xFFFFFC00, v59;
	v18 =	vor.u32 v29, v18;
	v29 =	vadd.s32 v8, v51;
	[tilespmem:s23+$0x8020] =	vst v23;
	v24 =	vld.idx.msk [tilespmem:v24+s11+$0x0], $0xffff  }
0x212: {  	v8 =	vadd.s32 v8, v60;
	v28 =	vadd.s32 v5, v41;
	v18 =	vor.u32 v3, v18;
	v19 =	vld.idx.msk [tilespmem:v19+s11+$0x0], $0xffff  }
0x213: {  	v21 =	vld [tilespmem:s24+$0x6400];
	v28 =	vor.u32 v31, v28;
	[tilespmem:s22+$0x8410] =	vst v16;
	v30 =	vadd.s32 v5, v47;
	v23 =	vand.u32 $0x7F, v25  }
0x214: {  	v16 =	vshll.u32 v49, $0x3;
	v13 =	vld.idx.msk [tilespmem:v13+s11+$0x0], $0xffff;
	v25 =	vshll.u32 v35, $0x3;
	v23 =	vor.u32 v23, v30;
	[tilespmem:s26+$0x8440] =	vst v22  }
0x215: {  	v30 =	vand.u32 $0x7F, v52;
	v22 =	vor.u32 v2, v23;
	v23 =	vand.u32 $0xFFFFFC00, v25;
	v20 =	vld.idx.msk [tilespmem:v48+s11+$0x0], $0xffff  }
0x216: {  	v57 =	vld [tilespmem:s23+$0x6060];
	v8 =	vor.u32 v30, v8;
	v25 =	vor.u32 v53, v29;
	v23 =	vadd.s32 v5, v23;
	[tilespmem:s24+$0x8020] =	vst v24  }
0x217: {  	v25 =	vor.u32 v7, v25;
	v7 =	vor.u32 v7, v8;
	[tilespmem:s23+$0x8030] =	vst v19;
	v19 =	vand.u32 $0xFFFFFC00, v16;
	v8 =	vld.idx.msk [tilespmem:v27+s11+$0x0], $0xffff  }
0x218: {  	v28 =	vor.u32 v2, v28;
	v23 =	vor.u32 v55, v23;
	v19 =	vadd.s32 v4, v19;
	v18 =	vld.idx.msk [tilespmem:v18+s11+$0x0], $0xffff  }
0x219: {  	[tilespmem:s21+$0x8450] =	vst v15;
	v26 =	vld [tilespmem:s24+$0x6410];
	v16 =	vor.u32 v2, v23;
	v23 =	vand.u32 $0xFFFFFC00, v56;
	v19 =	vor.u32 v58, v19  }
0x21a: {  	v54 =	vld [tilespmem:s24+$0x6420];
	v23 =	vadd.s32 v5, v23;
	v19 =	vor.u32 v3, v19;
	[tilespmem:s26+$0x8450] =	vst v20;
	v20 =	vshll.u32 v21, $0x3  }
0x21b: {  	v6 =	vld.idx.msk [tilespmem:v6+s11+$0x0], $0xffff;
	[tilespmem:s22+$0x8420] =	vst v13;
	v11 =	vor.u32 v11, v23;
	v23 =	vshll.u32 v57, $0x3;
	v20 =	vand.u32 $0xFFFFFC00, v20  }
0x21c: {  	v13 =	vor.u32 v2, v11;
	v24 =	vld.idx.msk [tilespmem:v25+s11+$0x0], $0xffff;
	v25 =	vand.u32 $0x7F, v57;
	v11 =	vadd.s32 v5, v20;
	[tilespmem:s24+$0x8030] =	vst v8  }
0x21d: {  	v20 =	vld.idx.msk [tilespmem:v12+s11+$0x0], $0xffff;
	v12 =	vand.u32 $0xFFFFFC00, v23;
	v8 =	vshll.u32 v61, $0x3;
	[tilespmem:s23+$0x8040] =	vst v18;
	v18 =	vand.u32 $0x7F, v21  }
0x21e: {  	v23 =	vld [tilespmem:s23+$0x6070];
	v21 =	vshll.u32 v26, $0x3;
	v12 =	vadd.s32 v4, v12;
	v11 =	vor.u32 v18, v11  }
0x21f: {  	v18 =	vld.idx.msk [tilespmem:v19+s11+$0x0], $0xffff;
	v19 =	vor.u32 v25, v12;
	v12 =	vor.u32 v2, v11;
	v11 =	vand.u32 $0xFFFFFC00, v21  }
0x220: {  	v62 =	vld [tilespmem:s24+$0x6440];
	v8 =	vand.u32 $0xFFFFFC00, v8;
	v25 =	vand.u32 $0x7F, v26;
	v11 =	vadd.s32 v5, v11  }
0x221: {  	v21 =	vld [tilespmem:s24+$0x6450];
	v19 =	vor.u32 v3, v19;
	[tilespmem:s26+$0x8460] =	vst v24;
	v11 =	vor.u32 v25, v11;
	v25 =	vshll.u32 v54, $0x3  }
0x222: {  	v8 =	vadd.s32 v5, v8;
	v27 =	vld.idx.msk [tilespmem:v7+s11+$0x0], $0xffff;
	v7 =	vand.u32 $0xFFFFFC00, v25  }
0x223: {  	v24 =	vand.u32 $0x7F, v54;
	[tilespmem:s22+$0x8430] =	vst v20;
	v20 =	vshll.u32 v23, $0x3;
	v25 =	vld.idx.msk [tilespmem:v28+s11+$0x0], $0xffff;
	v7 =	vadd.s32 v5, v7  }
0x224: {  	v11 =	vor.u32 v2, v11;
	v63 =	vld.idx.msk [tilespmem:v9+s11+$0x0], $0xffff;
	v9 =	vand.u32 $0xFFFFFC00, v20;
	v7 =	vor.u32 v24, v7  }
0x225: {  	v20 =	vand.u32 $0x7F, v23;
	v23 =	vadd.s32 v4, v9;
	[tilespmem:s23+$0x8050] =	vst v18;
	v18 =	vld [tilespmem:s23+$0x6400];
	v9 =	vor.u32 v2, v7  }
0x226: {  	v19 =	vld.idx.msk [tilespmem:v19+s11+$0x0], $0xffff;
	v7 =	vor.u32 v20, v23;
	v20 =	vand.u32 $0x7F, v61;
	v23 =	vshll.u32 v62, $0x3  }
0x227: {  	[tilespmem:s25+$0x8470] =	vst v17;
	v26 =	vld [tilespmem:s24+$0x6460];
	v24 =	vor.u32 v3, v7;
	v7 =	vor.u32 v20, v8;
	v20 =	vand.u32 $0xFFFFFC00, v23  }
0x228: {  	v15 =	vld [tilespmem:s24+$0x6470];
	[tilespmem:s24+$0x8040] =	vst v25;
	v8 =	vor.u32 v2, v7;
	v7 =	vand.u32 $0x7F, v62;
	v20 =	vadd.s32 v5, v20  }
0x229: {  	[tilespmem:s21+$0x8460] =	vst v6;
	v17 =	vld.idx.msk [tilespmem:v22+s11+$0x0], $0xffff;
	v7 =	vor.u32 v7, v20;
	v20 =	vand.u32 $0x7F, v21;
	v21 =	vshll.u32 v21, $0x3  }
0x22a: {  	v10 =	vld.idx.msk [tilespmem:v10+s11+$0x0], $0xffff;
	[tilespmem:s22+$0x8440] =	vst v63;
	v22 =	vshll.u32 v18, $0x3;
	v7 =	vor.u32 v2, v7;
	v21 =	vand.u32 $0xFFFFFC00, v21  }
0x22b: {  	v14 =	vld.idx.msk [tilespmem:v14+s11+$0x0], $0xffff;
	v18 =	vand.u32 $0x7F, v18;
	[tilespmem:s23+$0x8060] =	vst v19;
	v19 =	vand.u32 $0xFFFFFC00, v22;
	v21 =	vadd.s32 v5, v21  }
0x22c: {  	v23 =	vld [tilespmem:s23+$0x6410];
	v22 =	vshll.u32 v26, $0x3;
	v19 =	vadd.s32 v4, v19;
	v20 =	vor.u32 v20, v21  }
0x22d: {  	s30 =	simm.s32 $0x300;
	s28 =	simm.s32 $0x8;
	[tilespmem:s26+$0x8470] =	vst v27;
	v25 =	vld.idx.msk [tilespmem:v24+s11+$0x0], $0xffff;
	v21 =	vand.u32 $0x7F, v26;
	v18 =	vor.u32 v18, v19;
	v19 =	vand.u32 $0xFFFFFC00, v22  }
0x22e: {  	s25 =	simm.s32 $0x6;
	s29 =	simm.s32 $0x600;
	s26 =	simm.s32 $0x380;
	v6 =	vor.u32 v2, v20;
	v24 =	vor.u32 v3, v18;
	[tilespmem:s24+$0x8050] =	vst v17;
	v22 =	vadd.s32 v5, v19  }
.LBB2_4:
0x22f: {  	p0 =	slt.u32 s28, $0xE;
	s31 =	sand.u32 $0x800, s29;
	s30 =	sand.u32 $0x300, s30;
	v16 =	vld.idx.msk [tilespmem:v16+s11+$0x0], $0xffff;
	v17 =	vor.u32 v21, v22;
	v19 =	vand.u32 $0x7F, v15;
	v15 =	vshll.u32 v15, $0x3  }
0x230: {  	s0 =	sand.u32 $0x380, s26;
	s30 =	sor.u32 s30, s31;
	v18 =	vor.u32 v2, v17;
	v15 =	vand.u32 $0xFFFFFC00, v15;
	[tilespmem:s22+$0x8450] =	vst v14  }
0x231: {  	s1 =	sadd.s32 $0x1, s25;
	s0 =	sor.u32 s31, s0;
	v17 =	vshll.u32 v23, $0x3;
	v14 =	vld [tilespmem:s30+$0x6000];
	v5 =	vadd.s32 v5, v15  }
0x232: {  	v15 =	vmov s1;
	v17 =	vand.u32 $0xFFFFFC00, v17;
	[tilespmem:s23+$0x8070] =	vst v25;
	v20 =	vld [tilespmem:s23+$0x6420];
	v5 =	vor.u32 v19, v5  }
0x233: {  	v21 =	vand.u32 $0x7F, v23;
	v22 =	vadd.s32 v4, v17;
	v19 =	vld.idx.msk [tilespmem:v24+s11+$0x0], $0xffff;
	v17 =	vor.u32 v2, v5;
	[tilespmem:s21+$0x8470] =	vst v10;
	s21 =	smov.u32 s22;
	s22 =	smov.u32 s24;
	s24 =	smov.u32 s0  }
0x234: {  	v5 =	vshll.u32 v15, $0xA;
	v2 =	vshll.u32 v15, $0x7;
	v10 =	vor.u32 v21, v22;
	v23 =	vld [tilespmem:s24+$0x6000]  }
0x235: {  	v15 =	vmov s25;
	s25 =	smov.u32 s28;
	v2 =	vand.u32 $0x380, v2;
	v22 =	vor.u32 v3, v10;
	v21 =	vld [tilespmem:s24+$0x6010];
	[tilespmem:s22+$0x8060] =	vst v16  }
0x236: {  	v10 =	vshll.u32 v15, $0xA;
	v5 =	vand.u32 $0x2000, v5;
	v16 =	vshll.u32 v14, $0x3;
	v24 =	vld [tilespmem:s24+$0x6020]  }
0x237: {  	v15 =	vshll.u32 v15, $0x7;
	v10 =	vand.u32 $0x2000, v10;
	v16 =	vand.u32 $0xFFFFFC00, v16;
	v25 =	vld [tilespmem:s24+$0x6030]  }
0x238: {  	v26 =	vand.u32 $0x7F, v14;
	v28 =	vshll.u32 v20, $0x3;
	v16 =	vadd.s32 v10, v16;
	v27 =	vld [tilespmem:s30+$0x6010]  }
0x239: {  	v14 =	vand.u32 $0x300, v15;
	v15 =	vor.u32 v26, v16;
	[tilespmem:s23+$0x8400] =	vst v19;
	v16 =	vand.u32 $0xFFFFFC00, v28;
	v19 =	vld [tilespmem:s23+$0x6430]  }
0x23a: {  	v20 =	vand.u32 $0x7F, v20;
	v15 =	vor.u32 v14, v15;
	v22 =	vld.idx.msk [tilespmem:v22+s11+$0x0], $0xffff;
	v16 =	vadd.s32 v4, v16  }
0x23b: {  	v26 =	vand.u32 $0x7F, v23;
	v23 =	vshll.u32 v23, $0x3;
	v28 =	vld [tilespmem:s24+$0x6040];
	v16 =	vor.u32 v20, v16  }
0x23c: {  	v20 =	vand.u32 $0xFFFFFC00, v23;
	v23 =	vshll.u32 v21, $0x3;
	v29 =	vld [tilespmem:s24+$0x6050];
	v30 =	vor.u32 v3, v16  }
0x23d: {  	v20 =	vadd.s32 v5, v20;
	v23 =	vand.u32 $0xFFFFFC00, v23;
	v31 =	vshll.u32 v27, $0x3;
	v16 =	vld [tilespmem:s24+$0x6060]  }
0x23e: {  	v20 =	vor.u32 v26, v20;
	v23 =	vadd.s32 v5, v23;
	v31 =	vand.u32 $0xFFFFFC00, v31;
	v32 =	vld [tilespmem:s30+$0x6020]  }
0x23f: {  	v26 =	vld.idx.msk [tilespmem:v15+s11+$0x0], $0xffff;
	v15 =	vand.u32 $0x7F, v27;
	v27 =	vadd.s32 v10, v31;
	v31 =	vshll.u32 v19, $0x3  }
0x240: {  	v20 =	vor.u32 v2, v20;
	v15 =	vor.u32 v15, v27;
	[tilespmem:s23+$0x8410] =	vst v22;
	v22 =	vand.u32 $0xFFFFFC00, v31;
	v27 =	vld [tilespmem:s23+$0x6440]  }
0x241: {  	v31 =	vor.u32 v14, v15;
	v30 =	vld.idx.msk [tilespmem:v30+s11+$0x0], $0xffff;
	v15 =	vand.u32 $0x7F, v19;
	v22 =	vadd.s32 v4, v22  }
0x242: {  	v21 =	vand.u32 $0x7F, v21;
	v33 =	vshll.u32 v24, $0x3;
	v19 =	vld [tilespmem:s24+$0x6070];
	v22 =	vor.u32 v15, v22  }
0x243: {  	v21 =	vor.u32 v21, v23;
	v23 =	vand.u32 $0xFFFFFC00, v33;
	v15 =	vld [tilespmem:s24+$0x6400];
	v22 =	vor.u32 v3, v22  }
0x244: {  	v21 =	vor.u32 v2, v21;
	v23 =	vadd.s32 v5, v23;
	v33 =	vshll.u32 v32, $0x3;
	v13 =	vld.idx.msk [tilespmem:v13+s11+$0x0], $0xffff  }
0x245: {  	v24 =	vand.u32 $0x7F, v24;
	v34 =	vshll.u32 v25, $0x3;
	[tilespmem:s30+$0x8000] =	vst v26;
	v26 =	vand.u32 $0xFFFFFC00, v33;
	v33 =	vld [tilespmem:s30+$0x6030]  }
0x246: {  	v32 =	vand.u32 $0x7F, v32;
	v35 =	vshll.u32 v27, $0x3;
	v31 =	vld.idx.msk [tilespmem:v31+s11+$0x0], $0xffff;
	v26 =	vadd.s32 v10, v26  }
0x247: {  	v23 =	vor.u32 v24, v23;
	v24 =	vand.u32 $0xFFFFFC00, v35;
	v26 =	vor.u32 v32, v26;
	[tilespmem:s23+$0x8420] =	vst v30;
	v30 =	vld [tilespmem:s23+$0x6450]  }
0x248: {  	v27 =	vand.u32 $0x7F, v27;
	v24 =	vadd.s32 v4, v24;
	v26 =	vor.u32 v14, v26;
	v22 =	vld.idx.msk [tilespmem:v22+s11+$0x0], $0xffff  }
0x249: {  	v23 =	vor.u32 v2, v23;
	v24 =	vor.u32 v27, v24;
	v32 =	vld.idx.msk [tilespmem:v20+s11+$0x0], $0xffff;
	v20 =	vand.u32 $0xFFFFFC00, v34  }
0x24a: {  	v25 =	vand.u32 $0x7F, v25;
	v24 =	vor.u32 v3, v24;
	v27 =	vadd.s32 v5, v20;
	v20 =	vld [tilespmem:s24+$0x6410];
	[tilespmem:s22+$0x8070] =	vst v13  }
0x24b: {  	v13 =	vshll.u32 v33, $0x3;
	v25 =	vor.u32 v25, v27;
	v27 =	vshll.u32 v28, $0x3;
	v12 =	vld.idx.msk [tilespmem:v12+s11+$0x0], $0xffff  }
0x24c: {  	v13 =	vand.u32 $0xFFFFFC00, v13;
	[tilespmem:s30+$0x8010] =	vst v31;
	v31 =	vld [tilespmem:s30+$0x6040];
	v25 =	vor.u32 v2, v25;
	v27 =	vand.u32 $0xFFFFFC00, v27  }
0x24d: {  	v33 =	vand.u32 $0x7F, v33;
	v13 =	vadd.s32 v10, v13;
	v34 =	vshll.u32 v30, $0x3;
	v26 =	vld.idx.msk [tilespmem:v26+s11+$0x0], $0xffff  }
0x24e: {  	v13 =	vor.u32 v33, v13;
	v27 =	vadd.s32 v5, v27;
	[tilespmem:s23+$0x8430] =	vst v22;
	v22 =	vand.u32 $0xFFFFFC00, v34;
	v33 =	vld [tilespmem:s23+$0x6460]  }
0x24f: {  	v30 =	vand.u32 $0x7F, v30;
	v13 =	vor.u32 v14, v13;
	[tilespmem:s24+$0x8000] =	vst v32;
	v24 =	vld.idx.msk [tilespmem:v24+s11+$0x0], $0xffff;
	v22 =	vadd.s32 v4, v22  }
0x250: {  	v28 =	vand.u32 $0x7F, v28;
	v32 =	vshll.u32 v29, $0x3;
	v21 =	vld.idx.msk [tilespmem:v21+s11+$0x0], $0xffff;
	v22 =	vor.u32 v30, v22  }
0x251: {  	v27 =	vor.u32 v28, v27;
	v28 =	vand.u32 $0xFFFFFC00, v32;
	v30 =	vld [tilespmem:s24+$0x6420];
	v22 =	vor.u32 v3, v22;
	[tilespmem:s22+$0x8400] =	vst v12  }
0x252: {  	v27 =	vor.u32 v2, v27;
	v12 =	vshll.u32 v31, $0x3;
	v28 =	vadd.s32 v5, v28;
	v11 =	vld.idx.msk [tilespmem:v11+s11+$0x0], $0xffff  }
0x253: {  	v29 =	vand.u32 $0x7F, v29;
	v32 =	vshll.u32 v16, $0x3;
	v12 =	vand.u32 $0xFFFFFC00, v12;
	[tilespmem:s30+$0x8020] =	vst v26;
	v26 =	vld [tilespmem:s30+$0x6050]  }
0x254: {  	v31 =	vand.u32 $0x7F, v31;
	v12 =	vadd.s32 v10, v12;
	v34 =	vshll.u32 v33, $0x3;
	v13 =	vld.idx.msk [tilespmem:v13+s11+$0x0], $0xffff  }
0x255: {  	v28 =	vor.u32 v29, v28;
	v12 =	vor.u32 v31, v12;
	[tilespmem:s23+$0x8440] =	vst v24;
	v24 =	vand.u32 $0xFFFFFC00, v34;
	v29 =	vld [tilespmem:s23+$0x6470]  }
0x256: {  	v12 =	vor.u32 v14, v12;
	[tilespmem:s24+$0x8010] =	vst v21;
	v21 =	vld.idx.msk [tilespmem:v22+s11+$0x0], $0xffff;
	v22 =	vand.u32 $0x7F, v33;
	v24 =	vadd.s32 v4, v24  }
0x257: {  	v28 =	vor.u32 v2, v28;
	v31 =	vand.u32 $0xFFFFFC00, v32;
	v23 =	vld.idx.msk [tilespmem:v23+s11+$0x0], $0xffff;
	v22 =	vor.u32 v22, v24  }
0x258: {  	v16 =	vand.u32 $0x7F, v16;
	v24 =	vadd.s32 v5, v31;
	v31 =	vld [tilespmem:s24+$0x6430];
	v22 =	vor.u32 v3, v22;
	[tilespmem:s22+$0x8410] =	vst v11  }
0x259: {  	v11 =	vshll.u32 v26, $0x3;
	v16 =	vor.u32 v16, v24;
	v24 =	vshll.u32 v19, $0x3;
	v9 =	vld.idx.msk [tilespmem:v9+s11+$0x0], $0xffff  }
0x25a: {  	v11 =	vand.u32 $0xFFFFFC00, v11;
	v16 =	vor.u32 v2, v16;
	[tilespmem:s30+$0x8030] =	vst v13;
	v32 =	vld [tilespmem:s30+$0x6060];
	v13 =	vand.u32 $0xFFFFFC00, v24  }
0x25b: {  	v24 =	vand.u32 $0x7F, v26;
	v11 =	vadd.s32 v10, v11;
	v26 =	vshll.u32 v29, $0x3;
	v12 =	vld.idx.msk [tilespmem:v12+s11+$0x0], $0xffff  }
0x25c: {  	v11 =	vor.u32 v24, v11;
	v13 =	vadd.s32 v5, v13;
	v24 =	vld [tilespmem:s24+$0x6440];
	[tilespmem:s23+$0x8450] =	vst v21;
	v21 =	vand.u32 $0xFFFFFC00, v26  }
0x25d: {  	v11 =	vor.u32 v14, v11;
	[tilespmem:s24+$0x8020] =	vst v23;
	v22 =	vld.idx.msk [tilespmem:v22+s11+$0x0], $0xffff;
	v23 =	vand.u32 $0x7F, v29;
	v26 =	vadd.s32 v4, v21  }
0x25e: {  	v19 =	vand.u32 $0x7F, v19;
	v4 =	vmovc v10;
	v21 =	vld.idx.msk [tilespmem:v25+s11+$0x0], $0xffff;
	v25 =	vshll.u32 v15, $0x3;
	v23 =	vor.u32 v23, v26  }
0x25f: {  	v10 =	vor.u32 v19, v13;
	v19 =	vand.u32 $0xFFFFFC00, v25;
	v25 =	vld [tilespmem:s24+$0x6450];
	v23 =	vor.u32 v3, v23;
	[tilespmem:s22+$0x8420] =	vst v9;
	v3 =	vmovc v14  }
0x260: {  	v13 =	vor.u32 v2, v10;
	v9 =	vshll.u32 v32, $0x3;
	v10 =	vadd.s32 v5, v19;
	v8 =	vld.idx.msk [tilespmem:v8+s11+$0x0], $0xffff  }
0x261: {  	v9 =	vand.u32 $0xFFFFFC00, v9;
	[tilespmem:s30+$0x8040] =	vst v12;
	v14 =	vld [tilespmem:s30+$0x6070];
	v12 =	vand.u32 $0x7F, v15;
	v15 =	vshll.u32 v20, $0x3  }
0x262: {  	v9 =	vadd.s32 v4, v9;
	v19 =	vld.idx.msk [tilespmem:v11+s11+$0x0], $0xffff;
	v11 =	vand.u32 $0x7F, v32;
	v10 =	vor.u32 v12, v10  }
0x263: {  	v9 =	vor.u32 v11, v9;
	v12 =	vor.u32 v2, v10;
	v10 =	vand.u32 $0xFFFFFC00, v15;
	v26 =	vld [tilespmem:s24+$0x6460];
	[tilespmem:s23+$0x8460] =	vst v22  }
0x264: {  	v11 =	vand.u32 $0x7F, v20;
	v9 =	vor.u32 v3, v9;
	[tilespmem:s24+$0x8030] =	vst v21;
	v10 =	vadd.s32 v5, v10;
	v20 =	vld.idx.msk [tilespmem:v23+s11+$0x0], $0xffff  }
0x265: {  	v22 =	vand.u32 $0x7F, v30;
	v15 =	vshll.u32 v30, $0x3;
	v21 =	vld.idx.msk [tilespmem:v27+s11+$0x0], $0xffff;
	v10 =	vor.u32 v11, v10  }
0x266: {  	v23 =	vshll.u32 v31, $0x3;
	v11 =	vor.u32 v2, v10;
	v10 =	vand.u32 $0xFFFFFC00, v15;
	v15 =	vld [tilespmem:s24+$0x6470];
	[tilespmem:s22+$0x8430] =	vst v8  }
0x267: {  	v23 =	vand.u32 $0xFFFFFC00, v23;
	v8 =	vshll.u32 v14, $0x3;
	v10 =	vadd.s32 v5, v10;
	v7 =	vld.idx.msk [tilespmem:v7+s11+$0x0], $0xffff  }
0x268: {  	v8 =	vand.u32 $0xFFFFFC00, v8;
	[tilespmem:s30+$0x8050] =	vst v19;
	v19 =	vld [tilespmem:s30+$0x6400];
	v10 =	vor.u32 v22, v10;
	v22 =	vadd.s32 v5, v23  }
0x269: {  	v14 =	vand.u32 $0x7F, v14;
	v8 =	vadd.s32 v4, v8;
	v23 =	vld.idx.msk [tilespmem:v9+s11+$0x0], $0xffff;
	v9 =	vor.u32 v2, v10  }
0x26a: {  	v8 =	vor.u32 v14, v8;
	v10 =	vand.u32 $0x7F, v31;
	v14 =	vshll.u32 v24, $0x3;
	[tilespmem:s23+$0x8470] =	vst v20;
	v20 =	vld.idx.msk [tilespmem:v1+s11+$0x0], $0xffff;
	v1 =	vmovc v18;
	s23 =	smov.u32 s30  }
0x26b: {  	v18 =	vor.u32 v3, v8;
	v8 =	vor.u32 v10, v22;
	v10 =	vand.u32 $0xFFFFFC00, v14;
	[tilespmem:s24+$0x8040] =	vst v21  }
0x26c: {  	v14 =	vand.u32 $0x7F, v24;
	v8 =	vor.u32 v2, v8;
	v10 =	vadd.s32 v5, v10;
	v21 =	vld.idx.msk [tilespmem:v28+s11+$0x0], $0xffff  }
0x26d: {  	v22 =	vand.u32 $0x7F, v25;
	v10 =	vor.u32 v14, v10;
	v14 =	vshll.u32 v25, $0x3;
	[tilespmem:s22+$0x8440] =	vst v7  }
.Ltmp1:
0x26e: {  	v24 =	vshll.u32 v19, $0x3;
	v7 =	vor.u32 v2, v10;
	v10 =	vand.u32 $0xFFFFFC00, v14;
	v14 =	vld.idx.msk [tilespmem:v6+s11+$0x0], $0xffff;
	(pc) =	sbr.rel @p0 .LBB2_4-.Ltmp1, $4  }
0x26f: {  	v6 =	vand.u32 $0xFFFFFC00, v24;
	v10 =	vadd.s32 v5, v10;
	v24 =	vshll.u32 v26, $0x3;
	[tilespmem:s23+$0x8060] =	vst v23;
	v23 =	vld [tilespmem:s23+$0x6410]  }
0x270: {  	v6 =	vadd.s32 v4, v6;
	v10 =	vor.u32 v22, v10;
	v25 =	vld.idx.msk [tilespmem:v18+s11+$0x0], $0xffff;
	v18 =	vand.u32 $0x7F, v19;
	[tilespmem:s21+$0x8460] =	vst v20  }
0x271: {  	s26 =	sadd.s32 $0x100, s26;
	v19 =	vand.u32 $0xFFFFFC00, v24;
	v18 =	vor.u32 v18, v6;
	v6 =	vor.u32 v2, v10;
	v10 =	vld.idx.msk [tilespmem:v0+s11+$0x0], $0xffff;
	v0 =	vmovc v17  }
0x272: {  	s29 =	sadd.s32 $0x200, s29;
	s28 =	sadd.s32 $0x2, s28;
	s30 =	sadd.s32 $0xFFFFFF80, s26;
	v22 =	vadd.s32 v5, v19;
	v24 =	vor.u32 v3, v18;
	[tilespmem:s24+$0x8050] =	vst v21;
	v21 =	vand.u32 $0x7F, v26  }
0x273: {  	s0 =	sand.u32 $0x800, s29;
	s1 =	sand.u32 $0x300, s30  }
0x274: {  	s30 =	sand.u32 $0x380, s26;
	s28 =	sor.u32 s1, s0  }
0x275: {  	s26 =	sor.u32 s0, s30;
	v18 =	vld [tilespmem:s28+$0x6000]  }
0x276: {  	v26 =	vld [tilespmem:s26+$0x6000]  }
0x277: {  	s31 =	sadd.s32 $0x1, s25;
	v20 =	vmov s25  }
0x278: {  	v17 =	vmov s31;
	v28 =	vshll.u32 v20, $0xA  }
0x279: {  	v20 =	vshll.u32 v20, $0x7;
	v19 =	vshll.u32 v17, $0xA;
	v27 =	vshll.u32 v17, $0x7  }
0x27a: {  	v20 =	vand.u32 $0x300, v20;
	v17 =	vand.u32 $0x2000, v19;
	v29 =	vshll.u32 v18, $0x3  }
0x27b: {  	v41 =	vld [tilespmem:s28+$0x6010];
	v19 =	vand.u32 $0x2000, v28;
	v30 =	vshll.u32 v26, $0x3;
	v40 =	vand.u32 $0xFFFFFC00, v29  }
0x27c: {  	v31 =	vld [tilespmem:s26+$0x6010];
	v18 =	vand.u32 $0x7F, v18;
	v42 =	vand.u32 $0xFFFFFC00, v30;
	v28 =	vadd.s32 v19, v40  }
0x27d: {  	v26 =	vand.u32 $0x7F, v26;
	v18 =	vor.u32 v18, v28;
	v28 =	vadd.s32 v17, v42  }
0x27e: {  	v43 =	vor.u32 v20, v18;
	v18 =	vand.u32 $0x380, v27;
	v26 =	vor.u32 v26, v28  }
0x27f: {  	v26 =	vor.u32 v18, v26  }
0x280: {  	v44 =	vshll.u32 v41, $0x3  }
0x281: {  	v45 =	vld [tilespmem:s28+$0x6020];
	v33 =	vshll.u32 v31, $0x3;
	v27 =	vand.u32 $0xFFFFFC00, v44  }
0x282: {  	v32 =	vld [tilespmem:s26+$0x6020];
	v29 =	vand.u32 $0x7F, v41;
	v33 =	vand.u32 $0xFFFFFC00, v33;
	v27 =	vadd.s32 v19, v27  }
0x283: {  	v31 =	vand.u32 $0x7F, v31;
	v46 =	vadd.s32 v17, v33;
	v27 =	vor.u32 v29, v27;
	v30 =	vld.idx.msk [tilespmem:v43+s11+$0x0], $0xffff  }
0x284: {  	v29 =	vor.u32 v31, v46;
	v27 =	vor.u32 v20, v27;
	v26 =	vld.idx.msk [tilespmem:v26+s11+$0x0], $0xffff  }
0x285: {  	v29 =	vor.u32 v18, v29  }
0x286: {  	v47 =	vshll.u32 v45, $0x3  }
0x287: {  	v48 =	vld [tilespmem:s28+$0x6030];
	v35 =	vshll.u32 v32, $0x3;
	v31 =	vand.u32 $0xFFFFFC00, v47  }
0x288: {  	v34 =	vld [tilespmem:s26+$0x6030];
	v50 =	vand.u32 $0xFFFFFC00, v35;
	v28 =	vand.u32 $0x7F, v45;
	v49 =	vadd.s32 v19, v31;
	[tilespmem:s28+$0x8000] =	vst v30  }
0x289: {  	v52 =	vand.u32 $0x7F, v32;
	v51 =	vadd.s32 v17, v50;
	v28 =	vor.u32 v28, v49;
	v27 =	vld.idx.msk [tilespmem:v27+s11+$0x0], $0xffff;
	[tilespmem:s26+$0x8000] =	vst v26  }
0x28a: {  	v53 =	vor.u32 v52, v51;
	v28 =	vor.u32 v20, v28;
	v29 =	vld.idx.msk [tilespmem:v29+s11+$0x0], $0xffff  }
0x28b: {  	v26 =	vor.u32 v18, v53  }
0x28c: {  	v16 =	vld.idx.msk [tilespmem:v16+s11+$0x0], $0xffff;
	v54 =	vshll.u32 v48, $0x3  }
0x28d: {  	v55 =	vld [tilespmem:s28+$0x6040];
	v57 =	vshll.u32 v34, $0x3;
	v30 =	vand.u32 $0xFFFFFC00, v54  }
0x28e: {  	v56 =	vld [tilespmem:s26+$0x6040];
	v58 =	vand.u32 $0x7F, v48;
	v59 =	vand.u32 $0xFFFFFC00, v57;
	v30 =	vadd.s32 v19, v30;
	[tilespmem:s28+$0x8010] =	vst v27  }
0x28f: {  	v60 =	vand.u32 $0x7F, v34;
	v33 =	vadd.s32 v17, v59;
	v27 =	vor.u32 v58, v30;
	v28 =	vld.idx.msk [tilespmem:v28+s11+$0x0], $0xffff;
	[tilespmem:s26+$0x8010] =	vst v29  }
0x290: {  	v61 =	vor.u32 v60, v33;
	v27 =	vor.u32 v20, v27;
	v26 =	vld.idx.msk [tilespmem:v26+s11+$0x0], $0xffff  }
0x291: {  	v63 =	vld [tilespmem:s28+$0x6050];
	v29 =	vor.u32 v18, v61  }
0x292: {  	v36 =	vld [tilespmem:s26+$0x6050];
	[tilespmem:s23+$0x8070] =	vst v25;
	v62 =	vshll.u32 v55, $0x3  }
0x293: {  	v24 =	vld.idx.msk [tilespmem:v24+s11+$0x0], $0xffff;
	[tilespmem:s24+$0x8060] =	vst v16;
	v37 =	vshll.u32 v56, $0x3;
	v30 =	vand.u32 $0xFFFFFC00, v62  }
0x294: {  	v13 =	vld.idx.msk [tilespmem:v13+s11+$0x0], $0xffff;
	v38 =	vand.u32 $0x7F, v55;
	v39 =	vand.u32 $0xFFFFFC00, v37;
	v30 =	vadd.s32 v19, v30;
	[tilespmem:s28+$0x8020] =	vst v28  }
0x295: {  	v41 =	vand.u32 $0x7F, v56;
	v40 =	vadd.s32 v17, v39;
	v28 =	vor.u32 v38, v30;
	v27 =	vld.idx.msk [tilespmem:v27+s11+$0x0], $0xffff;
	[tilespmem:s26+$0x8020] =	vst v26  }
0x296: {  	v42 =	vshll.u32 v23, $0x3;
	v43 =	vor.u32 v41, v40;
	v28 =	vor.u32 v20, v28;
	v29 =	vld.idx.msk [tilespmem:v29+s11+$0x0], $0xffff  }
0x297: {  	v48 =	vld [tilespmem:s26+$0x6060];
	v33 =	vand.u32 $0x7F, v63;
	v45 =	vshll.u32 v63, $0x3;
	v25 =	vor.u32 v18, v43  }
0x298: {  	v56 =	vld [tilespmem:s28+$0x6070];
	v46 =	vand.u32 $0x7F, v23;
	v31 =	vand.u32 $0xFFFFFC00, v45;
	v26 =	vand.u32 $0xFFFFFC00, v42  }
0x299: {  	v47 =	vld [tilespmem:s28+$0x6060];
	v49 =	vshll.u32 v36, $0x3;
	v31 =	vadd.s32 v19, v31;
	v26 =	vadd.s32 v4, v26  }
0x29a: {  	v44 =	vld [tilespmem:s23+$0x6420];
	v50 =	vand.u32 $0xFFFFFC00, v49;
	v52 =	vor.u32 v33, v31;
	v23 =	vor.u32 v46, v26;
	[tilespmem:s28+$0x8030] =	vst v27  }
0x29b: {  	v53 =	vand.u32 $0x7F, v36;
	v26 =	vadd.s32 v17, v50;
	v23 =	vor.u32 v3, v23;
	v51 =	vld.idx.msk [tilespmem:v28+s11+$0x0], $0xffff;
	[tilespmem:s26+$0x8030] =	vst v29  }
0x29c: {  	[tilespmem:s24+$0x8070] =	vst v13;
	v26 =	vor.u32 v53, v26;
	v28 =	vor.u32 v20, v52;
	v25 =	vld.idx.msk [tilespmem:v25+s11+$0x0], $0xffff  }
0x29d: {  	v12 =	vld.idx.msk [tilespmem:v12+s11+$0x0], $0xffff;
	v26 =	vor.u32 v18, v26  }
0x29e: {  	v57 =	vld [tilespmem:s26+$0x6070];
	v54 =	vshll.u32 v47, $0x3  }
0x29f: {  	[tilespmem:s23+$0x8400] =	vst v24;
	v37 =	vld [tilespmem:s26+$0x6400];
	v60 =	vand.u32 $0x7F, v48;
	v58 =	vshll.u32 v48, $0x3;
	v29 =	vand.u32 $0xFFFFFC00, v54  }
0x2a0: {  	v32 =	vand.u32 $0x7F, v47;
	v27 =	vand.u32 $0xFFFFFC00, v58;
	v29 =	vadd.s32 v19, v29;
	v23 =	vld.idx.msk [tilespmem:v23+s11+$0x0], $0xffff;
	[tilespmem:s28+$0x8040] =	vst v51  }
0x2a1: {  	v55 =	vshll.u32 v44, $0x3;
	v27 =	vadd.s32 v17, v27;
	v29 =	vor.u32 v32, v29;
	v28 =	vld.idx.msk [tilespmem:v28+s11+$0x0], $0xffff;
	[tilespmem:s26+$0x8040] =	vst v25  }
0x2a2: {  	v59 =	vand.u32 $0xFFFFFC00, v55;
	[tilespmem:s24+$0x8400] =	vst v12;
	v27 =	vor.u32 v60, v27;
	v29 =	vor.u32 v20, v29;
	v26 =	vld.idx.msk [tilespmem:v26+s11+$0x0], $0xffff  }
0x2a3: {  	v24 =	vadd.s32 v4, v59;
	v11 =	vld.idx.msk [tilespmem:v11+s11+$0x0], $0xffff;
	v61 =	vand.u32 $0x7F, v44;
	v63 =	vor.u32 v18, v27  }
0x2a4: {  	v35 =	vshll.u32 v56, $0x3;
	v45 =	vld [tilespmem:s28+$0x6410];
	v24 =	vor.u32 v61, v24  }
0x2a5: {  	v36 =	vld [tilespmem:s28+$0x6400];
	v24 =	vor.u32 v3, v24;
	v38 =	vshll.u32 v57, $0x3;
	v27 =	vand.u32 $0xFFFFFC00, v35;
	[tilespmem:s23+$0x8410] =	vst v23  }
0x2a6: {  	v39 =	vand.u32 $0x7F, v56;
	v41 =	vld [tilespmem:s23+$0x6440];
	v40 =	vand.u32 $0xFFFFFC00, v38;
	v27 =	vadd.s32 v19, v27;
	[tilespmem:s28+$0x8050] =	vst v28  }
0x2a7: {  	v42 =	vand.u32 $0x7F, v57;
	v27 =	vor.u32 v39, v27;
	v23 =	vadd.s32 v17, v40;
	v29 =	vld.idx.msk [tilespmem:v29+s11+$0x0], $0xffff;
	[tilespmem:s26+$0x8050] =	vst v26  }
0x2a8: {  	[tilespmem:s24+$0x8410] =	vst v11;
	v27 =	vor.u32 v20, v27;
	v23 =	vor.u32 v42, v23;
	v25 =	vld.idx.msk [tilespmem:v63+s11+$0x0], $0xffff  }
0x2a9: {  	v9 =	vld.idx.msk [tilespmem:v9+s11+$0x0], $0xffff;
	v23 =	vor.u32 v18, v23  }
0x2aa: {  	v43 =	vshll.u32 v36, $0x3;
	v24 =	vld.idx.msk [tilespmem:v24+s11+$0x0], $0xffff  }
0x2ab: {  	v47 =	vshll.u32 v37, $0x3;
	v62 =	vld [tilespmem:s23+$0x6430];
	v26 =	vand.u32 $0xFFFFFC00, v43  }
0x2ac: {  	v31 =	vand.u32 $0x7F, v36;
	v46 =	vld [tilespmem:s26+$0x6410];
	v26 =	vadd.s32 v19, v26;
	[tilespmem:s28+$0x8060] =	vst v29;
	v29 =	vand.u32 $0xFFFFFC00, v47  }
0x2ad: {  	v49 =	vand.u32 $0x7F, v37;
	v26 =	vor.u32 v31, v26;
	v27 =	vld.idx.msk [tilespmem:v27+s11+$0x0], $0xffff;
	v29 =	vadd.s32 v17, v29;
	[tilespmem:s26+$0x8060] =	vst v25  }
0x2ae: {  	[tilespmem:s24+$0x8420] =	vst v9;
	v26 =	vor.u32 v20, v26;
	v51 =	vor.u32 v49, v29;
	v23 =	vld.idx.msk [tilespmem:v23+s11+$0x0], $0xffff  }
0x2af: {  	v61 =	vld [tilespmem:s28+$0x6430];
	[tilespmem:s23+$0x8420] =	vst v24;
	v24 =	vor.u32 v18, v51  }
0x2b0: {  	v21 =	vor.u32 v21, v22;
	v8 =	vld.idx.msk [tilespmem:v8+s11+$0x0], $0xffff;
	v52 =	vshll.u32 v45, $0x3  }
0x2b1: {  	v56 =	vand.u32 $0x7F, v45;
	v53 =	vld [tilespmem:s28+$0x6420];
	v55 =	vshll.u32 v46, $0x3;
	v29 =	vand.u32 $0xFFFFFC00, v52  }
0x2b2: {  	v44 =	vshll.u32 v62, $0x3;
	v54 =	vld [tilespmem:s26+$0x6420];
	v57 =	vand.u32 $0xFFFFFC00, v55;
	v29 =	vadd.s32 v19, v29;
	[tilespmem:s28+$0x8070] =	vst v27  }
0x2b3: {  	v58 =	vand.u32 $0x7F, v46;
	v13 =	vadd.s32 v17, v57;
	v27 =	vor.u32 v56, v29;
	v26 =	vld.idx.msk [tilespmem:v26+s11+$0x0], $0xffff;
	[tilespmem:s26+$0x8070] =	vst v23  }
0x2b4: {  	v48 =	vand.u32 $0xFFFFFC00, v44;
	v13 =	vor.u32 v58, v13;
	v27 =	vor.u32 v20, v27;
	v23 =	vld.idx.msk [tilespmem:v24+s11+$0x0], $0xffff  }
0x2b5: {  	v16 =	vadd.s32 v4, v48;
	v50 =	vand.u32 $0x7F, v62;
	v62 =	vld [tilespmem:s26+$0x6430];
	v13 =	vor.u32 v18, v13  }
0x2b6: {  	v21 =	vor.u32 v2, v21;
	v44 =	vld [tilespmem:s28+$0x6440];
	v16 =	vor.u32 v50, v16;
	v59 =	vshll.u32 v53, $0x3  }
0x2b7: {  	v16 =	vor.u32 v3, v16;
	v45 =	vld [tilespmem:s26+$0x6440];
	v63 =	vshll.u32 v54, $0x3;
	v24 =	vand.u32 $0xFFFFFC00, v59  }
0x2b8: {  	v36 =	vand.u32 $0x7F, v53;
	v55 =	vld [tilespmem:s28+$0x6450];
	v37 =	vand.u32 $0xFFFFFC00, v63;
	v24 =	vadd.s32 v19, v24;
	[tilespmem:s28+$0x8400] =	vst v26  }
0x2b9: {  	v38 =	vand.u32 $0x7F, v54;
	v12 =	vadd.s32 v17, v37;
	v24 =	vor.u32 v36, v24;
	v27 =	vld.idx.msk [tilespmem:v27+s11+$0x0], $0xffff;
	[tilespmem:s26+$0x8400] =	vst v23  }
0x2ba: {  	v46 =	vshll.u32 v62, $0x3;
	v12 =	vor.u32 v38, v12;
	v24 =	vor.u32 v20, v24;
	v13 =	vld.idx.msk [tilespmem:v13+s11+$0x0], $0xffff  }
0x2bb: {  	[tilespmem:s24+$0x8430] =	vst v8;
	v60 =	vshll.u32 v41, $0x3;
	v48 =	vand.u32 $0xFFFFFC00, v46;
	v35 =	vld [tilespmem:s26+$0x6460];
	v12 =	vor.u32 v18, v12  }
0x2bc: {  	v7 =	vld.idx.msk [tilespmem:v7+s11+$0x0], $0xffff;
	v53 =	vshll.u32 v44, $0x3;
	v11 =	vadd.s32 v17, v48;
	v43 =	vshll.u32 v61, $0x3  }
0x2bd: {  	v39 =	vand.u32 $0x7F, v41;
	v58 =	vand.u32 $0x7F, v44;
	v42 =	vld [tilespmem:s23+$0x6460];
	v26 =	vand.u32 $0xFFFFFC00, v43  }
0x2be: {  	v57 =	vshll.u32 v45, $0x3;
	v16 =	vld.idx.msk [tilespmem:v16+s11+$0x0], $0xffff;
	v47 =	vand.u32 $0x7F, v61;
	v26 =	vadd.s32 v19, v26;
	[tilespmem:s28+$0x8410] =	vst v27  }
0x2bf: {  	v32 =	vshll.u32 v55, $0x3;
	v51 =	vand.u32 $0x7F, v62;
	v50 =	vor.u32 v47, v26;
	v49 =	vld.idx.msk [tilespmem:v24+s11+$0x0], $0xffff;
	[tilespmem:s26+$0x8410] =	vst v13  }
0x2c0: {  	v46 =	vshll.u32 v35, $0x3;
	v11 =	vor.u32 v51, v11;
	v24 =	vor.u32 v20, v50;
	v12 =	vld.idx.msk [tilespmem:v12+s11+$0x0], $0xffff  }
0x2c1: {  	v48 =	vand.u32 $0xFFFFFC00, v46;
	v11 =	vor.u32 v18, v11;
	v29 =	vand.u32 $0xFFFFFC00, v60  }
0x2c2: {  	[tilespmem:s24+$0x8440] =	vst v7;
	v7 =	vadd.s32 v17, v48;
	v33 =	vshll.u32 v42, $0x3;
	v25 =	vld [tilespmem:s23+$0x6450];
	v40 =	vadd.s32 v4, v29  }
0x2c3: {  	v37 =	vand.u32 $0x7F, v55;
	[tilespmem:s23+$0x8430] =	vst v16;
	v56 =	vld [tilespmem:s26+$0x6450];
	v41 =	vor.u32 v39, v40;
	v26 =	vand.u32 $0xFFFFFC00, v53  }
0x2c4: {  	v34 =	vld [tilespmem:s28+$0x6460];
	v59 =	vand.u32 $0xFFFFFC00, v57;
	v16 =	vor.u32 v3, v41;
	v26 =	vadd.s32 v19, v26;
	[tilespmem:s28+$0x8420] =	vst v49  }
0x2c5: {  	v60 =	vand.u32 $0x7F, v45;
	v9 =	vadd.s32 v17, v59;
	v22 =	vor.u32 v58, v26;
	v24 =	vld.idx.msk [tilespmem:v24+s11+$0x0], $0xffff;
	[tilespmem:s26+$0x8420] =	vst v12  }
0x2c6: {  	v52 =	vshll.u32 v15, $0x3;
	v9 =	vor.u32 v60, v9;
	v22 =	vor.u32 v20, v22;
	v11 =	vld.idx.msk [tilespmem:v11+s11+$0x0], $0xffff  }
0x2c7: {  	v44 =	vld [tilespmem:s28+$0x6470];
	v54 =	vshll.u32 v25, $0x3;
	v61 =	vand.u32 $0x7F, v25;
	v9 =	vor.u32 v18, v9  }
0x2c8: {  	v25 =	vand.u32 $0xFFFFFC00, v32;
	v45 =	vld [tilespmem:s26+$0x6470];
	v36 =	vshll.u32 v56, $0x3;
	v27 =	vand.u32 $0xFFFFFC00, v54  }
0x2c9: {  	v63 =	vld [tilespmem:s23+$0x6470];
	v25 =	vadd.s32 v19, v25;
	v38 =	vand.u32 $0xFFFFFC00, v36;
	v62 =	vadd.s32 v4, v27  }
0x2ca: {  	v40 =	vand.u32 $0x7F, v42;
	v8 =	vadd.s32 v17, v38;
	v16 =	vld.idx.msk [tilespmem:v16+s11+$0x0], $0xffff;
	v12 =	vor.u32 v61, v62;
	[tilespmem:s28+$0x8430] =	vst v24  }
0x2cb: {  	v39 =	vand.u32 $0x7F, v56;
	v12 =	vor.u32 v3, v12;
	v24 =	vor.u32 v37, v25;
	v22 =	vld.idx.msk [tilespmem:v22+s11+$0x0], $0xffff;
	[tilespmem:s26+$0x8430] =	vst v11  }
0x2cc: {  	v42 =	vshll.u32 v34, $0x3;
	v8 =	vor.u32 v39, v8;
	v24 =	vor.u32 v20, v24;
	v9 =	vld.idx.msk [tilespmem:v9+s11+$0x0], $0xffff  }
0x2cd: {  	v55 =	vshll.u32 v45, $0x3;
	v56 =	vand.u32 $0x7F, v44;
	v8 =	vor.u32 v18, v8  }
0x2ce: {  	v43 =	vshll.u32 v63, $0x3;
	v23 =	vand.u32 $0xFFFFFC00, v42;
	v26 =	vand.u32 $0xFFFFFC00, v33  }
0x2cf: {  	v6 =	vld.idx.msk [tilespmem:v6+s11+$0x0], $0xffff;
	v47 =	vand.u32 $0x7F, v34;
	v23 =	vadd.s32 v19, v23;
	v41 =	vadd.s32 v4, v26;
	[tilespmem:s23+$0x8440] =	vst v16  }
0x2d0: {  	v13 =	vand.u32 $0x7F, v15;
	v15 =	vand.u32 $0xFFFFFC00, v52;
	v12 =	vld.idx.msk [tilespmem:v12+s11+$0x0], $0xffff;
	v11 =	vor.u32 v40, v41;
	[tilespmem:s28+$0x8440] =	vst v22  }
0x2d1: {  	v49 =	vand.u32 $0x7F, v35;
	v11 =	vor.u32 v3, v11;
	v22 =	vor.u32 v47, v23;
	v24 =	vld.idx.msk [tilespmem:v24+s11+$0x0], $0xffff;
	[tilespmem:s26+$0x8440] =	vst v9  }
0x2d2: {  	v50 =	vand.u32 $0x7F, v63;
	v7 =	vor.u32 v49, v7;
	v22 =	vor.u32 v20, v22;
	v8 =	vld.idx.msk [tilespmem:v8+s11+$0x0], $0xffff  }
0x2d3: {  	[tilespmem:s22+$0x8450] =	vst v14;
	v5 =	vadd.s32 v5, v15;
	v7 =	vor.u32 v18, v7;
	v25 =	vand.u32 $0xFFFFFC00, v43  }
0x2d4: {  	v1 =	vld.idx.msk [tilespmem:v1+s11+$0x0], $0xffff;
	[tilespmem:s24+$0x8450] =	vst v6;
	v52 =	vshll.u32 v44, $0x3;
	v5 =	vor.u32 v13, v5;
	v51 =	vadd.s32 v4, v25  }
0x2d5: {  	v59 =	vld.idx.msk [tilespmem:v21+s11+$0x0], $0xffff;
	v54 =	vand.u32 $0xFFFFFC00, v52;
	v60 =	vor.u32 v2, v5;
	v4 =	vor.u32 v50, v51;
	[tilespmem:s23+$0x8450] =	vst v12  }
0x2d6: {  	v53 =	vor.u32 v3, v4;
	v4 =	vadd.s32 v19, v54;
	v11 =	vld.idx.msk [tilespmem:v11+s11+$0x0], $0xffff;
	v9 =	vand.u32 $0xFFFFFC00, v55;
	[tilespmem:s28+$0x8450] =	vst v24  }
0x2d7: {  	v58 =	vand.u32 $0x7F, v45;
	v4 =	vor.u32 v56, v4;
	v9 =	vadd.s32 v17, v9;
	v57 =	vld.idx.msk [tilespmem:v22+s11+$0x0], $0xffff;
	[tilespmem:s26+$0x8450] =	vst v8  }
0x2d8: {  	v4 =	vor.u32 v20, v4;
	v61 =	vor.u32 v58, v9;
	v7 =	vld.idx.msk [tilespmem:v7+s11+$0x0], $0xffff  }
0x2d9: {  	[tilespmem:s22+$0x8460] =	vst v1;
	v5 =	vor.u32 v18, v61  }
0x2da: {  	v0 =	vld.idx.msk [tilespmem:v0+s11+$0x0], $0xffff;
	[tilespmem:s24+$0x8460] =	vst v59  }
0x2db: {  	v2 =	vld.idx.msk [tilespmem:v60+s11+$0x0], $0xffff;
	[tilespmem:s23+$0x8460] =	vst v11  }
0x2dc: {  	v3 =	vld.idx.msk [tilespmem:v53+s11+$0x0], $0xffff;
	[tilespmem:s28+$0x8460] =	vst v57  }
0x2dd: {  	v62 =	vld.idx.msk [tilespmem:v4+s11+$0x0], $0xffff;
	[tilespmem:s26+$0x8460] =	vst v7  }
0x2de: {  	[tilespmem:s21+$0x8470] =	vst v10;
	v63 =	vld.idx.msk [tilespmem:v5+s11+$0x0], $0xffff  }
0x2df: {  	[tilespmem:s22+$0x8470] =	vst v0  }
0x2e0: {  	[tilespmem:s24+$0x8470] =	vst v2  }
0x2e1: {  	[tilespmem:s23+$0x8470] =	vst v3  }
0x2e2: {  	[tilespmem:s28+$0x8470] =	vst v62  }
0x2e3: {  	[tilespmem:s26+$0x8470] =	vst v63  }
0x2e4: {  	s20 =	sadd.s32 $0x1, s20;
	_ =	swait.ge [sflag:s13], $0x1000  }
0x2e5: {  	p0 =	sne.s32 s20, s9;
	[sflag:s13] =	ssyncset.done $0x0  }
.Ltmp2:
0x2e6: {  	[sflag:s13] =	ssyncadd.s32 $0xFFFFF000;
	(pc) =	sbr.rel @p0 .LBB2_1-.Ltmp2, $4  }
0x2e7: {  	[hbm4b:s8+s2] =	stream.linear.scatter [tilespmem:s18], [sflag:$0x5], $0x1000, $0x38;
	[tilespmem:$0x9000] =	vst v63  }
0x2e8: {  	_ =	swait.ge [sflag:s19], $0x1000  }
0x2e9: {  	[sflag:s19] =	ssyncset.done $0x0  }
0x2ea: {  	[sflag:s19] =	ssyncadd.s32 $0xFFFFF000  }
0x2eb: {  	_ =	sfence.sel $0x180000  }
0x2ec: {  	[bflag:$0x0] =	sbarrier.arrive $0xFFFF  }
0x2ed: {  	_ =	strace $0x90000047  }
0x2ee: {  	s0 =	stileid.u32;
	[bflag:$0x2] =	sbarrier.arrive $0xFFFF  }
0x2ef: {  	p0 =	sne.s32 s0, $0x0;
	s0 =	rddreg [dreg:$0x3]  }
0x2f0: {  	s0 =	sadd.s32 @!p0 $0x100000, s0  }
0x2f1: {  	[sflag:s0] =	ssyncadd.tile.s32 @!p0 $0x1;
	_ =	shalt  }
.Lfunc_end2:
_tile_overlayer_lowered:
.L_overlay_start_2:
0x2f2: {  	(tag) =	ssettag $0x2  }
0x2f3: {  	s0 =	rddreg [dreg:$0x0];
	s2 =	stileid.u32  }
0x2f4: {  	s1 =	rddreg [dreg:$0x1];
	p0 =	sne.s32 s2, $0x0  }
0x2f5: {  	s3 =	rddreg [dreg:$0x2];
	[bflag:$0x3] =	sbarrier.arrive $0xFFFF;
	s2 =	simm.s32 @!p0 $0x1C05  }
0x2f6: {  	[timem:s3], [sflag:s2] =	dma.local @!p0 [hbm:s0], s1  }
0x2f7: {  	s0 =	simm.s32 @!p0 $0x5  }
0x2f8: {  	_ =	swait.ge @!p0 [sflag:s0], s1  }
0x2f9: {  	s1 =	ssub.s32 @!p0 $0x0, s1;
	[sflag:s0] =	ssyncset.done @!p0 $0x0  }
0x2fa: {  	[sflag:s0] =	ssyncadd.s32 @!p0 s1  }
0x2fb: {  	[bflag:$0x3] =	sbarrier.arrive $0xFFFF  }
0x2fc: {  	_ =	shalt  }

// kernel: kernel.9.cloned.1.call-start
scs
__scs_entry_jumppad:
0x0: {  	(pc) =	sbr.rel $0x88, $3  }
0x1: {  	(tag) =	ssettag $0x0;
	lr =	simm.s32 $0x1  }
0x2: {  	[smem:$0x3F99] =	sst lr;
	_ =	strace $0xD0000000  }
0x3: {  	_ = 	snop  }
0x4: {  	_ = 	snop  }
0x5: {  	_ = 	snop  }
0x6: {  	_ = 	snop  }
0x7: {  	_ = 	snop  }
__scs_overlays_trampoline_lowered:
0x8: {  	[smem:$0x3FA8] =	sst s0  }
0x9: {  	[smem:$0x3FA9] =	sst s1  }
0xa: {  	[smem:$0x3FAA] =	sst s2  }
0xb: {  	[smem:$0x3FAB] =	sst s3  }
0xc: {  	[smem:$0x3FAC] =	sst s4  }
0xd: {  	[smem:$0x3FAD] =	sst s5  }
0xe: {  	[smem:$0x3FAE] =	sst s6  }
0xf: {  	[smem:$0x3FAF] =	sst s7  }
0x10: {  	[smem:$0x3FB0] =	sst s8  }
0x11: {  	[smem:$0x3FB1] =	sst s9;
	s0 =	simm.s32 @!p0 $0x0  }
0x12: {  	s1 =	sld [smem:$0x3F97];
	s0 =	simm.s32 @p0 $0x1  }
0x13: {  	[smem:$0x3FB2] =	sst s0;
	s0 =	simm.s32 @!p1 $0x0  }
0x14: {  	s2 =	sld [smem:$0x3F96];
	s0 =	simm.s32 @p1 $0x1  }
0x15: {  	[smem:$0x3FB3] =	sst s0;
	s0 =	simm.s32 @!p2 $0x0  }
0x16: {  	s3 =	sld [smem:$0x3FDB];
	s0 =	simm.s32 @p2 $0x1  }
0x17: {  	s4 =	simm.s32 $0x1BF5;
	[smem:$0x3FB5] =	sst s0  }
0x18: {  	s0 =	sld [smem:$0x3F98];
	_ =	swait.ge [sflag:s4], $0x0  }
0x19: {  	s7 =	sld [smem:$0x3F99]  }
0x1a: {  	s8 =	sadd.s32 $0xFFFFE003, lr  }
0x1b: {  	s9 =	sadd.s32 $0xFFFFFEF7, lr;
	s5 =	simm.s32 $0xFFFFFFFF;
	p2 =	slt.u32 s8, $0xFFFFF086  }
0x1c: {  	p1 =	slt.u32 s9, $0xF7A;
	s5 =	simm.s32 @!p2 $0x0  }
0x1d: {  	s5 =	simm.s32 @p1 $0x1;
	p0 =	seq.s32 s7, s2  }
0x1e: {  	s7 =	smul.u32 @!p0 $0xF7A, s2;
	p2 =	seq.s32 @!p0 s5, $0x0  }
0x1f: {  	s9 =	smul.u32 $0xF7A, s1;
	s8 =	simm.s32 @!p0 $0x1BF5;
	p2 =	por !p2, p0  }
0x20: {  	[sflag:s8] =	ssyncset.s32 @!p0 $0xFFFFF086;
	s6 =	sadd.s32 @!p0 s3, s7;
	s7 =	simm.s32 @!p0 $0x108  }
0x21: {  	s3 =	sadd.s32 s3, s9;
	s6 =	sadd.s32 @!p0 $0x88, s6;
	s7 =	simm.s32 @p2 $0x1082  }
0x22: {  	[simem:s7], [sflag:s8] =	dma.local @!p0 [hbm:s6], $0xF7A  }
0x23: {  	s9 =	sor.u32 $0xD0000000, s2;
	s6 =	simm.s32 $0x108;
	_ =	swait.ge @!p0 [sflag:s8], $0x0  }
0x24: {  	s3 =	sadd.s32 $0x88, s3;
	s6 =	simm.s32 @!p1 $0x1082;
	[sflag:s4] =	ssyncset.s32 $0xFFFFF086  }
0x25: {  	[simem:s6], [sflag:s4] =	dma.local [hbm:s3], $0xF7A  }
0x26: {  	[smem:$0x3F99] =	sst s1;
	(tag) =	ssettag s2;
	_ =	strace s9  }
0x27: {  	s1 =	sld [smem:$0x3FA9]  }
0x28: {  	s2 =	sld [smem:$0x3FAA]  }
0x29: {  	s4 =	sld [smem:$0x3FAC]  }
0x2a: {  	p0 =	seq.s32 s5, $0x0;
	s5 =	sld [smem:$0x3FAD]  }
0x2b: {  	s6 =	sld [smem:$0x3FAE]  }
0x2c: {  	s7 =	sld [smem:$0x3FAF]  }
0x2d: {  	s3 =	simm.s32 $0x108;
	s8 =	sld [smem:$0x3FB0]  }
0x2e: {  	s3 =	simm.s32 @!p0 $0x1082;
	s9 =	sld [smem:$0x3FB1]  }
0x2f: {  	lr =	sadd.s32 s0, s3;
	s0 =	sld [smem:$0x3FA8]  }
0x30: {  	s3 =	sld [smem:$0x3FAB]  }
0x31: {  	[smem:$0x3FB4] =	sst s10  }
0x32: {  	s10 =	sld [smem:$0x3FB2];
	_ =	sdelay $0x3  }
0x33: {  	p0 =	seq.s32 s10, $0x1;
	s10 =	sld [smem:$0x3FB4];
	_ =	sdelay $0x3  }
0x34: {  	[smem:$0x3FB4] =	sst s10  }
0x35: {  	s10 =	sld [smem:$0x3FB3];
	_ =	sdelay $0x3  }
0x36: {  	p1 =	seq.s32 s10, $0x1;
	s10 =	sld [smem:$0x3FB4];
	_ =	sdelay $0x3  }
0x37: {  	[smem:$0x3FB4] =	sst s10  }
0x38: {  	s10 =	sld [smem:$0x3FB5]  }
0x39: {  	_ = 	snop;
	(pc) =	sbr.ind lr, $3  }
0x3a: {  	_ = 	snop  }
0x3b: {  	_ = 	snop  }
0x3c: {  	p2 =	seq.s32 s10, $0x1;
	s10 =	sld [smem:$0x3FB4]  }
0x3d: {  	_ =	shalt  }
0x3e: {  	_ =	shalt  }
0x3f: {  	_ =	shalt  }
0x40: {  	_ =	shalt  }
0x41: {  	_ =	shalt  }
0x42: {  	_ =	shalt  }
0x43: {  	_ =	shalt  }
0x44: {  	_ =	shalt  }
0x45: {  	_ =	shalt  }
0x46: {  	_ =	shalt  }
0x47: {  	_ =	shalt  }
0x48: {  	_ =	shalt  }
0x49: {  	_ =	shalt  }
0x4a: {  	_ =	shalt  }
0x4b: {  	_ =	shalt  }
0x4c: {  	_ =	shalt  }
0x4d: {  	_ =	shalt  }
0x4e: {  	_ =	shalt  }
0x4f: {  	_ =	shalt  }
0x50: {  	_ =	shalt  }
0x51: {  	_ =	shalt  }
0x52: {  	_ =	shalt  }
0x53: {  	_ =	shalt  }
0x54: {  	_ =	shalt  }
0x55: {  	_ =	shalt  }
0x56: {  	_ =	shalt  }
0x57: {  	_ =	shalt  }
0x58: {  	_ =	shalt  }
0x59: {  	_ =	shalt  }
0x5a: {  	_ =	shalt  }
0x5b: {  	_ =	shalt  }
0x5c: {  	_ =	shalt  }
0x5d: {  	_ =	shalt  }
0x5e: {  	_ =	shalt  }
0x5f: {  	_ =	shalt  }
0x60: {  	_ =	shalt  }
0x61: {  	_ =	shalt  }
0x62: {  	_ =	shalt  }
0x63: {  	_ =	shalt  }
0x64: {  	_ =	shalt  }
0x65: {  	_ =	shalt  }
0x66: {  	_ =	shalt  }
0x67: {  	_ =	shalt  }
0x68: {  	_ =	shalt  }
0x69: {  	_ =	shalt  }
0x6a: {  	_ =	shalt  }
0x6b: {  	_ =	shalt  }
0x6c: {  	_ =	shalt  }
0x6d: {  	_ =	shalt  }
0x6e: {  	_ =	shalt  }
0x6f: {  	_ =	shalt  }
0x70: {  	_ =	shalt  }
0x71: {  	_ =	shalt  }
0x72: {  	_ =	shalt  }
0x73: {  	_ =	shalt  }
0x74: {  	_ =	shalt  }
0x75: {  	_ =	shalt  }
0x76: {  	_ =	shalt  }
0x77: {  	_ =	shalt  }
0x78: {  	_ =	shalt  }
0x79: {  	_ =	shalt  }
0x7a: {  	_ =	shalt  }
0x7b: {  	_ =	shalt  }
0x7c: {  	_ =	shalt  }
0x7d: {  	_ =	shalt  }
0x7e: {  	_ =	shalt  }
0x7f: {  	_ =	shalt  }
0x80: {  	_ =	shalt  }
0x81: {  	_ =	shalt  }
0x82: {  	_ =	shalt  }
0x83: {  	_ =	shalt  }
0x84: {  	_ =	shalt  }
0x85: {  	_ =	shalt  }
0x86: {  	_ =	shalt  }
0x87: {  	_ =	shalt  }
.Lfunc_end0:
.L_simem_size_0:
called_computation.1_lowered:
.L_overlay_start_0:
0x88: {  	s2 =	sld [smem:$0x3FD9]  }
0x89: {  	s3 =	sld [smem:$0x3FFE];
	_ =	sdelay $0x1  }
0x8a: {  	s1 =	srdreg.scid  }
0x8b: {  	s0 =	sand.u32 $0x1, s1  }
0x8c: {  	s17 =	sshll.u32 s0, $0xA;
	s2 =	sadd.s32 s3, s2  }
0x8d: {  	s2 =	sadd.s32 s2, s17  }
0x8e: {  	[smem:$0x3FC0] =	sst s2  }
0x8f: {  	_ = 	snop  }
0x90: {  	s2 =	sld [smem:$0x3FD0];
	(tm) =	ssettm $0x1  }
0x91: {  	s18 =	sld [smem:$0x3FFB];
	_ =	sdelay $0x3  }
0x92: {  	_ =	strace s18  }
0x93: {  	s3 =	sld [smem:$0x3FFC];
	_ =	sdelay $0x3  }
0x94: {  	_ =	strace s3  }
0x95: {  	s3 =	sld [smem:$0x3FFD];
	_ =	sdelay $0x3  }
0x96: {  	_ =	strace s3  }
0x97: {  	_ =	strace $0x8FFFFFFF  }
0x98: {  	s19 =	sld [smem:$0x3FDB];
	_ =	sdelay $0x1  }
0x99: {  	s4 =	simm.s32 $_scs_section_size  }
0x9a: {  	s5 =	simm.s32 $_size__tile_overlayer_lowered;
	s6 =	simm.s32 $_tile_overlayer_lowered  }
0x9b: {  	s22 =	simm.s32 $0x1BFF;
	s21 =	sshll.u32 s6, $0x1;
	s3 =	sadd.s32 s4, s19  }
0x9c: {  	s7 =	simm.s32 $0x0;
	s20 =	sshll.u32 s5, $0x1;
	s5 =	sadd.s32 s21, s3  }
0x9d: {  	[timem:s7], [sflag:s22] =	dma.local [hbm:s5], s20  }
0x9e: {  	_ =	swait.ge [sflag:s22], s20  }
0x9f: {  	s4 =	ssub.s32 $0x0, s20;
	[sflag:s22] =	ssyncset.done $0x0  }
0xa0: {  	[sflag:s22] =	ssyncadd.s32 s4;
	_ =	sdelay $0x1  }
0xa1: {  	s23 =	simm.s32 $0x1B8B  }
0xa2: {  	_ =	swait.ge [sflag:s23], $0x1  }
0xa3: {  	[sflag:s23] =	ssyncset.done $0x0  }
0xa4: {  	s25 =	simm.s32 $0x1B8E;
	s24 =	sld [smem:$0x3FFE];
	[sflag:s23] =	ssyncadd.s32 $0xFFFFFFFF  }
0xa5: {  	s26 =	simm.s32 $execute0_lowered;
	[smem:$0x3FD2] =	sst s25  }
0xa6: {  	s5 =	sshll.u32 s26, $0x1;
	_ =	strace $0x80000049;
	[dreg:$0x1] =	wrdreg $0xFFFFFFFF  }
0xa7: {  	s28 =	simm.s32 $_size_execute0_lowered;
	s3 =	sadd.s32 s3, s5;
	[dreg:$0x0] =	wrdreg $0x0  }
0xa8: {  	s5 =	sshll.u32 s28, $0x1;
	[dreg:$0x2] =	wrdreg s3  }
0xa9: {  	[dreg:$0x3] =	wrdreg s5  }
0xaa: {  	[dreg:$0x4] =	wrdreg $0xC0  }
0xab: {  	_ =	task [dreg:s7], $0x5FFFF  }
0xac: {  	[dreg:$0x1] =	wrdreg $0xFFFFFFFF  }
0xad: {  	[dreg:$0x0] =	wrdreg $0x60  }
0xae: {  	[dreg:$0x2] =	wrdreg s24  }
0xaf: {  	[dreg:$0x3] =	wrdreg s2  }
0xb0: {  	[dreg:$0x4] =	wrdreg $0x9  }
0xb1: {  	_ =	task.clear_ibuf [dreg:s7], $0x5FFFF;
	_ =	strace $0x90000049  }
0xb2: {  	s29 =	simm.s32 $0x9;
	_ =	strace $0x8000004B  }
0xb3: {  	_ =	swait.ge [sflag:s29], $0x1  }
0xb4: {  	[sflag:s29] =	ssyncadd.s32 $0xFFFFFFFF  }
0xb5: {  	_ =	strace $0x9000004B  }
0xb6: {  	_ =	sfence  }
0xb7: {  	s30 =	sld [smem:$0x0];
	_ =	sdelay $0x2  }
0xb8: {  	s31 =	sshll.u32 s1, $0xD;
	s1 =	sshrl.u32 s1, $0x2  }
0xb9: {  	s3 =	sand.u32 $0x4000, s31;
	s1 =	sadd.s32 s1, s30  }
0xba: {  	s0 =	sor.u32 s3, s0;
	s1 =	sshll.u32 s1, $0x11  }
0xbb: {  	s0 =	sor.u32 s1, s0  }
0xbc: {  	s0 =	sadd.s32 $0x8F2B, s0  }
0xbd: {  	[sflag:s0] =	ssyncadd.remote.s32 $0x1  }
0xbe: {  	_ =	sfence.sel $0xFFFF  }
0xbf: {  	[dreg:$0x0] =	wrdreg $0xFFFFFFFF;
	(pc) =	sbr.abs _section_cstart, $3  }
0xc0: {  	[dreg:$0x1] =	wrdreg $0xFFFFFFFF  }
0xc1: {  	_ =	task.clear_ibuf [dreg:s7], $0x2FFFF;
	_ =	strace $0x9FFFFFFF  }
0xc2: {  	(tm) =	ssettm $0x7FFFFFFF  }
0xc3: {  	_ =	shalt  }
tec
execute0_lowered:
.L_overlay_start_1:
0x0: {  	(tag) =	ssettag $0x1  }
0x1: {  	s1 =	srdreg.scid  }
0x2: {  	s5 =	rddreg [dreg:$0x0];
	s0 =	stileid.u32;
	s14 =	sand.u32 $0x1, s1  }
0x3: {  	s15 =	rddreg [dreg:$0x1];
	s3 =	sshll.u32 s0, $0x7;
	s4 =	sshll.u32 s14, $0x6  }
0x4: {  	s2 =	simm.s32 $0x0;
	s1 =	rddreg [dreg:$0x2];
	s16 =	sor.u32 s4, s3  }
0x5: {  	[smem:$0x7FF] =	sst s2;
	s3 =	sadd.s32 s16, s5  }
0x6: {  	_ =	strace $0x8000004A;
	s4 =	sadd.s32 $0x2200, s3;
	s3 =	simm.s32 $0x2  }
0x7: {  	[tilespmem:s2], [sflag:$0x2] =	stream.linear.gather [hbm4b:s4+s2], $0x200, $0x38;
	[tilespmem:$0x400] =	vst v63  }
0x8: {  	_ =	swait.ge [sflag:s3], $0x200  }
0x9: {  	s6 =	simm.s32 $0x80;
	[sflag:s3] =	ssyncset.done $0x0  }
0xa: {  	s7 =	simm.s32 $0x200;
	s5 =	sadd.s32 $0x12200, s5;
	[sflag:s3] =	ssyncadd.s32 $0xFFFFFE00  }
0xb: {  	[tilespmem:s7], [sflag:$0x1] =	stream.indirect.gather [hbm4b:s5+s6], $0x1, s2, s6, $0xb8;
	[tilespmem:$0x400] =	vst v63  }
0xc: {  	s8 =	simm.s32 $0x280  }
0xd: {  	[tilespmem:s8], [sflag:$0x1] =	stream.indirect.gather [hbm4b:s5+s6], $0x1, s6, s6, $0xb8;
	[tilespmem:$0x400] =	vst v63  }
0xe: {  	s9 =	simm.s32 $0x100;
	s10 =	simm.s32 $0x300  }
0xf: {  	[tilespmem:s10], [sflag:$0x1] =	stream.indirect.gather [hbm4b:s5+s6], $0x1, s9, s6, $0xb8;
	[tilespmem:$0x400] =	vst v63  }
0x10: {  	s11 =	simm.s32 $0x180;
	s12 =	simm.s32 $0x380;
	s13 =	simm.s32 $0x1  }
0x11: {  	[tilespmem:s12], [sflag:$0x1] =	stream.indirect.gather [hbm4b:s5+s6], $0x1, s11, s6, $0xb8;
	[tilespmem:$0x400] =	vst v63  }
0x12: {  	_ =	swait.ge [sflag:s13], $0x80  }
0x13: {  	[sflag:s13] =	ssyncset.done $0x0  }
0x14: {  	[sflag:s13] =	ssyncadd.s32 $0xFFFFFF80  }
0x15: {  	_ =	swait.ge [sflag:s13], $0x80  }
0x16: {  	[sflag:s13] =	ssyncset.done $0x0  }
0x17: {  	s14 =	ssub.s32 $0x2, s14;
	[sflag:s13] =	ssyncadd.s32 $0xFFFFFF80  }
0x18: {  	s17 =	sshrl.u32 s14, $0x1;
	_ =	swait.ge [sflag:s13], $0x80  }
0x19: {  	s17 =	ssub.s32 s14, s17;
	[sflag:s13] =	ssyncset.done $0x0  }
0x1a: {  	s31 =	smax.u32 s17, $0x1;
	[sflag:s13] =	ssyncadd.s32 $0xFFFFFF80  }
0x1b: {  	p0 =	sne.s32 s31, $0x1;
	_ =	swait.ge [sflag:s13], $0x80  }
.Ltmp0:
0x1c: {  	[sflag:s13] =	ssyncset.done $0x0;
	(pc) =	sbr.rel @!p0 .LBB2_2-.Ltmp0, $4  }
0x1d: {  	s14 =	sadd.s32 s15, s16;
	[sflag:s13] =	ssyncadd.s32 $0xFFFFFF80  }
0x1e: {  	[hbm4b:s14+s2] =	stream.linear.scatter [tilespmem:s7], [sflag:$0x2], $0x200, $0x38;
	[tilespmem:$0x400] =	vst v63  }
0x1f: {  	_ =	swait.ge [sflag:s3], $0x200  }
0x20: {  	s15 =	sadd.s32 $0xFFFFFFFF, s31;
	[sflag:s3] =	ssyncset.done $0x0  }
.LBB2_1:
0x21: {  	p0 =	sne.s32 s15, $0x1;
	s15 =	sadd.s32 $0xFFFFFFFF, s15;
	[sflag:s3] =	ssyncadd.s32 $0xFFFFFE00  }
0x22: {  	[tilespmem:s2], [sflag:$0x2] =	stream.linear.gather [hbm4b:s4+s2], $0x200, $0x38;
	[tilespmem:$0x400] =	vst v63  }
0x23: {  	_ =	swait.ge [sflag:s3], $0x200  }
0x24: {  	[sflag:s3] =	ssyncset.done $0x0  }
0x25: {  	[sflag:s3] =	ssyncadd.s32 $0xFFFFFE00  }
0x26: {  	[tilespmem:s7], [sflag:$0x1] =	stream.indirect.gather [hbm4b:s5+s6], $0x1, s2, s6, $0xb8;
	[tilespmem:$0x400] =	vst v63  }
0x27: {  	_ = 	snop  }
0x28: {  	[tilespmem:s8], [sflag:$0x1] =	stream.indirect.gather [hbm4b:s5+s6], $0x1, s6, s6, $0xb8;
	[tilespmem:$0x400] =	vst v63  }
0x29: {  	_ = 	snop  }
0x2a: {  	[tilespmem:s10], [sflag:$0x1] =	stream.indirect.gather [hbm4b:s5+s6], $0x1, s9, s6, $0xb8;
	[tilespmem:$0x400] =	vst v63  }
0x2b: {  	_ = 	snop  }
0x2c: {  	[tilespmem:s12], [sflag:$0x1] =	stream.indirect.gather [hbm4b:s5+s6], $0x1, s11, s6, $0xb8;
	[tilespmem:$0x400] =	vst v63  }
0x2d: {  	_ =	swait.ge [sflag:s13], $0x80  }
0x2e: {  	[sflag:s13] =	ssyncset.done $0x0  }
0x2f: {  	[sflag:s13] =	ssyncadd.s32 $0xFFFFFF80  }
0x30: {  	_ =	swait.ge [sflag:s13], $0x80  }
0x31: {  	[sflag:s13] =	ssyncset.done $0x0  }
0x32: {  	[sflag:s13] =	ssyncadd.s32 $0xFFFFFF80  }
0x33: {  	_ =	swait.ge [sflag:s13], $0x80  }
0x34: {  	[sflag:s13] =	ssyncset.done $0x0  }
0x35: {  	[sflag:s13] =	ssyncadd.s32 $0xFFFFFF80  }
0x36: {  	_ =	swait.ge [sflag:s13], $0x80  }
.Ltmp1:
0x37: {  	[sflag:s13] =	ssyncset.done $0x0;
	(pc) =	sbr.rel @p0 .LBB2_1-.Ltmp1, $4  }
0x38: {  	[sflag:s13] =	ssyncadd.s32 $0xFFFFFF80  }
0x39: {  	[hbm4b:s14+s2] =	stream.linear.scatter [tilespmem:s7], [sflag:$0x2], $0x200, $0x38;
	[tilespmem:$0x400] =	vst v63  }
0x3a: {  	_ =	swait.ge [sflag:s3], $0x200  }
0x3b: {  	[sflag:s3] =	ssyncset.done $0x0  }
.LBB2_2:
0x3c: {  	[sflag:s3] =	ssyncadd.s32 $0xFFFFFE00  }
0x3d: {  	_ =	sfence.sel $0x180000  }
0x3e: {  	[bflag:$0x0] =	sbarrier.arrive $0xFFFF  }
0x3f: {  	p0 =	sne.s32 s0, $0x0;
	_ =	strace $0x9000004A  }
0x40: {  	s0 =	sadd.s32 @!p0 $0x100000, s1;
	[bflag:$0x2] =	sbarrier.arrive $0xFFFF  }
0x41: {  	[sflag:s0] =	ssyncadd.tile.s32 @!p0 $0x1;
	_ =	shalt  }
.Lfunc_end2:
_tile_overlayer_lowered:
.L_overlay_start_2:
0x42: {  	(tag) =	ssettag $0x2  }
0x43: {  	s0 =	rddreg [dreg:$0x0];
	s2 =	stileid.u32  }
0x44: {  	s1 =	rddreg [dreg:$0x1];
	p0 =	sne.s32 s2, $0x0  }
0x45: {  	s3 =	rddreg [dreg:$0x2];
	[bflag:$0x3] =	sbarrier.arrive $0xFFFF;
	s2 =	simm.s32 @!p0 $0x1C02  }
0x46: {  	[timem:s3], [sflag:s2] =	dma.local @!p0 [hbm:s0], s1  }
0x47: {  	s0 =	simm.s32 @!p0 $0x2  }
0x48: {  	_ =	swait.ge @!p0 [sflag:s0], s1  }
0x49: {  	s1 =	ssub.s32 @!p0 $0x0, s1;
	[sflag:s0] =	ssyncset.done @!p0 $0x0  }
0x4a: {  	[sflag:s0] =	ssyncadd.s32 @!p0 s1  }
0x4b: {  	[bflag:$0x3] =	sbarrier.arrive $0xFFFF  }
0x4c: {  	_ =	shalt  }

</sc_bundles>
